<compile_context>
chip_gen: v7x
topology: tpu7x:2x2x1
jax: 0.10.2.dev20260603
libtpu: 0.0.44.dev20260713+nightly
codegen_flags: <defaults>
</compile_context>

<pallas_src>
import jax
import jax.numpy as jnp
from jax import lax
from jax.experimental import pallas as pl
from jax.experimental.pallas import tpu as pltpu
from jax.experimental.pallas import tpu_sc as plsc

N = 10000
E = 320000
D = 128
H = 128
C = 64

NC = 2
NS = 16
NW = NC * NS
HH = H // NC

CHUNK_D = 80
NCH_DEG = (E // NW) // CHUNK_D
CHUNK = 80
NCH_CONV = (E // NS) // CHUNK

NP = 10240
RPS = NP // NS
ZROWS = 128

BM = 400


def _sc_mesh():
    return plsc.VectorSubcoreMesh(core_axis_name="c", subcore_axis_name="s")


def _sc_degree_body(dst_hbm, out_hbm, idx_v, ones_v, zbuf, acc_sh, sem):
    c = lax.axis_index("c")
    s = lax.axis_index("s")
    wid = c * NS + s

    def fill_ones(i, carry):
        ones_v[i, :] = jnp.full((16,), 1.0, jnp.float32)
        return carry

    lax.fori_loop(0, CHUNK_D, fill_ones, 0)

    def fill_zero(i, carry):
        zbuf[i, :] = jnp.zeros((16,), jnp.float32)
        return carry

    lax.fori_loop(0, ZROWS, fill_zero, 0)

    for b in range(RPS // ZROWS):
        pltpu.sync_copy(zbuf, acc_sh.at[pl.ds(s * RPS + b * ZROWS, ZROWS)])
    plsc.subcore_barrier()

    pltpu.sync_copy(dst_hbm.at[wid], idx_v)

    def step(i, carry):
        pltpu.sync_copy(ones_v, acc_sh.at[idx_v.at[i]], add=True)
        return carry

    lax.fori_loop(0, NCH_DEG, step, 0)
    plsc.subcore_barrier()

    for b in range(RPS // ZROWS):
        base = s * RPS + b * ZROWS
        pltpu.sync_copy(acc_sh.at[pl.ds(base, ZROWS)], zbuf)
        pltpu.sync_copy(zbuf, out_hbm.at[c, pl.ds(base, ZROWS)])


def _sc_degree(dst_deg):
    return pl.kernel(
        _sc_degree_body,
        out_type=jax.ShapeDtypeStruct((NC, NP, 16), jnp.float32),
        mesh=_sc_mesh(),
        scratch_types=[
            pltpu.VMEM((NCH_DEG, CHUNK_D), jnp.int32),
            pltpu.VMEM((CHUNK_D, 16), jnp.float32),
            pltpu.VMEM((ZROWS, 16), jnp.float32),
            pltpu.VMEM_SHARED((NP, 16), jnp.float32),
            pltpu.SemaphoreType.DMA,
        ],
    )(dst_deg)


def _sc_conv_body(g_hbm, src_hbm, dst_hbm, out_hbm, sidx_v, didx_v, rows0_v,
                  rows1_v, zbuf, acc_sh, sem0, sem1):
    c = lax.axis_index("c")
    s = lax.axis_index("s")

    def fill_zero(i, carry):
        for l in range(HH // 16):
            zbuf[i, pl.ds(l * 16, 16)] = jnp.zeros((16,), jnp.float32)
        return carry

    lax.fori_loop(0, ZROWS, fill_zero, 0)

    for b in range(RPS // ZROWS):
        pltpu.sync_copy(zbuf, acc_sh.at[pl.ds(s * RPS + b * ZROWS, ZROWS)])
    plsc.subcore_barrier()

    pltpu.sync_copy(src_hbm.at[s], sidx_v)
    pltpu.sync_copy(dst_hbm.at[s], didx_v)

    g_c = g_hbm.at[c]

    pltpu.async_copy(g_c.at[sidx_v.at[0]], rows0_v, sem0)

    def pair(p, carry):
        i = 2 * p
        pltpu.make_async_copy(g_c.at[sidx_v.at[i]], rows0_v, sem0).wait()
        pltpu.async_copy(g_c.at[sidx_v.at[i + 1]], rows1_v, sem1)
        pltpu.sync_copy(rows0_v, acc_sh.at[didx_v.at[i]], add=True)

        pltpu.make_async_copy(g_c.at[sidx_v.at[i + 1]], rows1_v, sem1).wait()

        @pl.when(p < NCH_CONV // 2 - 1)
        def _():
            pltpu.async_copy(g_c.at[sidx_v.at[i + 2]], rows0_v, sem0)

        pltpu.sync_copy(rows1_v, acc_sh.at[didx_v.at[i + 1]], add=True)
        return carry

    lax.fori_loop(0, NCH_CONV // 2, pair, 0)
    plsc.subcore_barrier()

    for b in range(RPS // ZROWS):
        base = s * RPS + b * ZROWS
        pltpu.sync_copy(acc_sh.at[pl.ds(base, ZROWS)], zbuf)
        pltpu.sync_copy(zbuf, out_hbm.at[c, pl.ds(base, ZROWS)])


def _sc_conv(g, src3, dst3):
    return pl.kernel(
        _sc_conv_body,
        out_type=jax.ShapeDtypeStruct((NC, NP, HH), jnp.float32),
        mesh=_sc_mesh(),
        compiler_params=pltpu.CompilerParams(use_tc_tiling_on_sc=False),
        scratch_types=[
            pltpu.VMEM((NCH_CONV, CHUNK), jnp.int32),
            pltpu.VMEM((NCH_CONV, CHUNK), jnp.int32),
            pltpu.VMEM((CHUNK, HH), jnp.float32),
            pltpu.VMEM((CHUNK, HH), jnp.float32),
            pltpu.VMEM((ZROWS, HH), jnp.float32),
            pltpu.VMEM_SHARED((NP, HH), jnp.float32),
            pltpu.SemaphoreType.DMA,
            pltpu.SemaphoreType.DMA,
        ],
    )(g, src3, dst3)


def _tc_a_body(x_ref, w_ref, degp_ref, h_ref, g_ref, dinv_ref):
    h = jnp.dot(x_ref[...], w_ref[...], preferred_element_type=jnp.float32)
    dsum = degp_ref[0] + degp_ref[1]
    deg = jnp.sum(dsum, axis=1, keepdims=True) * (1.0 / 16.0) + 1.0
    dinv = 1.0 / jnp.sqrt(deg)
    g = h * dinv
    h_ref[...] = h
    g_ref[0, :, :] = g[:, :HH]
    g_ref[1, :, :] = g[:, HH:]
    dinv_ref[...] = dinv


def _tc_stage_a(x, W1, degp):
    return pl.pallas_call(
        _tc_a_body,
        grid=(N // BM,),
        in_specs=[
            pl.BlockSpec((BM, D), lambda i: (i, 0)),
            pl.BlockSpec((D, H), lambda i: (0, 0)),
            pl.BlockSpec((NC, BM, 16), lambda i: (0, i, 0)),
        ],
        out_specs=[
            pl.BlockSpec((BM, H), lambda i: (i, 0)),
            pl.BlockSpec((NC, BM, HH), lambda i: (0, i, 0)),
            pl.BlockSpec((BM, 1), lambda i: (i, 0)),
        ],
        out_shape=[
            jax.ShapeDtypeStruct((N, H), jnp.float32),
            jax.ShapeDtypeStruct((NC, N, HH), jnp.float32),
            jax.ShapeDtypeStruct((N, 1), jnp.float32),
        ],
    )(x, W1, degp)


def _b3(t):
    t2 = t * t
    t3 = t2 * t
    p0 = t3 * (1.0 / 6.0)
    p1 = (-3.0 * t3 + 12.0 * t2 - 12.0 * t + 4.0) * (1.0 / 6.0)
    p2 = (3.0 * t3 - 24.0 * t2 + 60.0 * t - 44.0) * (1.0 / 6.0)
    q = 4.0 - t
    p3 = q * q * q * (1.0 / 6.0)
    z = jnp.zeros_like(t)
    r = jnp.where((t >= 0.0) & (t < 1.0), p0, z)
    r = r + jnp.where((t >= 1.0) & (t < 2.0), p1, z)
    r = r + jnp.where((t >= 2.0) & (t < 3.0), p2, z)
    r = r + jnp.where((t >= 3.0) & (t < 4.0), p3, z)
    return r


def _tc_b_body(a_ref, h1_ref, dinv_ref, b1_ref, bw_ref, s_ref, w2_ref,
               h2_ref, g2_ref):
    dinv = dinv_ref[...]
    acc = jnp.concatenate([a_ref[0], a_ref[1]], axis=1)
    m = dinv * acc + (dinv * dinv) * h1_ref[...] + b1_ref[...]
    m = jnp.maximum(m, 0.0)
    sig = 1.0 / (1.0 + jnp.exp(-m))
    out = jnp.dot(m * sig, bw_ref[...], preferred_element_type=jnp.float32)
    u = m * 2.5 + 5.5
    for j in range(8):
        bj = _b3(u - jnp.float32(j))
        out = out + jnp.dot(bj, s_ref[j], preferred_element_type=jnp.float32)
    h2 = jnp.dot(out, w2_ref[...], preferred_element_type=jnp.float32)
    g2 = h2 * dinv
    h2_ref[...] = h2
    g2_ref[0, :, :] = g2[:, :HH]
    g2_ref[1, :, :] = g2[:, HH:]


def _tc_stage_b(acc1, h1, dinv, b1r, base_wT, S, W2):
    return pl.pallas_call(
        _tc_b_body,
        grid=(N // BM,),
        in_specs=[
            pl.BlockSpec((NC, BM, HH), lambda i: (0, i, 0)),
            pl.BlockSpec((BM, H), lambda i: (i, 0)),
            pl.BlockSpec((BM, 1), lambda i: (i, 0)),
            pl.BlockSpec((1, H), lambda i: (0, 0)),
            pl.BlockSpec((H, H), lambda i: (0, 0)),
            pl.BlockSpec((8, H, H), lambda i: (0, 0, 0)),
            pl.BlockSpec((H, H), lambda i: (0, 0)),
        ],
        out_specs=[
            pl.BlockSpec((BM, H), lambda i: (i, 0)),
            pl.BlockSpec((NC, BM, HH), lambda i: (0, i, 0)),
        ],
        out_shape=[
            jax.ShapeDtypeStruct((N, H), jnp.float32),
            jax.ShapeDtypeStruct((NC, N, HH), jnp.float32),
        ],
    )(acc1, h1, dinv, b1r, base_wT, S, W2)


def _tc_c_body(a_ref, h2_ref, dinv_ref, b2_ref, fw_ref, fb_ref, o_ref):
    dinv = dinv_ref[...]
    acc = jnp.concatenate([a_ref[0], a_ref[1]], axis=1)
    m = dinv * acc + (dinv * dinv) * h2_ref[...] + b2_ref[...]
    m = jnp.maximum(m, 0.0)
    logits = jnp.dot(m, fw_ref[...], preferred_element_type=jnp.float32)
    logits = logits + fb_ref[...]
    mx = jnp.max(logits, axis=1, keepdims=True)
    sh = logits - mx
    lse = jnp.log(jnp.sum(jnp.exp(sh), axis=1, keepdims=True))
    o_ref[...] = sh - lse


def _tc_stage_c(acc2, h2, dinv, b2r, fc_w, fc_br):
    return pl.pallas_call(
        _tc_c_body,
        grid=(N // BM,),
        in_specs=[
            pl.BlockSpec((NC, BM, HH), lambda i: (0, i, 0)),
            pl.BlockSpec((BM, H), lambda i: (i, 0)),
            pl.BlockSpec((BM, 1), lambda i: (i, 0)),
            pl.BlockSpec((1, H), lambda i: (0, 0)),
            pl.BlockSpec((H, C), lambda i: (0, 0)),
            pl.BlockSpec((1, C), lambda i: (0, 0)),
        ],
        out_specs=pl.BlockSpec((BM, C), lambda i: (i, 0)),
        out_shape=jax.ShapeDtypeStruct((N, C), jnp.float32),
    )(acc2, h2, dinv, b2r, fc_w, fc_br)


def kernel(x, edge_index, W1, b1, base_w, spline_w, W2, b2, fc_w, fc_b):
    src = edge_index[0]
    dst = edge_index[1]
    dst_deg = dst.reshape(NW, NCH_DEG, CHUNK_D)
    dst3 = dst.reshape(NS, NCH_CONV, CHUNK)
    src3 = src.reshape(NS, NCH_CONV, CHUNK)

    degp = _sc_degree(dst_deg)
    h1, g1, dinv = _tc_stage_a(x, W1, degp)
    acc1 = _sc_conv(g1, src3, dst3)

    base_wT = base_w.T
    S = jnp.transpose(spline_w, (2, 1, 0))
    h2, g2 = _tc_stage_b(acc1, h1, dinv, b1.reshape(1, H), base_wT, S, W2)

    acc2 = _sc_conv(g2, src3, dst3)
    return _tc_stage_c(acc2, h2, dinv, b2.reshape(1, H), fc_w,
                       fc_b.reshape(1, C))

# --- scband reference (transcript-rebuilt; emitter-appended) ---
"""Pipeline reference for scband-gpsnetwork-74242804678932 (READ-ONLY COPY).

The authoritative reference and input builder live on the scoring server;
editing this copy changes nothing except your own understanding.
"""

import jax, jax.numpy as jnp
import numpy as np

N = 10000
E = 320000
D = 128
H = 128
C = 64
GRID = 5
K_ORDER = 3


def make_grid(in_features):
    h_step = 2.0 / GRID
    grid1d = jnp.arange(-K_ORDER, GRID + K_ORDER + 1, dtype=jnp.float32) * h_step - 1.0
    return jnp.tile(grid1d[None, :], (in_features, 1))


def b_splines(x, grid, k):
    # x: [B, in], grid: [in, GRID + 2k + 1] -> bases [B, in, GRID + k]
    x = x[..., None]
    bases = ((x >= grid[:, :-1]) & (x < grid[:, 1:])).astype(jnp.float32)
    for j in range(1, k + 1):
        left = (x - grid[:, :-(j + 1)]) / (grid[:, j:-1] - grid[:, :-(j + 1)])
        right = (grid[:, j + 1:] - x) / (grid[:, j + 1:] - grid[:, 1:-j])
        bases = left * bases[..., :-1] + right * bases[..., 1:]
    return bases


def gcn_conv(x, edge_index, W, b, num_nodes):
    src, dst = edge_index[0], edge_index[1]
    loop = jnp.arange(num_nodes, dtype=src.dtype)
    src = jnp.concatenate([src, loop])
    dst = jnp.concatenate([dst, loop])
    deg = jnp.zeros((num_nodes,), dtype=jnp.float32).at[dst].add(1.0)
    dinv = jnp.where(deg > 0, 1.0 / jnp.sqrt(deg), 0.0)
    norm = dinv[src] * dinv[dst]
    h = x @ W
    msg = h[src] * norm[:, None]
    out = jnp.zeros((num_nodes, W.shape[1]), dtype=jnp.float32).at[dst].add(msg)
    return out + b


def kan_layer(x, base_w, spline_w):
    # base_w: [out, in]; spline_w: [out, in, GRID+K_ORDER]
    grid = make_grid(x.shape[1])
    base = jax.nn.silu(x) @ base_w.T
    bases = b_splines(x, grid, K_ORDER)  # [B, in, GRID+K]
    spline = bases.reshape(x.shape[0], -1) @ spline_w.reshape(spline_w.shape[0], -1).T
    return base + spline


def setup_inputs(seed: int = 0):
    key = jax.random.key(seed)
    ks = jax.random.split(key, 10)
    x = jax.random.normal(ks[0], (N, D), dtype=jnp.float32)
    edge_index = jax.random.randint(ks[1], (2, E), 0, N, dtype=jnp.int32)
    W1 = jax.random.normal(ks[2], (D, H), dtype=jnp.float32) / np.sqrt(D)
    b1 = jnp.zeros((H,), dtype=jnp.float32)
    base_w = jax.random.normal(ks[3], (H, H), dtype=jnp.float32) / np.sqrt(H)
    spline_w = jax.random.normal(ks[4], (H, H, GRID + K_ORDER), dtype=jnp.float32) * 0.1
    W2 = jax.random.normal(ks[5], (H, H), dtype=jnp.float32) / np.sqrt(H)
    b2 = jnp.zeros((H,), dtype=jnp.float32)
    fc_w = jax.random.normal(ks[6], (H, C), dtype=jnp.float32) / np.sqrt(H)
    fc_b = jnp.zeros((C,), dtype=jnp.float32)
    return {"x": x, "edge_index": edge_index, "W1": W1, "b1": b1,
            "base_w": base_w, "spline_w": spline_w, "W2": W2, "b2": b2,
            "fc_w": fc_w, "fc_b": fc_b}


def reference(x, edge_index, W1, b1, base_w, spline_w, W2, b2, fc_w, fc_b):
    h = gcn_conv(x, edge_index, W1, b1, N)
    h = jax.nn.relu(h)
    h = kan_layer(h, base_w, spline_w)
    h = gcn_conv(h, edge_index, W2, b2, N)
    h = jax.nn.relu(h)
    logits = h @ fc_w + fc_b
    return jax.nn.log_softmax(logits, axis=1)

if __name__ == "__main__":
    import jax
    _d = setup_inputs()
    print(jax.jit(kernel)(*tuple(_d.values())))

</pallas_src>

<mosaic_0001>
#map = affine_map<(d0, d1) -> (0, 0, 0)>
module attributes {stable_mosaic.version = 14 : i64} {
  func.func @_sc_conv_body(%arg0: i32, %arg1: i32, %arg2: memref<2x10000x64xf32, #tpu.memory_space<hbm>>, %arg3: memref<16x250x80xi32, #tpu.memory_space<hbm>>, %arg4: memref<16x250x80xi32, #tpu.memory_space<hbm>>, %arg5: memref<2x10240x64xf32, #tpu.memory_space<hbm>>, %arg6: memref<250x80xi32, #tpu.memory_space<vmem>>, %arg7: memref<250x80xi32, #tpu.memory_space<vmem>>, %arg8: memref<80x64xf32, #tpu.memory_space<vmem>>, %arg9: memref<80x64xf32, #tpu.memory_space<vmem>>, %arg10: memref<128x64xf32, #tpu.memory_space<vmem>>, %arg11: memref<10240x64xf32, #tpu.memory_space<vmem_shared>>, %arg12: memref<!tpu.dma_semaphore, #tpu.memory_space<semaphore_mem>>, %arg13: memref<!tpu.dma_semaphore, #tpu.memory_space<semaphore_mem>>) attributes {dimension_semantics = [#tpu.dimension_semantics<core_parallel>, #tpu.dimension_semantics<subcore_parallel>], iteration_bounds = array<i64: 2, 16>, scalar_prefetch = 0 : i64, scratch_operands = 8 : i64, tpu.core_type = #tpu.core_type<sc_vector_subcore>, window_params = [{transform_indices = #map}, {transform_indices = #map}, {transform_indices = #map}, {transform_indices = #map}]} {
    %scan3A = arith.constant 0 : i32
    %scan3A_0 = arith.constant 0 : i32
    %scan3A_1 = arith.constant 128 : i32
    %scan3A_2 = arith.addi %scan3A_0, %scan3A_1 : i32
    %scan3A_3 = arith.constant 1 : i32
    scf.for %scan3A_60 = %scan3A_0 to %scan3A_2 step %scan3A_3  : i32 {
      %broadcast_in_dim3A = arith.constant 0.000000e+00 : f32
      %broadcast_in_dim3A_61 = vector.broadcast %broadcast_in_dim3A : f32 to vector<16xf32>
      %swap3A = arith.index_cast %scan3A_60 : i32 to index
      %swap3A_62 = arith.constant 0 : index
      %swap3A_63 = tpu.vector_load %arg10[%swap3A, %swap3A_62] {strides = array<i32>} : memref<128x64xf32, #tpu.memory_space<vmem>>, vector<1x16xf32>,
      %swap3A_64 = vector.shape_cast %swap3A_63 : vector<1x16xf32> to vector<16xf32>
      %swap3A_65 = vector.shape_cast %broadcast_in_dim3A_61 : vector<16xf32> to vector<1x16xf32>
      tpu.vector_store %arg10[%swap3A, %swap3A_62], %swap3A_65 {strides = array<i32>} : memref<128x64xf32, #tpu.memory_space<vmem>>, vector<1x16xf32>,
      %broadcast_in_dim3A_66 = arith.constant 0.000000e+00 : f32
      %broadcast_in_dim3A_67 = vector.broadcast %broadcast_in_dim3A_66 : f32 to vector<16xf32>
      %swap3A_68 = arith.index_cast %scan3A_60 : i32 to index
      %swap3A_69 = arith.constant 16 : index
      %swap3A_70 = tpu.vector_load %arg10[%swap3A_68, %swap3A_69] {strides = array<i32>} : memref<128x64xf32, #tpu.memory_space<vmem>>, vector<1x16xf32>,
      %swap3A_71 = vector.shape_cast %swap3A_70 : vector<1x16xf32> to vector<16xf32>
      %swap3A_72 = vector.shape_cast %broadcast_in_dim3A_67 : vector<16xf32> to vector<1x16xf32>
      tpu.vector_store %arg10[%swap3A_68, %swap3A_69], %swap3A_72 {strides = array<i32>} : memref<128x64xf32, #tpu.memory_space<vmem>>, vector<1x16xf32>,
      %broadcast_in_dim3A_73 = arith.constant 0.000000e+00 : f32
      %broadcast_in_dim3A_74 = vector.broadcast %broadcast_in_dim3A_73 : f32 to vector<16xf32>
      %swap3A_75 = arith.index_cast %scan3A_60 : i32 to index
      %swap3A_76 = arith.constant 32 : index
      %swap3A_77 = tpu.vector_load %arg10[%swap3A_75, %swap3A_76] {strides = array<i32>} : memref<128x64xf32, #tpu.memory_space<vmem>>, vector<1x16xf32>,
      %swap3A_78 = vector.shape_cast %swap3A_77 : vector<1x16xf32> to vector<16xf32>
      %swap3A_79 = vector.shape_cast %broadcast_in_dim3A_74 : vector<16xf32> to vector<1x16xf32>
      tpu.vector_store %arg10[%swap3A_75, %swap3A_76], %swap3A_79 {strides = array<i32>} : memref<128x64xf32, #tpu.memory_space<vmem>>, vector<1x16xf32>,
      %broadcast_in_dim3A_80 = arith.constant 0.000000e+00 : f32
      %broadcast_in_dim3A_81 = vector.broadcast %broadcast_in_dim3A_80 : f32 to vector<16xf32>
      %swap3A_82 = arith.index_cast %scan3A_60 : i32 to index
      %swap3A_83 = arith.constant 48 : index
      %swap3A_84 = tpu.vector_load %arg10[%swap3A_82, %swap3A_83] {strides = array<i32>} : memref<128x64xf32, #tpu.memory_space<vmem>>, vector<1x16xf32>,
      %swap3A_85 = vector.shape_cast %swap3A_84 : vector<1x16xf32> to vector<16xf32>
      %swap3A_86 = vector.shape_cast %broadcast_in_dim3A_81 : vector<16xf32> to vector<1x16xf32>
      tpu.vector_store %arg10[%swap3A_82, %swap3A_83], %swap3A_86 {strides = array<i32>} : memref<128x64xf32, #tpu.memory_space<vmem>>, vector<1x16xf32>,
    }
    %scan3A_4 = arith.constant 128 : i32
    %mul3A = arith.constant 640 : i32
    %mul3A_5 = arith.muli %arg1, %mul3A : i32
    %add3A = arith.constant 0 : i32
    %add3A_6 = arith.addi %mul3A_5, %add3A : i32
    "tpu.region"() ({
      %run_scoped3A = tpu.sem_alloc : memref<!tpu.dma_semaphore, #tpu.memory_space<semaphore_mem>>
      %dma_start3A_60 = arith.constant 0 : i32
      %dma_start3A_61 = tpu.memref_slice %arg11[%add3A_6, %dma_start3A_60] : memref<10240x64xf32, #tpu.memory_space<vmem_shared>> -> memref<128x64xf32, #tpu.memory_space<vmem_shared>>
      %dma_start3A_62 = arith.constant 0 : i32
      %dma_start3A_63 = tpu.memref_slice %arg11[%add3A_6, %dma_start3A_62] : memref<10240x64xf32, #tpu.memory_space<vmem_shared>> -> memref<128x64xf32, #tpu.memory_space<vmem_shared>>
      tpu.enqueue_dma source(%arg10 : memref<128x64xf32, #tpu.memory_space<vmem>>) target(%dma_start3A_63 : memref<128x64xf32, #tpu.memory_space<vmem_shared>>) target_semaphore(%run_scoped3A : memref<!tpu.dma_semaphore, #tpu.memory_space<semaphore_mem>>)
      %dma_wait3A = arith.constant 0 : i32
      %dma_wait3A_64 = tpu.memref_slice %arg11[%add3A_6, %dma_wait3A] : memref<10240x64xf32, #tpu.memory_space<vmem_shared>> -> memref<128x64xf32, #tpu.memory_space<vmem_shared>>
      %dma_wait3A_65 = arith.constant 0 : i32
      %dma_wait3A_66 = tpu.memref_slice %arg11[%add3A_6, %dma_wait3A_65] : memref<10240x64xf32, #tpu.memory_space<vmem_shared>> -> memref<128x64xf32, #tpu.memory_space<vmem_shared>>
      tpu.wait_dma2 semaphore(%run_scoped3A : memref<!tpu.dma_semaphore, #tpu.memory_space<semaphore_mem>>) src(%arg10 : memref<128x64xf32, #tpu.memory_space<vmem>>) dst(%dma_wait3A_66 : memref<128x64xf32, #tpu.memory_space<vmem_shared>>)
      tpu.yield
    }) : () -> ()
    %mul3A_7 = arith.constant 640 : i32
    %mul3A_8 = arith.muli %arg1, %mul3A_7 : i32
    %add3A_9 = arith.constant 128 : i32
    %add3A_10 = arith.addi %mul3A_8, %add3A_9 : i32
    "tpu.region"() ({
      %run_scoped3A = tpu.sem_alloc : memref<!tpu.dma_semaphore, #tpu.memory_space<semaphore_mem>>
      %dma_start3A_60 = arith.constant 0 : i32
      %dma_start3A_61 = tpu.memref_slice %arg11[%add3A_10, %dma_start3A_60] : memref<10240x64xf32, #tpu.memory_space<vmem_shared>> -> memref<128x64xf32, #tpu.memory_space<vmem_shared>>
      %dma_start3A_62 = arith.constant 0 : i32
      %dma_start3A_63 = tpu.memref_slice %arg11[%add3A_10, %dma_start3A_62] : memref<10240x64xf32, #tpu.memory_space<vmem_shared>> -> memref<128x64xf32, #tpu.memory_space<vmem_shared>>
      tpu.enqueue_dma source(%arg10 : memref<128x64xf32, #tpu.memory_space<vmem>>) target(%dma_start3A_63 : memref<128x64xf32, #tpu.memory_space<vmem_shared>>) target_semaphore(%run_scoped3A : memref<!tpu.dma_semaphore, #tpu.memory_space<semaphore_mem>>)
      %dma_wait3A = arith.constant 0 : i32
      %dma_wait3A_64 = tpu.memref_slice %arg11[%add3A_10, %dma_wait3A] : memref<10240x64xf32, #tpu.memory_space<vmem_shared>> -> memref<128x64xf32, #tpu.memory_space<vmem_shared>>
      %dma_wait3A_65 = arith.constant 0 : i32
      %dma_wait3A_66 = tpu.memref_slice %arg11[%add3A_10, %dma_wait3A_65] : memref<10240x64xf32, #tpu.memory_space<vmem_shared>> -> memref<128x64xf32, #tpu.memory_space<vmem_shared>>
      tpu.wait_dma2 semaphore(%run_scoped3A : memref<!tpu.dma_semaphore, #tpu.memory_space<semaphore_mem>>) src(%arg10 : memref<128x64xf32, #tpu.memory_space<vmem>>) dst(%dma_wait3A_66 : memref<128x64xf32, #tpu.memory_space<vmem_shared>>)
      tpu.yield
    }) : () -> ()
    %mul3A_11 = arith.constant 640 : i32
    %mul3A_12 = arith.muli %arg1, %mul3A_11 : i32
    %add3A_13 = arith.constant 256 : i32
    %add3A_14 = arith.addi %mul3A_12, %add3A_13 : i32
    "tpu.region"() ({
      %run_scoped3A = tpu.sem_alloc : memref<!tpu.dma_semaphore, #tpu.memory_space<semaphore_mem>>
      %dma_start3A_60 = arith.constant 0 : i32
      %dma_start3A_61 = tpu.memref_slice %arg11[%add3A_14, %dma_start3A_60] : memref<10240x64xf32, #tpu.memory_space<vmem_shared>> -> memref<128x64xf32, #tpu.memory_space<vmem_shared>>
      %dma_start3A_62 = arith.constant 0 : i32
      %dma_start3A_63 = tpu.memref_slice %arg11[%add3A_14, %dma_start3A_62] : memref<10240x64xf32, #tpu.memory_space<vmem_shared>> -> memref<128x64xf32, #tpu.memory_space<vmem_shared>>
      tpu.enqueue_dma source(%arg10 : memref<128x64xf32, #tpu.memory_space<vmem>>) target(%dma_start3A_63 : memref<128x64xf32, #tpu.memory_space<vmem_shared>>) target_semaphore(%run_scoped3A : memref<!tpu.dma_semaphore, #tpu.memory_space<semaphore_mem>>)
      %dma_wait3A = arith.constant 0 : i32
      %dma_wait3A_64 = tpu.memref_slice %arg11[%add3A_14, %dma_wait3A] : memref<10240x64xf32, #tpu.memory_space<vmem_shared>> -> memref<128x64xf32, #tpu.memory_space<vmem_shared>>
      %dma_wait3A_65 = arith.constant 0 : i32
      %dma_wait3A_66 = tpu.memref_slice %arg11[%add3A_14, %dma_wait3A_65] : memref<10240x64xf32, #tpu.memory_space<vmem_shared>> -> memref<128x64xf32, #tpu.memory_space<vmem_shared>>
      tpu.wait_dma2 semaphore(%run_scoped3A : memref<!tpu.dma_semaphore, #tpu.memory_space<semaphore_mem>>) src(%arg10 : memref<128x64xf32, #tpu.memory_space<vmem>>) dst(%dma_wait3A_66 : memref<128x64xf32, #tpu.memory_space<vmem_shared>>)
      tpu.yield
    }) : () -> ()
    %mul3A_15 = arith.constant 640 : i32
    %mul3A_16 = arith.muli %arg1, %mul3A_15 : i32
    %add3A_17 = arith.constant 384 : i32
    %add3A_18 = arith.addi %mul3A_16, %add3A_17 : i32
    "tpu.region"() ({
      %run_scoped3A = tpu.sem_alloc : memref<!tpu.dma_semaphore, #tpu.memory_space<semaphore_mem>>
      %dma_start3A_60 = arith.constant 0 : i32
      %dma_start3A_61 = tpu.memref_slice %arg11[%add3A_18, %dma_start3A_60] : memref<10240x64xf32, #tpu.memory_space<vmem_shared>> -> memref<128x64xf32, #tpu.memory_space<vmem_shared>>
      %dma_start3A_62 = arith.constant 0 : i32
      %dma_start3A_63 = tpu.memref_slice %arg11[%add3A_18, %dma_start3A_62] : memref<10240x64xf32, #tpu.memory_space<vmem_shared>> -> memref<128x64xf32, #tpu.memory_space<vmem_shared>>
      tpu.enqueue_dma source(%arg10 : memref<128x64xf32, #tpu.memory_space<vmem>>) target(%dma_start3A_63 : memref<128x64xf32, #tpu.memory_space<vmem_shared>>) target_semaphore(%run_scoped3A : memref<!tpu.dma_semaphore, #tpu.memory_space<semaphore_mem>>)
      %dma_wait3A = arith.constant 0 : i32
      %dma_wait3A_64 = tpu.memref_slice %arg11[%add3A_18, %dma_wait3A] : memref<10240x64xf32, #tpu.memory_space<vmem_shared>> -> memref<128x64xf32, #tpu.memory_space<vmem_shared>>
      %dma_wait3A_65 = arith.constant 0 : i32
      %dma_wait3A_66 = tpu.memref_slice %arg11[%add3A_18, %dma_wait3A_65] : memref<10240x64xf32, #tpu.memory_space<vmem_shared>> -> memref<128x64xf32, #tpu.memory_space<vmem_shared>>
      tpu.wait_dma2 semaphore(%run_scoped3A : memref<!tpu.dma_semaphore, #tpu.memory_space<semaphore_mem>>) src(%arg10 : memref<128x64xf32, #tpu.memory_space<vmem>>) dst(%dma_wait3A_66 : memref<128x64xf32, #tpu.memory_space<vmem_shared>>)
      tpu.yield
    }) : () -> ()
    %mul3A_19 = arith.constant 640 : i32
    %mul3A_20 = arith.muli %arg1, %mul3A_19 : i32
    %add3A_21 = arith.constant 512 : i32
    %add3A_22 = arith.addi %mul3A_20, %add3A_21 : i32
    "tpu.region"() ({
      %run_scoped3A = tpu.sem_alloc : memref<!tpu.dma_semaphore, #tpu.memory_space<semaphore_mem>>
      %dma_start3A_60 = arith.constant 0 : i32
      %dma_start3A_61 = tpu.memref_slice %arg11[%add3A_22, %dma_start3A_60] : memref<10240x64xf32, #tpu.memory_space<vmem_shared>> -> memref<128x64xf32, #tpu.memory_space<vmem_shared>>
      %dma_start3A_62 = arith.constant 0 : i32
      %dma_start3A_63 = tpu.memref_slice %arg11[%add3A_22, %dma_start3A_62] : memref<10240x64xf32, #tpu.memory_space<vmem_shared>> -> memref<128x64xf32, #tpu.memory_space<vmem_shared>>
      tpu.enqueue_dma source(%arg10 : memref<128x64xf32, #tpu.memory_space<vmem>>) target(%dma_start3A_63 : memref<128x64xf32, #tpu.memory_space<vmem_shared>>) target_semaphore(%run_scoped3A : memref<!tpu.dma_semaphore, #tpu.memory_space<semaphore_mem>>)
      %dma_wait3A = arith.constant 0 : i32
      %dma_wait3A_64 = tpu.memref_slice %arg11[%add3A_22, %dma_wait3A] : memref<10240x64xf32, #tpu.memory_space<vmem_shared>> -> memref<128x64xf32, #tpu.memory_space<vmem_shared>>
      %dma_wait3A_65 = arith.constant 0 : i32
      %dma_wait3A_66 = tpu.memref_slice %arg11[%add3A_22, %dma_wait3A_65] : memref<10240x64xf32, #tpu.memory_space<vmem_shared>> -> memref<128x64xf32, #tpu.memory_space<vmem_shared>>
      tpu.wait_dma2 semaphore(%run_scoped3A : memref<!tpu.dma_semaphore, #tpu.memory_space<semaphore_mem>>) src(%arg10 : memref<128x64xf32, #tpu.memory_space<vmem>>) dst(%dma_wait3A_66 : memref<128x64xf32, #tpu.memory_space<vmem_shared>>)
      tpu.yield
    }) : () -> ()
    %barrier3A = arith.constant 0 : index
    tpu.barrier barrier_id(%barrier3A)
    "tpu.region"() ({
      %run_scoped3A = tpu.sem_alloc : memref<!tpu.dma_semaphore, #tpu.memory_space<semaphore_mem>>
      %dma_start3A_60 = arith.constant 0 : i32
      %dma_start3A_61 = arith.constant 0 : i32
      %dma_start3A_62 = tpu.memref_slice %arg3[%arg1, %dma_start3A_60, %dma_start3A_61] : memref<16x250x80xi32, #tpu.memory_space<hbm>> -> memref<1x250x80xi32, #tpu.memory_space<hbm>>
      %dma_start3A_63 = tpu.memref_squeeze %dma_start3A_62 : memref<1x250x80xi32, #tpu.memory_space<hbm>> -> memref<250x80xi32, #tpu.memory_space<hbm>>
      %dma_start3A_64 = arith.constant 0 : i32
      %dma_start3A_65 = arith.constant 0 : i32
      %dma_start3A_66 = tpu.memref_slice %arg3[%arg1, %dma_start3A_64, %dma_start3A_65] : memref<16x250x80xi32, #tpu.memory_space<hbm>> -> memref<1x250x80xi32, #tpu.memory_space<hbm>>
      %dma_start3A_67 = tpu.memref_squeeze %dma_start3A_66 : memref<1x250x80xi32, #tpu.memory_space<hbm>> -> memref<250x80xi32, #tpu.memory_space<hbm>>
      tpu.enqueue_dma source(%dma_start3A_67 : memref<250x80xi32, #tpu.memory_space<hbm>>) target(%arg6 : memref<250x80xi32, #tpu.memory_space<vmem>>) target_semaphore(%run_scoped3A : memref<!tpu.dma_semaphore, #tpu.memory_space<semaphore_mem>>)
      %dma_wait3A = arith.constant 0 : i32
      %dma_wait3A_68 = arith.constant 0 : i32
      %dma_wait3A_69 = tpu.memref_slice %arg3[%arg1, %dma_wait3A, %dma_wait3A_68] : memref<16x250x80xi32, #tpu.memory_space<hbm>> -> memref<1x250x80xi32, #tpu.memory_space<hbm>>
      %dma_wait3A_70 = tpu.memref_squeeze %dma_wait3A_69 : memref<1x250x80xi32, #tpu.memory_space<hbm>> -> memref<250x80xi32, #tpu.memory_space<hbm>>
      %dma_wait3A_71 = arith.constant 0 : i32
      %dma_wait3A_72 = arith.constant 0 : i32
      %dma_wait3A_73 = tpu.memref_slice %arg3[%arg1, %dma_wait3A_71, %dma_wait3A_72] : memref<16x250x80xi32, #tpu.memory_space<hbm>> -> memref<1x250x80xi32, #tpu.memory_space<hbm>>
      %dma_wait3A_74 = tpu.memref_squeeze %dma_wait3A_73 : memref<1x250x80xi32, #tpu.memory_space<hbm>> -> memref<250x80xi32, #tpu.memory_space<hbm>>
      tpu.wait_dma2 semaphore(%run_scoped3A : memref<!tpu.dma_semaphore, #tpu.memory_space<semaphore_mem>>) src(%dma_wait3A_74 : memref<250x80xi32, #tpu.memory_space<hbm>>) dst(%arg6 : memref<250x80xi32, #tpu.memory_space<vmem>>)
      tpu.yield
    }) : () -> ()
    "tpu.region"() ({
      %run_scoped3A = tpu.sem_alloc : memref<!tpu.dma_semaphore, #tpu.memory_space<semaphore_mem>>
      %dma_start3A_60 = arith.constant 0 : i32
      %dma_start3A_61 = arith.constant 0 : i32
      %dma_start3A_62 = tpu.memref_slice %arg4[%arg1, %dma_start3A_60, %dma_start3A_61] : memref<16x250x80xi32, #tpu.memory_space<hbm>> -> memref<1x250x80xi32, #tpu.memory_space<hbm>>
      %dma_start3A_63 = tpu.memref_squeeze %dma_start3A_62 : memref<1x250x80xi32, #tpu.memory_space<hbm>> -> memref<250x80xi32, #tpu.memory_space<hbm>>
      %dma_start3A_64 = arith.constant 0 : i32
      %dma_start3A_65 = arith.constant 0 : i32
      %dma_start3A_66 = tpu.memref_slice %arg4[%arg1, %dma_start3A_64, %dma_start3A_65] : memref<16x250x80xi32, #tpu.memory_space<hbm>> -> memref<1x250x80xi32, #tpu.memory_space<hbm>>
      %dma_start3A_67 = tpu.memref_squeeze %dma_start3A_66 : memref<1x250x80xi32, #tpu.memory_space<hbm>> -> memref<250x80xi32, #tpu.memory_space<hbm>>
      tpu.enqueue_dma source(%dma_start3A_67 : memref<250x80xi32, #tpu.memory_space<hbm>>) target(%arg7 : memref<250x80xi32, #tpu.memory_space<vmem>>) target_semaphore(%run_scoped3A : memref<!tpu.dma_semaphore, #tpu.memory_space<semaphore_mem>>)
      %dma_wait3A = arith.constant 0 : i32
      %dma_wait3A_68 = arith.constant 0 : i32
      %dma_wait3A_69 = tpu.memref_slice %arg4[%arg1, %dma_wait3A, %dma_wait3A_68] : memref<16x250x80xi32, #tpu.memory_space<hbm>> -> memref<1x250x80xi32, #tpu.memory_space<hbm>>
      %dma_wait3A_70 = tpu.memref_squeeze %dma_wait3A_69 : memref<1x250x80xi32, #tpu.memory_space<hbm>> -> memref<250x80xi32, #tpu.memory_space<hbm>>
      %dma_wait3A_71 = arith.constant 0 : i32
      %dma_wait3A_72 = arith.constant 0 : i32
      %dma_wait3A_73 = tpu.memref_slice %arg4[%arg1, %dma_wait3A_71, %dma_wait3A_72] : memref<16x250x80xi32, #tpu.memory_space<hbm>> -> memref<1x250x80xi32, #tpu.memory_space<hbm>>
      %dma_wait3A_74 = tpu.memref_squeeze %dma_wait3A_73 : memref<1x250x80xi32, #tpu.memory_space<hbm>> -> memref<250x80xi32, #tpu.memory_space<hbm>>
      tpu.wait_dma2 semaphore(%run_scoped3A : memref<!tpu.dma_semaphore, #tpu.memory_space<semaphore_mem>>) src(%dma_wait3A_74 : memref<250x80xi32, #tpu.memory_space<hbm>>) dst(%arg7 : memref<250x80xi32, #tpu.memory_space<vmem>>)
      tpu.yield
    }) : () -> ()
    %dma_start3A = arith.constant 0 : i32
    %dma_start3A_23 = arith.constant 0 : i32
    %dma_start3A_24 = tpu.memref_slice %arg6[%dma_start3A, %dma_start3A_23] : memref<250x80xi32, #tpu.memory_space<vmem>> -> memref<1x80xi32, #tpu.memory_space<vmem>>
    %dma_start3A_25 = tpu.memref_squeeze %dma_start3A_24 : memref<1x80xi32, #tpu.memory_space<vmem>> -> memref<80xi32, #tpu.memory_space<vmem>>
    %dma_start3A_26 = arith.constant 0 : i32
    %dma_start3A_27 = arith.constant 0 : i32
    %dma_start3A_28 = tpu.memref_slice %arg2[%arg0, %dma_start3A_26, %dma_start3A_27] : memref<2x10000x64xf32, #tpu.memory_space<hbm>> -> memref<1x10000x64xf32, #tpu.memory_space<hbm>>
    %dma_start3A_29 = tpu.memref_squeeze %dma_start3A_28 : memref<1x10000x64xf32, #tpu.memory_space<hbm>> -> memref<10000x64xf32, #tpu.memory_space<hbm>>
    %dma_start3A_30 = arith.constant 0 : i32
    %dma_start3A_31 = arith.constant 0 : i32
    %dma_start3A_32 = tpu.memref_slice %dma_start3A_29[%dma_start3A_30, %dma_start3A_31] : memref<10000x64xf32, #tpu.memory_space<hbm>> -> memref<10000x64xf32, #tpu.memory_space<hbm>>
    tpu.enqueue_indirect_dma source(%dma_start3A_32 : memref<10000x64xf32, #tpu.memory_space<hbm>>) target(%arg8 : memref<80x64xf32, #tpu.memory_space<vmem>>) offsets(%dma_start3A_25 : memref<80xi32, #tpu.memory_space<vmem>>) semaphore(%arg12 : memref<!tpu.dma_semaphore, #tpu.memory_space<semaphore_mem>>)
    %scan3A_33 = arith.constant 0 : i32
    %scan3A_34 = arith.constant 0 : i32
    %scan3A_35 = arith.constant 125 : i32
    %scan3A_36 = arith.addi %scan3A_34, %scan3A_35 : i32
    %scan3A_37 = arith.constant 1 : i32
    scf.for %scan3A_60 = %scan3A_34 to %scan3A_36 step %scan3A_37  : i32 {
      %mul3A_61 = arith.constant 2 : i32
      %mul3A_62 = arith.muli %mul3A_61, %scan3A_60 : i32
      %dma_wait3A = arith.constant 0 : i32
      %dma_wait3A_63 = tpu.memref_slice %arg6[%mul3A_62, %dma_wait3A] : memref<250x80xi32, #tpu.memory_space<vmem>> -> memref<1x80xi32, #tpu.memory_space<vmem>>
      %dma_wait3A_64 = tpu.memref_squeeze %dma_wait3A_63 : memref<1x80xi32, #tpu.memory_space<vmem>> -> memref<80xi32, #tpu.memory_space<vmem>>
      %dma_wait3A_65 = arith.constant 0 : i32
      %dma_wait3A_66 = arith.constant 0 : i32
      %dma_wait3A_67 = tpu.memref_slice %arg2[%arg0, %dma_wait3A_65, %dma_wait3A_66] : memref<2x10000x64xf32, #tpu.memory_space<hbm>> -> memref<1x10000x64xf32, #tpu.memory_space<hbm>>
      %dma_wait3A_68 = tpu.memref_squeeze %dma_wait3A_67 : memref<1x10000x64xf32, #tpu.memory_space<hbm>> -> memref<10000x64xf32, #tpu.memory_space<hbm>>
      %dma_wait3A_69 = arith.constant 0 : i32
      %dma_wait3A_70 = arith.constant 0 : i32
      %dma_wait3A_71 = tpu.memref_slice %dma_wait3A_68[%dma_wait3A_69, %dma_wait3A_70] : memref<10000x64xf32, #tpu.memory_space<hbm>> -> memref<10000x64xf32, #tpu.memory_space<hbm>>
      tpu.wait_indirect_dma semaphore(%arg12 : memref<!tpu.dma_semaphore, #tpu.memory_space<semaphore_mem>>) src(%dma_wait3A_71 : memref<10000x64xf32, #tpu.memory_space<hbm>>) dst(%arg8 : memref<80x64xf32, #tpu.memory_space<vmem>>)
      %add3A_72 = arith.constant 1 : i32
      %add3A_73 = arith.addi %mul3A_62, %add3A_72 : i32
      %dma_start3A_74 = arith.constant 0 : i32
      %dma_start3A_75 = tpu.memref_slice %arg6[%add3A_73, %dma_start3A_74] : memref<250x80xi32, #tpu.memory_space<vmem>> -> memref<1x80xi32, #tpu.memory_space<vmem>>
      %dma_start3A_76 = tpu.memref_squeeze %dma_start3A_75 : memref<1x80xi32, #tpu.memory_space<vmem>> -> memref<80xi32, #tpu.memory_space<vmem>>
      %dma_start3A_77 = arith.constant 0 : i32
      %dma_start3A_78 = arith.constant 0 : i32
      %dma_start3A_79 = tpu.memref_slice %arg2[%arg0, %dma_start3A_77, %dma_start3A_78] : memref<2x10000x64xf32, #tpu.memory_space<hbm>> -> memref<1x10000x64xf32, #tpu.memory_space<hbm>>
      %dma_start3A_80 = tpu.memref_squeeze %dma_start3A_79 : memref<1x10000x64xf32, #tpu.memory_space<hbm>> -> memref<10000x64xf32, #tpu.memory_space<hbm>>
      %dma_start3A_81 = arith.constant 0 : i32
      %dma_start3A_82 = arith.constant 0 : i32
      %dma_start3A_83 = tpu.memref_slice %dma_start3A_80[%dma_start3A_81, %dma_start3A_82] : memref<10000x64xf32, #tpu.memory_space<hbm>> -> memref<10000x64xf32, #tpu.memory_space<hbm>>
      tpu.enqueue_indirect_dma source(%dma_start3A_83 : memref<10000x64xf32, #tpu.memory_space<hbm>>) target(%arg9 : memref<80x64xf32, #tpu.memory_space<vmem>>) offsets(%dma_start3A_76 : memref<80xi32, #tpu.memory_space<vmem>>) semaphore(%arg13 : memref<!tpu.dma_semaphore, #tpu.memory_space<semaphore_mem>>)
      "tpu.region"() ({
        %run_scoped3A = tpu.sem_alloc : memref<!tpu.dma_semaphore, #tpu.memory_space<semaphore_mem>>
        %dma_start3A_100 = arith.constant 0 : i32
        %dma_start3A_101 = tpu.memref_slice %arg7[%mul3A_62, %dma_start3A_100] : memref<250x80xi32, #tpu.memory_space<vmem>> -> memref<1x80xi32, #tpu.memory_space<vmem>>
        %dma_start3A_102 = tpu.memref_squeeze %dma_start3A_101 : memref<1x80xi32, #tpu.memory_space<vmem>> -> memref<80xi32, #tpu.memory_space<vmem>>
        %dma_start3A_103 = arith.constant 0 : i32
        %dma_start3A_104 = arith.constant 0 : i32
        %dma_start3A_105 = tpu.memref_slice %arg11[%dma_start3A_103, %dma_start3A_104] : memref<10240x64xf32, #tpu.memory_space<vmem_shared>> -> memref<10240x64xf32, #tpu.memory_space<vmem_shared>>
        tpu.enqueue_indirect_dma source(%arg8 : memref<80x64xf32, #tpu.memory_space<vmem>>) target(%dma_start3A_105 : memref<10240x64xf32, #tpu.memory_space<vmem_shared>>) offsets(%dma_start3A_102 : memref<80xi32, #tpu.memory_space<vmem>>) semaphore(%run_scoped3A : memref<!tpu.dma_semaphore, #tpu.memory_space<semaphore_mem>>) {add = true}
        %dma_wait3A_106 = arith.constant 0 : i32
        %dma_wait3A_107 = tpu.memref_slice %arg7[%mul3A_62, %dma_wait3A_106] : memref<250x80xi32, #tpu.memory_space<vmem>> -> memref<1x80xi32, #tpu.memory_space<vmem>>
        %dma_wait3A_108 = tpu.memref_squeeze %dma_wait3A_107 : memref<1x80xi32, #tpu.memory_space<vmem>> -> memref<80xi32, #tpu.memory_space<vmem>>
        %dma_wait3A_109 = arith.constant 0 : i32
        %dma_wait3A_110 = arith.constant 0 : i32
        %dma_wait3A_111 = tpu.memref_slice %arg11[%dma_wait3A_109, %dma_wait3A_110] : memref<10240x64xf32, #tpu.memory_space<vmem_shared>> -> memref<10240x64xf32, #tpu.memory_space<vmem_shared>>
        tpu.wait_indirect_dma semaphore(%run_scoped3A : memref<!tpu.dma_semaphore, #tpu.memory_space<semaphore_mem>>) src(%arg8 : memref<80x64xf32, #tpu.memory_space<vmem>>) dst(%dma_wait3A_111 : memref<10240x64xf32, #tpu.memory_space<vmem_shared>>)
        tpu.yield
      }) : () -> ()
      %add3A_84 = arith.constant 1 : i32
      %add3A_85 = arith.addi %mul3A_62, %add3A_84 : i32
      %dma_wait3A_86 = arith.constant 0 : i32
      %dma_wait3A_87 = tpu.memref_slice %arg6[%add3A_85, %dma_wait3A_86] : memref<250x80xi32, #tpu.memory_space<vmem>> -> memref<1x80xi32, #tpu.memory_space<vmem>>
      %dma_wait3A_88 = tpu.memref_squeeze %dma_wait3A_87 : memref<1x80xi32, #tpu.memory_space<vmem>> -> memref<80xi32, #tpu.memory_space<vmem>>
      %dma_wait3A_89 = arith.constant 0 : i32
      %dma_wait3A_90 = arith.constant 0 : i32
      %dma_wait3A_91 = tpu.memref_slice %arg2[%arg0, %dma_wait3A_89, %dma_wait3A_90] : memref<2x10000x64xf32, #tpu.memory_space<hbm>> -> memref<1x10000x64xf32, #tpu.memory_space<hbm>>
      %dma_wait3A_92 = tpu.memref_squeeze %dma_wait3A_91 : memref<1x10000x64xf32, #tpu.memory_space<hbm>> -> memref<10000x64xf32, #tpu.memory_space<hbm>>
      %dma_wait3A_93 = arith.constant 0 : i32
      %dma_wait3A_94 = arith.constant 0 : i32
      %dma_wait3A_95 = tpu.memref_slice %dma_wait3A_92[%dma_wait3A_93, %dma_wait3A_94] : memref<10000x64xf32, #tpu.memory_space<hbm>> -> memref<10000x64xf32, #tpu.memory_space<hbm>>
      tpu.wait_indirect_dma semaphore(%arg13 : memref<!tpu.dma_semaphore, #tpu.memory_space<semaphore_mem>>) src(%dma_wait3A_95 : memref<10000x64xf32, #tpu.memory_space<hbm>>) dst(%arg9 : memref<80x64xf32, #tpu.memory_space<vmem>>)
      %lt3A = arith.constant 124 : i32
      %lt3A_96 = arith.cmpi slt, %scan3A_60, %lt3A : i32
      %convert_element_type3A = arith.extui %lt3A_96 : i1 to i32
      %cond3A = arith.constant 0 : i32
      %cond3A_97 = arith.cmpi ne, %convert_element_type3A, %cond3A : i32
      scf.if %cond3A_97 {
        %add3A_100 = arith.constant 2 : i32
        %add3A_101 = arith.addi %mul3A_62, %add3A_100 : i32
        %dma_start3A_102 = arith.constant 0 : i32
        %dma_start3A_103 = tpu.memref_slice %arg6[%add3A_101, %dma_start3A_102] : memref<250x80xi32, #tpu.memory_space<vmem>> -> memref<1x80xi32, #tpu.memory_space<vmem>>
        %dma_start3A_104 = tpu.memref_squeeze %dma_start3A_103 : memref<1x80xi32, #tpu.memory_space<vmem>> -> memref<80xi32, #tpu.memory_space<vmem>>
        %dma_start3A_105 = arith.constant 0 : i32
        %dma_start3A_106 = arith.constant 0 : i32
        %dma_start3A_107 = tpu.memref_slice %arg2[%arg0, %dma_start3A_105, %dma_start3A_106] : memref<2x10000x64xf32, #tpu.memory_space<hbm>> -> memref<1x10000x64xf32, #tpu.memory_space<hbm>>
        %dma_start3A_108 = tpu.memref_squeeze %dma_start3A_107 : memref<1x10000x64xf32, #tpu.memory_space<hbm>> -> memref<10000x64xf32, #tpu.memory_space<hbm>>
        %dma_start3A_109 = arith.constant 0 : i32
        %dma_start3A_110 = arith.constant 0 : i32
        %dma_start3A_111 = tpu.memref_slice %dma_start3A_108[%dma_start3A_109, %dma_start3A_110] : memref<10000x64xf32, #tpu.memory_space<hbm>> -> memref<10000x64xf32, #tpu.memory_space<hbm>>
        tpu.enqueue_indirect_dma source(%dma_start3A_111 : memref<10000x64xf32, #tpu.memory_space<hbm>>) target(%arg8 : memref<80x64xf32, #tpu.memory_space<vmem>>) offsets(%dma_start3A_104 : memref<80xi32, #tpu.memory_space<vmem>>) semaphore(%arg12 : memref<!tpu.dma_semaphore, #tpu.memory_space<semaphore_mem>>)
      } else {
      }
      %add3A_98 = arith.constant 1 : i32
      %add3A_99 = arith.addi %mul3A_62, %add3A_98 : i32
      "tpu.region"() ({
        %run_scoped3A = tpu.sem_alloc : memref<!tpu.dma_semaphore, #tpu.memory_space<semaphore_mem>>
        %dma_start3A_100 = arith.constant 0 : i32
        %dma_start3A_101 = tpu.memref_slice %arg7[%add3A_99, %dma_start3A_100] : memref<250x80xi32, #tpu.memory_space<vmem>> -> memref<1x80xi32, #tpu.memory_space<vmem>>
        %dma_start3A_102 = tpu.memref_squeeze %dma_start3A_101 : memref<1x80xi32, #tpu.memory_space<vmem>> -> memref<80xi32, #tpu.memory_space<vmem>>
        %dma_start3A_103 = arith.constant 0 : i32
        %dma_start3A_104 = arith.constant 0 : i32
        %dma_start3A_105 = tpu.memref_slice %arg11[%dma_start3A_103, %dma_start3A_104] : memref<10240x64xf32, #tpu.memory_space<vmem_shared>> -> memref<10240x64xf32, #tpu.memory_space<vmem_shared>>
        tpu.enqueue_indirect_dma source(%arg9 : memref<80x64xf32, #tpu.memory_space<vmem>>) target(%dma_start3A_105 : memref<10240x64xf32, #tpu.memory_space<vmem_shared>>) offsets(%dma_start3A_102 : memref<80xi32, #tpu.memory_space<vmem>>) semaphore(%run_scoped3A : memref<!tpu.dma_semaphore, #tpu.memory_space<semaphore_mem>>) {add = true}
        %dma_wait3A_106 = arith.constant 0 : i32
        %dma_wait3A_107 = tpu.memref_slice %arg7[%add3A_99, %dma_wait3A_106] : memref<250x80xi32, #tpu.memory_space<vmem>> -> memref<1x80xi32, #tpu.memory_space<vmem>>
        %dma_wait3A_108 = tpu.memref_squeeze %dma_wait3A_107 : memref<1x80xi32, #tpu.memory_space<vmem>> -> memref<80xi32, #tpu.memory_space<vmem>>
        %dma_wait3A_109 = arith.constant 0 : i32
        %dma_wait3A_110 = arith.constant 0 : i32
        %dma_wait3A_111 = tpu.memref_slice %arg11[%dma_wait3A_109, %dma_wait3A_110] : memref<10240x64xf32, #tpu.memory_space<vmem_shared>> -> memref<10240x64xf32, #tpu.memory_space<vmem_shared>>
        tpu.wait_indirect_dma semaphore(%run_scoped3A : memref<!tpu.dma_semaphore, #tpu.memory_space<semaphore_mem>>) src(%arg9 : memref<80x64xf32, #tpu.memory_space<vmem>>) dst(%dma_wait3A_111 : memref<10240x64xf32, #tpu.memory_space<vmem_shared>>)
        tpu.yield
      }) : () -> ()
    }
    %scan3A_38 = arith.constant 125 : i32
    %barrier3A_39 = arith.constant 0 : index
    tpu.barrier barrier_id(%barrier3A_39)
    %mul3A_40 = arith.constant 640 : i32
    %mul3A_41 = arith.muli %arg1, %mul3A_40 : i32
    %add3A_42 = arith.constant 0 : i32
    %add3A_43 = arith.addi %mul3A_41, %add3A_42 : i32
    "tpu.region"() ({
      %run_scoped3A = tpu.sem_alloc : memref<!tpu.dma_semaphore, #tpu.memory_space<semaphore_mem>>
      %dma_start3A_60 = arith.constant 0 : i32
      %dma_start3A_61 = tpu.memref_slice %arg11[%add3A_43, %dma_start3A_60] : memref<10240x64xf32, #tpu.memory_space<vmem_shared>> -> memref<128x64xf32, #tpu.memory_space<vmem_shared>>
      %dma_start3A_62 = arith.constant 0 : i32
      %dma_start3A_63 = tpu.memref_slice %arg11[%add3A_43, %dma_start3A_62] : memref<10240x64xf32, #tpu.memory_space<vmem_shared>> -> memref<128x64xf32, #tpu.memory_space<vmem_shared>>
      tpu.enqueue_dma source(%dma_start3A_63 : memref<128x64xf32, #tpu.memory_space<vmem_shared>>) target(%arg10 : memref<128x64xf32, #tpu.memory_space<vmem>>) target_semaphore(%run_scoped3A : memref<!tpu.dma_semaphore, #tpu.memory_space<semaphore_mem>>)
      %dma_wait3A = arith.constant 0 : i32
      %dma_wait3A_64 = tpu.memref_slice %arg11[%add3A_43, %dma_wait3A] : memref<10240x64xf32, #tpu.memory_space<vmem_shared>> -> memref<128x64xf32, #tpu.memory_space<vmem_shared>>
      %dma_wait3A_65 = arith.constant 0 : i32
      %dma_wait3A_66 = tpu.memref_slice %arg11[%add3A_43, %dma_wait3A_65] : memref<10240x64xf32, #tpu.memory_space<vmem_shared>> -> memref<128x64xf32, #tpu.memory_space<vmem_shared>>
      tpu.wait_dma2 semaphore(%run_scoped3A : memref<!tpu.dma_semaphore, #tpu.memory_space<semaphore_mem>>) src(%dma_wait3A_66 : memref<128x64xf32, #tpu.memory_space<vmem_shared>>) dst(%arg10 : memref<128x64xf32, #tpu.memory_space<vmem>>)
      tpu.yield
    }) : () -> ()
    "tpu.region"() ({
      %run_scoped3A = tpu.sem_alloc : memref<!tpu.dma_semaphore, #tpu.memory_space<semaphore_mem>>
      %dma_start3A_60 = arith.constant 0 : i32
      %dma_start3A_61 = tpu.memref_slice %arg5[%arg0, %add3A_43, %dma_start3A_60] : memref<2x10240x64xf32, #tpu.memory_space<hbm>> -> memref<1x128x64xf32, #tpu.memory_space<hbm>>
      %dma_start3A_62 = tpu.memref_squeeze %dma_start3A_61 : memref<1x128x64xf32, #tpu.memory_space<hbm>> -> memref<128x64xf32, #tpu.memory_space<hbm>>
      %dma_start3A_63 = arith.constant 0 : i32
      %dma_start3A_64 = tpu.memref_slice %arg5[%arg0, %add3A_43, %dma_start3A_63] : memref<2x10240x64xf32, #tpu.memory_space<hbm>> -> memref<1x128x64xf32, #tpu.memory_space<hbm>>
      %dma_start3A_65 = tpu.memref_squeeze %dma_start3A_64 : memref<1x128x64xf32, #tpu.memory_space<hbm>> -> memref<128x64xf32, #tpu.memory_space<hbm>>
      tpu.enqueue_dma source(%arg10 : memref<128x64xf32, #tpu.memory_space<vmem>>) target(%dma_start3A_65 : memref<128x64xf32, #tpu.memory_space<hbm>>) target_semaphore(%run_scoped3A : memref<!tpu.dma_semaphore, #tpu.memory_space<semaphore_mem>>)
      %dma_wait3A = arith.constant 0 : i32
      %dma_wait3A_66 = tpu.memref_slice %arg5[%arg0, %add3A_43, %dma_wait3A] : memref<2x10240x64xf32, #tpu.memory_space<hbm>> -> memref<1x128x64xf32, #tpu.memory_space<hbm>>
      %dma_wait3A_67 = tpu.memref_squeeze %dma_wait3A_66 : memref<1x128x64xf32, #tpu.memory_space<hbm>> -> memref<128x64xf32, #tpu.memory_space<hbm>>
      %dma_wait3A_68 = arith.constant 0 : i32
      %dma_wait3A_69 = tpu.memref_slice %arg5[%arg0, %add3A_43, %dma_wait3A_68] : memref<2x10240x64xf32, #tpu.memory_space<hbm>> -> memref<1x128x64xf32, #tpu.memory_space<hbm>>
      %dma_wait3A_70 = tpu.memref_squeeze %dma_wait3A_69 : memref<1x128x64xf32, #tpu.memory_space<hbm>> -> memref<128x64xf32, #tpu.memory_space<hbm>>
      tpu.wait_dma2 semaphore(%run_scoped3A : memref<!tpu.dma_semaphore, #tpu.memory_space<semaphore_mem>>) src(%arg10 : memref<128x64xf32, #tpu.memory_space<vmem>>) dst(%dma_wait3A_70 : memref<128x64xf32, #tpu.memory_space<hbm>>)
      tpu.yield
    }) : () -> ()
    %mul3A_44 = arith.constant 640 : i32
    %mul3A_45 = arith.muli %arg1, %mul3A_44 : i32
    %add3A_46 = arith.constant 128 : i32
    %add3A_47 = arith.addi %mul3A_45, %add3A_46 : i32
    "tpu.region"() ({
      %run_scoped3A = tpu.sem_alloc : memref<!tpu.dma_semaphore, #tpu.memory_space<semaphore_mem>>
      %dma_start3A_60 = arith.constant 0 : i32
      %dma_start3A_61 = tpu.memref_slice %arg11[%add3A_47, %dma_start3A_60] : memref<10240x64xf32, #tpu.memory_space<vmem_shared>> -> memref<128x64xf32, #tpu.memory_space<vmem_shared>>
      %dma_start3A_62 = arith.constant 0 : i32
      %dma_start3A_63 = tpu.memref_slice %arg11[%add3A_47, %dma_start3A_62] : memref<10240x64xf32, #tpu.memory_space<vmem_shared>> -> memref<128x64xf32, #tpu.memory_space<vmem_shared>>
      tpu.enqueue_dma source(%dma_start3A_63 : memref<128x64xf32, #tpu.memory_space<vmem_shared>>) target(%arg10 : memref<128x64xf32, #tpu.memory_space<vmem>>) target_semaphore(%run_scoped3A : memref<!tpu.dma_semaphore, #tpu.memory_space<semaphore_mem>>)
      %dma_wait3A = arith.constant 0 : i32
      %dma_wait3A_64 = tpu.memref_slice %arg11[%add3A_47, %dma_wait3A] : memref<10240x64xf32, #tpu.memory_space<vmem_shared>> -> memref<128x64xf32, #tpu.memory_space<vmem_shared>>
      %dma_wait3A_65 = arith.constant 0 : i32
      %dma_wait3A_66 = tpu.memref_slice %arg11[%add3A_47, %dma_wait3A_65] : memref<10240x64xf32, #tpu.memory_space<vmem_shared>> -> memref<128x64xf32, #tpu.memory_space<vmem_shared>>
      tpu.wait_dma2 semaphore(%run_scoped3A : memref<!tpu.dma_semaphore, #tpu.memory_space<semaphore_mem>>) src(%dma_wait3A_66 : memref<128x64xf32, #tpu.memory_space<vmem_shared>>) dst(%arg10 : memref<128x64xf32, #tpu.memory_space<vmem>>)
      tpu.yield
    }) : () -> ()
    "tpu.region"() ({
      %run_scoped3A = tpu.sem_alloc : memref<!tpu.dma_semaphore, #tpu.memory_space<semaphore_mem>>
      %dma_start3A_60 = arith.constant 0 : i32
      %dma_start3A_61 = tpu.memref_slice %arg5[%arg0, %add3A_47, %dma_start3A_60] : memref<2x10240x64xf32, #tpu.memory_space<hbm>> -> memref<1x128x64xf32, #tpu.memory_space<hbm>>
      %dma_start3A_62 = tpu.memref_squeeze %dma_start3A_61 : memref<1x128x64xf32, #tpu.memory_space<hbm>> -> memref<128x64xf32, #tpu.memory_space<hbm>>
      %dma_start3A_63 = arith.constant 0 : i32
      %dma_start3A_64 = tpu.memref_slice %arg5[%arg0, %add3A_47, %dma_start3A_63] : memref<2x10240x64xf32, #tpu.memory_space<hbm>> -> memref<1x128x64xf32, #tpu.memory_space<hbm>>
      %dma_start3A_65 = tpu.memref_squeeze %dma_start3A_64 : memref<1x128x64xf32, #tpu.memory_space<hbm>> -> memref<128x64xf32, #tpu.memory_space<hbm>>
      tpu.enqueue_dma source(%arg10 : memref<128x64xf32, #tpu.memory_space<vmem>>) target(%dma_start3A_65 : memref<128x64xf32, #tpu.memory_space<hbm>>) target_semaphore(%run_scoped3A : memref<!tpu.dma_semaphore, #tpu.memory_space<semaphore_mem>>)
      %dma_wait3A = arith.constant 0 : i32
      %dma_wait3A_66 = tpu.memref_slice %arg5[%arg0, %add3A_47, %dma_wait3A] : memref<2x10240x64xf32, #tpu.memory_space<hbm>> -> memref<1x128x64xf32, #tpu.memory_space<hbm>>
      %dma_wait3A_67 = tpu.memref_squeeze %dma_wait3A_66 : memref<1x128x64xf32, #tpu.memory_space<hbm>> -> memref<128x64xf32, #tpu.memory_space<hbm>>
      %dma_wait3A_68 = arith.constant 0 : i32
      %dma_wait3A_69 = tpu.memref_slice %arg5[%arg0, %add3A_47, %dma_wait3A_68] : memref<2x10240x64xf32, #tpu.memory_space<hbm>> -> memref<1x128x64xf32, #tpu.memory_space<hbm>>
      %dma_wait3A_70 = tpu.memref_squeeze %dma_wait3A_69 : memref<1x128x64xf32, #tpu.memory_space<hbm>> -> memref<128x64xf32, #tpu.memory_space<hbm>>
      tpu.wait_dma2 semaphore(%run_scoped3A : memref<!tpu.dma_semaphore, #tpu.memory_space<semaphore_mem>>) src(%arg10 : memref<128x64xf32, #tpu.memory_space<vmem>>) dst(%dma_wait3A_70 : memref<128x64xf32, #tpu.memory_space<hbm>>)
      tpu.yield
    }) : () -> ()
    %mul3A_48 = arith.constant 640 : i32
    %mul3A_49 = arith.muli %arg1, %mul3A_48 : i32
    %add3A_50 = arith.constant 256 : i32
    %add3A_51 = arith.addi %mul3A_49, %add3A_50 : i32
    "tpu.region"() ({
      %run_scoped3A = tpu.sem_alloc : memref<!tpu.dma_semaphore, #tpu.memory_space<semaphore_mem>>
      %dma_start3A_60 = arith.constant 0 : i32
      %dma_start3A_61 = tpu.memref_slice %arg11[%add3A_51, %dma_start3A_60] : memref<10240x64xf32, #tpu.memory_space<vmem_shared>> -> memref<128x64xf32, #tpu.memory_space<vmem_shared>>
      %dma_start3A_62 = arith.constant 0 : i32
      %dma_start3A_63 = tpu.memref_slice %arg11[%add3A_51, %dma_start3A_62] : memref<10240x64xf32, #tpu.memory_space<vmem_shared>> -> memref<128x64xf32, #tpu.memory_space<vmem_shared>>
      tpu.enqueue_dma source(%dma_start3A_63 : memref<128x64xf32, #tpu.memory_space<vmem_shared>>) target(%arg10 : memref<128x64xf32, #tpu.memory_space<vmem>>) target_semaphore(%run_scoped3A : memref<!tpu.dma_semaphore, #tpu.memory_space<semaphore_mem>>)
      %dma_wait3A = arith.constant 0 : i32
      %dma_wait3A_64 = tpu.memref_slice %arg11[%add3A_51, %dma_wait3A] : memref<10240x64xf32, #tpu.memory_space<vmem_shared>> -> memref<128x64xf32, #tpu.memory_space<vmem_shared>>
      %dma_wait3A_65 = arith.constant 0 : i32
      %dma_wait3A_66 = tpu.memref_slice %arg11[%add3A_51, %dma_wait3A_65] : memref<10240x64xf32, #tpu.memory_space<vmem_shared>> -> memref<128x64xf32, #tpu.memory_space<vmem_shared>>
      tpu.wait_dma2 semaphore(%run_scoped3A : memref<!tpu.dma_semaphore, #tpu.memory_space<semaphore_mem>>) src(%dma_wait3A_66 : memref<128x64xf32, #tpu.memory_space<vmem_shared>>) dst(%arg10 : memref<128x64xf32, #tpu.memory_space<vmem>>)
      tpu.yield
    }) : () -> ()
    "tpu.region"() ({
      %run_scoped3A = tpu.sem_alloc : memref<!tpu.dma_semaphore, #tpu.memory_space<semaphore_mem>>
      %dma_start3A_60 = arith.constant 0 : i32
      %dma_start3A_61 = tpu.memref_slice %arg5[%arg0, %add3A_51, %dma_start3A_60] : memref<2x10240x64xf32, #tpu.memory_space<hbm>> -> memref<1x128x64xf32, #tpu.memory_space<hbm>>
      %dma_start3A_62 = tpu.memref_squeeze %dma_start3A_61 : memref<1x128x64xf32, #tpu.memory_space<hbm>> -> memref<128x64xf32, #tpu.memory_space<hbm>>
      %dma_start3A_63 = arith.constant 0 : i32
      %dma_start3A_64 = tpu.memref_slice %arg5[%arg0, %add3A_51, %dma_start3A_63] : memref<2x10240x64xf32, #tpu.memory_space<hbm>> -> memref<1x128x64xf32, #tpu.memory_space<hbm>>
      %dma_start3A_65 = tpu.memref_squeeze %dma_start3A_64 : memref<1x128x64xf32, #tpu.memory_space<hbm>> -> memref<128x64xf32, #tpu.memory_space<hbm>>
      tpu.enqueue_dma source(%arg10 : memref<128x64xf32, #tpu.memory_space<vmem>>) target(%dma_start3A_65 : memref<128x64xf32, #tpu.memory_space<hbm>>) target_semaphore(%run_scoped3A : memref<!tpu.dma_semaphore, #tpu.memory_space<semaphore_mem>>)
      %dma_wait3A = arith.constant 0 : i32
      %dma_wait3A_66 = tpu.memref_slice %arg5[%arg0, %add3A_51, %dma_wait3A] : memref<2x10240x64xf32, #tpu.memory_space<hbm>> -> memref<1x128x64xf32, #tpu.memory_space<hbm>>
      %dma_wait3A_67 = tpu.memref_squeeze %dma_wait3A_66 : memref<1x128x64xf32, #tpu.memory_space<hbm>> -> memref<128x64xf32, #tpu.memory_space<hbm>>
      %dma_wait3A_68 = arith.constant 0 : i32
      %dma_wait3A_69 = tpu.memref_slice %arg5[%arg0, %add3A_51, %dma_wait3A_68] : memref<2x10240x64xf32, #tpu.memory_space<hbm>> -> memref<1x128x64xf32, #tpu.memory_space<hbm>>
      %dma_wait3A_70 = tpu.memref_squeeze %dma_wait3A_69 : memref<1x128x64xf32, #tpu.memory_space<hbm>> -> memref<128x64xf32, #tpu.memory_space<hbm>>
      tpu.wait_dma2 semaphore(%run_scoped3A : memref<!tpu.dma_semaphore, #tpu.memory_space<semaphore_mem>>) src(%arg10 : memref<128x64xf32, #tpu.memory_space<vmem>>) dst(%dma_wait3A_70 : memref<128x64xf32, #tpu.memory_space<hbm>>)
      tpu.yield
    }) : () -> ()
    %mul3A_52 = arith.constant 640 : i32
    %mul3A_53 = arith.muli %arg1, %mul3A_52 : i32
    %add3A_54 = arith.constant 384 : i32
    %add3A_55 = arith.addi %mul3A_53, %add3A_54 : i32
    "tpu.region"() ({
      %run_scoped3A = tpu.sem_alloc : memref<!tpu.dma_semaphore, #tpu.memory_space<semaphore_mem>>
      %dma_start3A_60 = arith.constant 0 : i32
      %dma_start3A_61 = tpu.memref_slice %arg11[%add3A_55, %dma_start3A_60] : memref<10240x64xf32, #tpu.memory_space<vmem_shared>> -> memref<128x64xf32, #tpu.memory_space<vmem_shared>>
      %dma_start3A_62 = arith.constant 0 : i32
      %dma_start3A_63 = tpu.memref_slice %arg11[%add3A_55, %dma_start3A_62] : memref<10240x64xf32, #tpu.memory_space<vmem_shared>> -> memref<128x64xf32, #tpu.memory_space<vmem_shared>>
      tpu.enqueue_dma source(%dma_start3A_63 : memref<128x64xf32, #tpu.memory_space<vmem_shared>>) target(%arg10 : memref<128x64xf32, #tpu.memory_space<vmem>>) target_semaphore(%run_scoped3A : memref<!tpu.dma_semaphore, #tpu.memory_space<semaphore_mem>>)
      %dma_wait3A = arith.constant 0 : i32
      %dma_wait3A_64 = tpu.memref_slice %arg11[%add3A_55, %dma_wait3A] : memref<10240x64xf32, #tpu.memory_space<vmem_shared>> -> memref<128x64xf32, #tpu.memory_space<vmem_shared>>
      %dma_wait3A_65 = arith.constant 0 : i32
      %dma_wait3A_66 = tpu.memref_slice %arg11[%add3A_55, %dma_wait3A_65] : memref<10240x64xf32, #tpu.memory_space<vmem_shared>> -> memref<128x64xf32, #tpu.memory_space<vmem_shared>>
      tpu.wait_dma2 semaphore(%run_scoped3A : memref<!tpu.dma_semaphore, #tpu.memory_space<semaphore_mem>>) src(%dma_wait3A_66 : memref<128x64xf32, #tpu.memory_space<vmem_shared>>) dst(%arg10 : memref<128x64xf32, #tpu.memory_space<vmem>>)
      tpu.yield
    }) : () -> ()
    "tpu.region"() ({
      %run_scoped3A = tpu.sem_alloc : memref<!tpu.dma_semaphore, #tpu.memory_space<semaphore_mem>>
      %dma_start3A_60 = arith.constant 0 : i32
      %dma_start3A_61 = tpu.memref_slice %arg5[%arg0, %add3A_55, %dma_start3A_60] : memref<2x10240x64xf32, #tpu.memory_space<hbm>> -> memref<1x128x64xf32, #tpu.memory_space<hbm>>
      %dma_start3A_62 = tpu.memref_squeeze %dma_start3A_61 : memref<1x128x64xf32, #tpu.memory_space<hbm>> -> memref<128x64xf32, #tpu.memory_space<hbm>>
      %dma_start3A_63 = arith.constant 0 : i32
      %dma_start3A_64 = tpu.memref_slice %arg5[%arg0, %add3A_55, %dma_start3A_63] : memref<2x10240x64xf32, #tpu.memory_space<hbm>> -> memref<1x128x64xf32, #tpu.memory_space<hbm>>
      %dma_start3A_65 = tpu.memref_squeeze %dma_start3A_64 : memref<1x128x64xf32, #tpu.memory_space<hbm>> -> memref<128x64xf32, #tpu.memory_space<hbm>>
      tpu.enqueue_dma source(%arg10 : memref<128x64xf32, #tpu.memory_space<vmem>>) target(%dma_start3A_65 : memref<128x64xf32, #tpu.memory_space<hbm>>) target_semaphore(%run_scoped3A : memref<!tpu.dma_semaphore, #tpu.memory_space<semaphore_mem>>)
      %dma_wait3A = arith.constant 0 : i32
      %dma_wait3A_66 = tpu.memref_slice %arg5[%arg0, %add3A_55, %dma_wait3A] : memref<2x10240x64xf32, #tpu.memory_space<hbm>> -> memref<1x128x64xf32, #tpu.memory_space<hbm>>
      %dma_wait3A_67 = tpu.memref_squeeze %dma_wait3A_66 : memref<1x128x64xf32, #tpu.memory_space<hbm>> -> memref<128x64xf32, #tpu.memory_space<hbm>>
      %dma_wait3A_68 = arith.constant 0 : i32
      %dma_wait3A_69 = tpu.memref_slice %arg5[%arg0, %add3A_55, %dma_wait3A_68] : memref<2x10240x64xf32, #tpu.memory_space<hbm>> -> memref<1x128x64xf32, #tpu.memory_space<hbm>>
      %dma_wait3A_70 = tpu.memref_squeeze %dma_wait3A_69 : memref<1x128x64xf32, #tpu.memory_space<hbm>> -> memref<128x64xf32, #tpu.memory_space<hbm>>
      tpu.wait_dma2 semaphore(%run_scoped3A : memref<!tpu.dma_semaphore, #tpu.memory_space<semaphore_mem>>) src(%arg10 : memref<128x64xf32, #tpu.memory_space<vmem>>) dst(%dma_wait3A_70 : memref<128x64xf32, #tpu.memory_space<hbm>>)
      tpu.yield
    }) : () -> ()
    %mul3A_56 = arith.constant 640 : i32
    %mul3A_57 = arith.muli %arg1, %mul3A_56 : i32
    %add3A_58 = arith.constant 512 : i32
    %add3A_59 = arith.addi %mul3A_57, %add3A_58 : i32
    "tpu.region"() ({
      %run_scoped3A = tpu.sem_alloc : memref<!tpu.dma_semaphore, #tpu.memory_space<semaphore_mem>>
      %dma_start3A_60 = arith.constant 0 : i32
      %dma_start3A_61 = tpu.memref_slice %arg11[%add3A_59, %dma_start3A_60] : memref<10240x64xf32, #tpu.memory_space<vmem_shared>> -> memref<128x64xf32, #tpu.memory_space<vmem_shared>>
      %dma_start3A_62 = arith.constant 0 : i32
      %dma_start3A_63 = tpu.memref_slice %arg11[%add3A_59, %dma_start3A_62] : memref<10240x64xf32, #tpu.memory_space<vmem_shared>> -> memref<128x64xf32, #tpu.memory_space<vmem_shared>>
      tpu.enqueue_dma source(%dma_start3A_63 : memref<128x64xf32, #tpu.memory_space<vmem_shared>>) target(%arg10 : memref<128x64xf32, #tpu.memory_space<vmem>>) target_semaphore(%run_scoped3A : memref<!tpu.dma_semaphore, #tpu.memory_space<semaphore_mem>>)
      %dma_wait3A = arith.constant 0 : i32
      %dma_wait3A_64 = tpu.memref_slice %arg11[%add3A_59, %dma_wait3A] : memref<10240x64xf32, #tpu.memory_space<vmem_shared>> -> memref<128x64xf32, #tpu.memory_space<vmem_shared>>
      %dma_wait3A_65 = arith.constant 0 : i32
      %dma_wait3A_66 = tpu.memref_slice %arg11[%add3A_59, %dma_wait3A_65] : memref<10240x64xf32, #tpu.memory_space<vmem_shared>> -> memref<128x64xf32, #tpu.memory_space<vmem_shared>>
      tpu.wait_dma2 semaphore(%run_scoped3A : memref<!tpu.dma_semaphore, #tpu.memory_space<semaphore_mem>>) src(%dma_wait3A_66 : memref<128x64xf32, #tpu.memory_space<vmem_shared>>) dst(%arg10 : memref<128x64xf32, #tpu.memory_space<vmem>>)
      tpu.yield
    }) : () -> ()
    "tpu.region"() ({
      %run_scoped3A = tpu.sem_alloc : memref<!tpu.dma_semaphore, #tpu.memory_space<semaphore_mem>>
      %dma_start3A_60 = arith.constant 0 : i32
      %dma_start3A_61 = tpu.memref_slice %arg5[%arg0, %add3A_59, %dma_start3A_60] : memref<2x10240x64xf32, #tpu.memory_space<hbm>> -> memref<1x128x64xf32, #tpu.memory_space<hbm>>
      %dma_start3A_62 = tpu.memref_squeeze %dma_start3A_61 : memref<1x128x64xf32, #tpu.memory_space<hbm>> -> memref<128x64xf32, #tpu.memory_space<hbm>>
      %dma_start3A_63 = arith.constant 0 : i32
      %dma_start3A_64 = tpu.memref_slice %arg5[%arg0, %add3A_59, %dma_start3A_63] : memref<2x10240x64xf32, #tpu.memory_space<hbm>> -> memref<1x128x64xf32, #tpu.memory_space<hbm>>
      %dma_start3A_65 = tpu.memref_squeeze %dma_start3A_64 : memref<1x128x64xf32, #tpu.memory_space<hbm>> -> memref<128x64xf32, #tpu.memory_space<hbm>>
      tpu.enqueue_dma source(%arg10 : memref<128x64xf32, #tpu.memory_space<vmem>>) target(%dma_start3A_65 : memref<128x64xf32, #tpu.memory_space<hbm>>) target_semaphore(%run_scoped3A : memref<!tpu.dma_semaphore, #tpu.memory_space<semaphore_mem>>)
      %dma_wait3A = arith.constant 0 : i32
      %dma_wait3A_66 = tpu.memref_slice %arg5[%arg0, %add3A_59, %dma_wait3A] : memref<2x10240x64xf32, #tpu.memory_space<hbm>> -> memref<1x128x64xf32, #tpu.memory_space<hbm>>
      %dma_wait3A_67 = tpu.memref_squeeze %dma_wait3A_66 : memref<1x128x64xf32, #tpu.memory_space<hbm>> -> memref<128x64xf32, #tpu.memory_space<hbm>>
      %dma_wait3A_68 = arith.constant 0 : i32
      %dma_wait3A_69 = tpu.memref_slice %arg5[%arg0, %add3A_59, %dma_wait3A_68] : memref<2x10240x64xf32, #tpu.memory_space<hbm>> -> memref<1x128x64xf32, #tpu.memory_space<hbm>>
      %dma_wait3A_70 = tpu.memref_squeeze %dma_wait3A_69 : memref<1x128x64xf32, #tpu.memory_space<hbm>> -> memref<128x64xf32, #tpu.memory_space<hbm>>
      tpu.wait_dma2 semaphore(%run_scoped3A : memref<!tpu.dma_semaphore, #tpu.memory_space<semaphore_mem>>) src(%arg10 : memref<128x64xf32, #tpu.memory_space<vmem>>) dst(%dma_wait3A_70 : memref<128x64xf32, #tpu.memory_space<hbm>>)
      tpu.yield
    }) : () -> ()
    return
  }
}

#map = affine_map<(d0, d1) -> (0, 0, 0)>
module attributes {stable_mosaic.version = 14 : i64} {
  func.func @_sc_degree_body(%arg0: i32, %arg1: i32, %arg2: memref<32x125x80xi32, #tpu.memory_space<hbm>>, %arg3: memref<2x10240x16xf32, #tpu.memory_space<hbm>>, %arg4: memref<125x80xi32, #tpu.memory_space<vmem>>, %arg5: memref<80x16xf32, #tpu.memory_space<vmem>>, %arg6: memref<128x16xf32, #tpu.memory_space<vmem>>, %arg7: memref<10240x16xf32, #tpu.memory_space<vmem_shared>>, %arg8: memref<!tpu.dma_semaphore, #tpu.memory_space<semaphore_mem>>) attributes {dimension_semantics = [#tpu.dimension_semantics<core_parallel>, #tpu.dimension_semantics<subcore_parallel>], iteration_bounds = array<i64: 2, 16>, scalar_prefetch = 0 : i64, scratch_operands = 5 : i64, tpu.core_type = #tpu.core_type<sc_vector_subcore>, window_params = [{transform_indices = #map}, {transform_indices = #map}]} {
    %mul3A = arith.constant 16 : i32
    %mul3A_0 = arith.muli %arg0, %mul3A : i32
    %add3A = arith.addi %mul3A_0, %arg1 : i32
    %scan3A = arith.constant 0 : i32
    %scan3A_1 = arith.constant 0 : i32
    %scan3A_2 = arith.constant 80 : i32
    %scan3A_3 = arith.addi %scan3A_1, %scan3A_2 : i32
    %scan3A_4 = arith.constant 1 : i32
    scf.for %scan3A_59 = %scan3A_1 to %scan3A_3 step %scan3A_4  : i32 {
      %broadcast_in_dim3A = arith.constant 1.000000e+00 : f32
      %broadcast_in_dim3A_60 = vector.broadcast %broadcast_in_dim3A : f32 to vector<16xf32>
      %swap3A = arith.index_cast %scan3A_59 : i32 to index
      %swap3A_61 = arith.constant 0 : index
      %swap3A_62 = tpu.vector_load %arg5[%swap3A, %swap3A_61] {strides = array<i32>} : memref<80x16xf32, #tpu.memory_space<vmem>>, vector<1x16xf32>,
      %swap3A_63 = vector.shape_cast %swap3A_62 : vector<1x16xf32> to vector<16xf32>
      %swap3A_64 = vector.shape_cast %broadcast_in_dim3A_60 : vector<16xf32> to vector<1x16xf32>
      tpu.vector_store %arg5[%swap3A, %swap3A_61], %swap3A_64 {strides = array<i32>} : memref<80x16xf32, #tpu.memory_space<vmem>>, vector<1x16xf32>,
    }
    %scan3A_5 = arith.constant 80 : i32
    %scan3A_6 = arith.constant 0 : i32
    %scan3A_7 = arith.constant 0 : i32
    %scan3A_8 = arith.constant 128 : i32
    %scan3A_9 = arith.addi %scan3A_7, %scan3A_8 : i32
    %scan3A_10 = arith.constant 1 : i32
    scf.for %scan3A_59 = %scan3A_7 to %scan3A_9 step %scan3A_10  : i32 {
      %broadcast_in_dim3A = arith.constant 0.000000e+00 : f32
      %broadcast_in_dim3A_60 = vector.broadcast %broadcast_in_dim3A : f32 to vector<16xf32>
      %swap3A = arith.index_cast %scan3A_59 : i32 to index
      %swap3A_61 = arith.constant 0 : index
      %swap3A_62 = tpu.vector_load %arg6[%swap3A, %swap3A_61] {strides = array<i32>} : memref<128x16xf32, #tpu.memory_space<vmem>>, vector<1x16xf32>,
      %swap3A_63 = vector.shape_cast %swap3A_62 : vector<1x16xf32> to vector<16xf32>
      %swap3A_64 = vector.shape_cast %broadcast_in_dim3A_60 : vector<16xf32> to vector<1x16xf32>
      tpu.vector_store %arg6[%swap3A, %swap3A_61], %swap3A_64 {strides = array<i32>} : memref<128x16xf32, #tpu.memory_space<vmem>>, vector<1x16xf32>,
    }
    %scan3A_11 = arith.constant 128 : i32
    %mul3A_12 = arith.constant 640 : i32
    %mul3A_13 = arith.muli %arg1, %mul3A_12 : i32
    %add3A_14 = arith.constant 0 : i32
    %add3A_15 = arith.addi %mul3A_13, %add3A_14 : i32
    "tpu.region"() ({
      %run_scoped3A = tpu.sem_alloc : memref<!tpu.dma_semaphore, #tpu.memory_space<semaphore_mem>>
      %dma_start3A = arith.constant 0 : i32
      %dma_start3A_59 = tpu.memref_slice %arg7[%add3A_15, %dma_start3A] : memref<10240x16xf32, #tpu.memory_space<vmem_shared>> -> memref<128x16xf32, #tpu.memory_space<vmem_shared>>
      %dma_start3A_60 = arith.constant 0 : i32
      %dma_start3A_61 = tpu.memref_slice %arg7[%add3A_15, %dma_start3A_60] : memref<10240x16xf32, #tpu.memory_space<vmem_shared>> -> memref<128x16xf32, #tpu.memory_space<vmem_shared>>
      tpu.enqueue_dma source(%arg6 : memref<128x16xf32, #tpu.memory_space<vmem>>) target(%dma_start3A_61 : memref<128x16xf32, #tpu.memory_space<vmem_shared>>) target_semaphore(%run_scoped3A : memref<!tpu.dma_semaphore, #tpu.memory_space<semaphore_mem>>)
      %dma_wait3A = arith.constant 0 : i32
      %dma_wait3A_62 = tpu.memref_slice %arg7[%add3A_15, %dma_wait3A] : memref<10240x16xf32, #tpu.memory_space<vmem_shared>> -> memref<128x16xf32, #tpu.memory_space<vmem_shared>>
      %dma_wait3A_63 = arith.constant 0 : i32
      %dma_wait3A_64 = tpu.memref_slice %arg7[%add3A_15, %dma_wait3A_63] : memref<10240x16xf32, #tpu.memory_space<vmem_shared>> -> memref<128x16xf32, #tpu.memory_space<vmem_shared>>
      tpu.wait_dma2 semaphore(%run_scoped3A : memref<!tpu.dma_semaphore, #tpu.memory_space<semaphore_mem>>) src(%arg6 : memref<128x16xf32, #tpu.memory_space<vmem>>) dst(%dma_wait3A_64 : memref<128x16xf32, #tpu.memory_space<vmem_shared>>)
      tpu.yield
    }) : () -> ()
    %mul3A_16 = arith.constant 640 : i32
    %mul3A_17 = arith.muli %arg1, %mul3A_16 : i32
    %add3A_18 = arith.constant 128 : i32
    %add3A_19 = arith.addi %mul3A_17, %add3A_18 : i32
    "tpu.region"() ({
      %run_scoped3A = tpu.sem_alloc : memref<!tpu.dma_semaphore, #tpu.memory_space<semaphore_mem>>
      %dma_start3A = arith.constant 0 : i32
      %dma_start3A_59 = tpu.memref_slice %arg7[%add3A_19, %dma_start3A] : memref<10240x16xf32, #tpu.memory_space<vmem_shared>> -> memref<128x16xf32, #tpu.memory_space<vmem_shared>>
      %dma_start3A_60 = arith.constant 0 : i32
      %dma_start3A_61 = tpu.memref_slice %arg7[%add3A_19, %dma_start3A_60] : memref<10240x16xf32, #tpu.memory_space<vmem_shared>> -> memref<128x16xf32, #tpu.memory_space<vmem_shared>>
      tpu.enqueue_dma source(%arg6 : memref<128x16xf32, #tpu.memory_space<vmem>>) target(%dma_start3A_61 : memref<128x16xf32, #tpu.memory_space<vmem_shared>>) target_semaphore(%run_scoped3A : memref<!tpu.dma_semaphore, #tpu.memory_space<semaphore_mem>>)
      %dma_wait3A = arith.constant 0 : i32
      %dma_wait3A_62 = tpu.memref_slice %arg7[%add3A_19, %dma_wait3A] : memref<10240x16xf32, #tpu.memory_space<vmem_shared>> -> memref<128x16xf32, #tpu.memory_space<vmem_shared>>
      %dma_wait3A_63 = arith.constant 0 : i32
      %dma_wait3A_64 = tpu.memref_slice %arg7[%add3A_19, %dma_wait3A_63] : memref<10240x16xf32, #tpu.memory_space<vmem_shared>> -> memref<128x16xf32, #tpu.memory_space<vmem_shared>>
      tpu.wait_dma2 semaphore(%run_scoped3A : memref<!tpu.dma_semaphore, #tpu.memory_space<semaphore_mem>>) src(%arg6 : memref<128x16xf32, #tpu.memory_space<vmem>>) dst(%dma_wait3A_64 : memref<128x16xf32, #tpu.memory_space<vmem_shared>>)
      tpu.yield
    }) : () -> ()
    %mul3A_20 = arith.constant 640 : i32
    %mul3A_21 = arith.muli %arg1, %mul3A_20 : i32
    %add3A_22 = arith.constant 256 : i32
    %add3A_23 = arith.addi %mul3A_21, %add3A_22 : i32
    "tpu.region"() ({
      %run_scoped3A = tpu.sem_alloc : memref<!tpu.dma_semaphore, #tpu.memory_space<semaphore_mem>>
      %dma_start3A = arith.constant 0 : i32
      %dma_start3A_59 = tpu.memref_slice %arg7[%add3A_23, %dma_start3A] : memref<10240x16xf32, #tpu.memory_space<vmem_shared>> -> memref<128x16xf32, #tpu.memory_space<vmem_shared>>
      %dma_start3A_60 = arith.constant 0 : i32
      %dma_start3A_61 = tpu.memref_slice %arg7[%add3A_23, %dma_start3A_60] : memref<10240x16xf32, #tpu.memory_space<vmem_shared>> -> memref<128x16xf32, #tpu.memory_space<vmem_shared>>
      tpu.enqueue_dma source(%arg6 : memref<128x16xf32, #tpu.memory_space<vmem>>) target(%dma_start3A_61 : memref<128x16xf32, #tpu.memory_space<vmem_shared>>) target_semaphore(%run_scoped3A : memref<!tpu.dma_semaphore, #tpu.memory_space<semaphore_mem>>)
      %dma_wait3A = arith.constant 0 : i32
      %dma_wait3A_62 = tpu.memref_slice %arg7[%add3A_23, %dma_wait3A] : memref<10240x16xf32, #tpu.memory_space<vmem_shared>> -> memref<128x16xf32, #tpu.memory_space<vmem_shared>>
      %dma_wait3A_63 = arith.constant 0 : i32
      %dma_wait3A_64 = tpu.memref_slice %arg7[%add3A_23, %dma_wait3A_63] : memref<10240x16xf32, #tpu.memory_space<vmem_shared>> -> memref<128x16xf32, #tpu.memory_space<vmem_shared>>
      tpu.wait_dma2 semaphore(%run_scoped3A : memref<!tpu.dma_semaphore, #tpu.memory_space<semaphore_mem>>) src(%arg6 : memref<128x16xf32, #tpu.memory_space<vmem>>) dst(%dma_wait3A_64 : memref<128x16xf32, #tpu.memory_space<vmem_shared>>)
      tpu.yield
    }) : () -> ()
    %mul3A_24 = arith.constant 640 : i32
    %mul3A_25 = arith.muli %arg1, %mul3A_24 : i32
    %add3A_26 = arith.constant 384 : i32
    %add3A_27 = arith.addi %mul3A_25, %add3A_26 : i32
    "tpu.region"() ({
      %run_scoped3A = tpu.sem_alloc : memref<!tpu.dma_semaphore, #tpu.memory_space<semaphore_mem>>
      %dma_start3A = arith.constant 0 : i32
      %dma_start3A_59 = tpu.memref_slice %arg7[%add3A_27, %dma_start3A] : memref<10240x16xf32, #tpu.memory_space<vmem_shared>> -> memref<128x16xf32, #tpu.memory_space<vmem_shared>>
      %dma_start3A_60 = arith.constant 0 : i32
      %dma_start3A_61 = tpu.memref_slice %arg7[%add3A_27, %dma_start3A_60] : memref<10240x16xf32, #tpu.memory_space<vmem_shared>> -> memref<128x16xf32, #tpu.memory_space<vmem_shared>>
      tpu.enqueue_dma source(%arg6 : memref<128x16xf32, #tpu.memory_space<vmem>>) target(%dma_start3A_61 : memref<128x16xf32, #tpu.memory_space<vmem_shared>>) target_semaphore(%run_scoped3A : memref<!tpu.dma_semaphore, #tpu.memory_space<semaphore_mem>>)
      %dma_wait3A = arith.constant 0 : i32
      %dma_wait3A_62 = tpu.memref_slice %arg7[%add3A_27, %dma_wait3A] : memref<10240x16xf32, #tpu.memory_space<vmem_shared>> -> memref<128x16xf32, #tpu.memory_space<vmem_shared>>
      %dma_wait3A_63 = arith.constant 0 : i32
      %dma_wait3A_64 = tpu.memref_slice %arg7[%add3A_27, %dma_wait3A_63] : memref<10240x16xf32, #tpu.memory_space<vmem_shared>> -> memref<128x16xf32, #tpu.memory_space<vmem_shared>>
      tpu.wait_dma2 semaphore(%run_scoped3A : memref<!tpu.dma_semaphore, #tpu.memory_space<semaphore_mem>>) src(%arg6 : memref<128x16xf32, #tpu.memory_space<vmem>>) dst(%dma_wait3A_64 : memref<128x16xf32, #tpu.memory_space<vmem_shared>>)
      tpu.yield
    }) : () -> ()
    %mul3A_28 = arith.constant 640 : i32
    %mul3A_29 = arith.muli %arg1, %mul3A_28 : i32
    %add3A_30 = arith.constant 512 : i32
    %add3A_31 = arith.addi %mul3A_29, %add3A_30 : i32
    "tpu.region"() ({
      %run_scoped3A = tpu.sem_alloc : memref<!tpu.dma_semaphore, #tpu.memory_space<semaphore_mem>>
      %dma_start3A = arith.constant 0 : i32
      %dma_start3A_59 = tpu.memref_slice %arg7[%add3A_31, %dma_start3A] : memref<10240x16xf32, #tpu.memory_space<vmem_shared>> -> memref<128x16xf32, #tpu.memory_space<vmem_shared>>
      %dma_start3A_60 = arith.constant 0 : i32
      %dma_start3A_61 = tpu.memref_slice %arg7[%add3A_31, %dma_start3A_60] : memref<10240x16xf32, #tpu.memory_space<vmem_shared>> -> memref<128x16xf32, #tpu.memory_space<vmem_shared>>
      tpu.enqueue_dma source(%arg6 : memref<128x16xf32, #tpu.memory_space<vmem>>) target(%dma_start3A_61 : memref<128x16xf32, #tpu.memory_space<vmem_shared>>) target_semaphore(%run_scoped3A : memref<!tpu.dma_semaphore, #tpu.memory_space<semaphore_mem>>)
      %dma_wait3A = arith.constant 0 : i32
      %dma_wait3A_62 = tpu.memref_slice %arg7[%add3A_31, %dma_wait3A] : memref<10240x16xf32, #tpu.memory_space<vmem_shared>> -> memref<128x16xf32, #tpu.memory_space<vmem_shared>>
      %dma_wait3A_63 = arith.constant 0 : i32
      %dma_wait3A_64 = tpu.memref_slice %arg7[%add3A_31, %dma_wait3A_63] : memref<10240x16xf32, #tpu.memory_space<vmem_shared>> -> memref<128x16xf32, #tpu.memory_space<vmem_shared>>
      tpu.wait_dma2 semaphore(%run_scoped3A : memref<!tpu.dma_semaphore, #tpu.memory_space<semaphore_mem>>) src(%arg6 : memref<128x16xf32, #tpu.memory_space<vmem>>) dst(%dma_wait3A_64 : memref<128x16xf32, #tpu.memory_space<vmem_shared>>)
      tpu.yield
    }) : () -> ()
    %barrier3A = arith.constant 0 : index
    tpu.barrier barrier_id(%barrier3A)
    "tpu.region"() ({
      %run_scoped3A = tpu.sem_alloc : memref<!tpu.dma_semaphore, #tpu.memory_space<semaphore_mem>>
      %dma_start3A = arith.constant 0 : i32
      %dma_start3A_59 = arith.constant 0 : i32
      %dma_start3A_60 = tpu.memref_slice %arg2[%add3A, %dma_start3A, %dma_start3A_59] : memref<32x125x80xi32, #tpu.memory_space<hbm>> -> memref<1x125x80xi32, #tpu.memory_space<hbm>>
      %dma_start3A_61 = tpu.memref_squeeze %dma_start3A_60 : memref<1x125x80xi32, #tpu.memory_space<hbm>> -> memref<125x80xi32, #tpu.memory_space<hbm>>
      %dma_start3A_62 = arith.constant 0 : i32
      %dma_start3A_63 = arith.constant 0 : i32
      %dma_start3A_64 = tpu.memref_slice %arg2[%add3A, %dma_start3A_62, %dma_start3A_63] : memref<32x125x80xi32, #tpu.memory_space<hbm>> -> memref<1x125x80xi32, #tpu.memory_space<hbm>>
      %dma_start3A_65 = tpu.memref_squeeze %dma_start3A_64 : memref<1x125x80xi32, #tpu.memory_space<hbm>> -> memref<125x80xi32, #tpu.memory_space<hbm>>
      tpu.enqueue_dma source(%dma_start3A_65 : memref<125x80xi32, #tpu.memory_space<hbm>>) target(%arg4 : memref<125x80xi32, #tpu.memory_space<vmem>>) target_semaphore(%run_scoped3A : memref<!tpu.dma_semaphore, #tpu.memory_space<semaphore_mem>>)
      %dma_wait3A = arith.constant 0 : i32
      %dma_wait3A_66 = arith.constant 0 : i32
      %dma_wait3A_67 = tpu.memref_slice %arg2[%add3A, %dma_wait3A, %dma_wait3A_66] : memref<32x125x80xi32, #tpu.memory_space<hbm>> -> memref<1x125x80xi32, #tpu.memory_space<hbm>>
      %dma_wait3A_68 = tpu.memref_squeeze %dma_wait3A_67 : memref<1x125x80xi32, #tpu.memory_space<hbm>> -> memref<125x80xi32, #tpu.memory_space<hbm>>
      %dma_wait3A_69 = arith.constant 0 : i32
      %dma_wait3A_70 = arith.constant 0 : i32
      %dma_wait3A_71 = tpu.memref_slice %arg2[%add3A, %dma_wait3A_69, %dma_wait3A_70] : memref<32x125x80xi32, #tpu.memory_space<hbm>> -> memref<1x125x80xi32, #tpu.memory_space<hbm>>
      %dma_wait3A_72 = tpu.memref_squeeze %dma_wait3A_71 : memref<1x125x80xi32, #tpu.memory_space<hbm>> -> memref<125x80xi32, #tpu.memory_space<hbm>>
      tpu.wait_dma2 semaphore(%run_scoped3A : memref<!tpu.dma_semaphore, #tpu.memory_space<semaphore_mem>>) src(%dma_wait3A_72 : memref<125x80xi32, #tpu.memory_space<hbm>>) dst(%arg4 : memref<125x80xi32, #tpu.memory_space<vmem>>)
      tpu.yield
    }) : () -> ()
    %scan3A_32 = arith.constant 0 : i32
    %scan3A_33 = arith.constant 0 : i32
    %scan3A_34 = arith.constant 125 : i32
    %scan3A_35 = arith.addi %scan3A_33, %scan3A_34 : i32
    %scan3A_36 = arith.constant 1 : i32
    scf.for %scan3A_59 = %scan3A_33 to %scan3A_35 step %scan3A_36  : i32 {
      "tpu.region"() ({
        %run_scoped3A = tpu.sem_alloc : memref<!tpu.dma_semaphore, #tpu.memory_space<semaphore_mem>>
        %dma_start3A = arith.constant 0 : i32
        %dma_start3A_60 = tpu.memref_slice %arg4[%scan3A_59, %dma_start3A] : memref<125x80xi32, #tpu.memory_space<vmem>> -> memref<1x80xi32, #tpu.memory_space<vmem>>
        %dma_start3A_61 = tpu.memref_squeeze %dma_start3A_60 : memref<1x80xi32, #tpu.memory_space<vmem>> -> memref<80xi32, #tpu.memory_space<vmem>>
        %dma_start3A_62 = arith.constant 0 : i32
        %dma_start3A_63 = arith.constant 0 : i32
        %dma_start3A_64 = tpu.memref_slice %arg7[%dma_start3A_62, %dma_start3A_63] : memref<10240x16xf32, #tpu.memory_space<vmem_shared>> -> memref<10240x16xf32, #tpu.memory_space<vmem_shared>>
        tpu.enqueue_indirect_dma source(%arg5 : memref<80x16xf32, #tpu.memory_space<vmem>>) target(%dma_start3A_64 : memref<10240x16xf32, #tpu.memory_space<vmem_shared>>) offsets(%dma_start3A_61 : memref<80xi32, #tpu.memory_space<vmem>>) semaphore(%run_scoped3A : memref<!tpu.dma_semaphore, #tpu.memory_space<semaphore_mem>>) {add = true}
        %dma_wait3A = arith.constant 0 : i32
        %dma_wait3A_65 = tpu.memref_slice %arg4[%scan3A_59, %dma_wait3A] : memref<125x80xi32, #tpu.memory_space<vmem>> -> memref<1x80xi32, #tpu.memory_space<vmem>>
        %dma_wait3A_66 = tpu.memref_squeeze %dma_wait3A_65 : memref<1x80xi32, #tpu.memory_space<vmem>> -> memref<80xi32, #tpu.memory_space<vmem>>
        %dma_wait3A_67 = arith.constant 0 : i32
        %dma_wait3A_68 = arith.constant 0 : i32
        %dma_wait3A_69 = tpu.memref_slice %arg7[%dma_wait3A_67, %dma_wait3A_68] : memref<10240x16xf32, #tpu.memory_space<vmem_shared>> -> memref<10240x16xf32, #tpu.memory_space<vmem_shared>>
        tpu.wait_indirect_dma semaphore(%run_scoped3A : memref<!tpu.dma_semaphore, #tpu.memory_space<semaphore_mem>>) src(%arg5 : memref<80x16xf32, #tpu.memory_space<vmem>>) dst(%dma_wait3A_69 : memref<10240x16xf32, #tpu.memory_space<vmem_shared>>)
        tpu.yield
      }) : () -> ()
    }
    %scan3A_37 = arith.constant 125 : i32
    %barrier3A_38 = arith.constant 0 : index
    tpu.barrier barrier_id(%barrier3A_38)
    %mul3A_39 = arith.constant 640 : i32
    %mul3A_40 = arith.muli %arg1, %mul3A_39 : i32
    %add3A_41 = arith.constant 0 : i32
    %add3A_42 = arith.addi %mul3A_40, %add3A_41 : i32
    "tpu.region"() ({
      %run_scoped3A = tpu.sem_alloc : memref<!tpu.dma_semaphore, #tpu.memory_space<semaphore_mem>>
      %dma_start3A = arith.constant 0 : i32
      %dma_start3A_59 = tpu.memref_slice %arg7[%add3A_42, %dma_start3A] : memref<10240x16xf32, #tpu.memory_space<vmem_shared>> -> memref<128x16xf32, #tpu.memory_space<vmem_shared>>
      %dma_start3A_60 = arith.constant 0 : i32
      %dma_start3A_61 = tpu.memref_slice %arg7[%add3A_42, %dma_start3A_60] : memref<10240x16xf32, #tpu.memory_space<vmem_shared>> -> memref<128x16xf32, #tpu.memory_space<vmem_shared>>
      tpu.enqueue_dma source(%dma_start3A_61 : memref<128x16xf32, #tpu.memory_space<vmem_shared>>) target(%arg6 : memref<128x16xf32, #tpu.memory_space<vmem>>) target_semaphore(%run_scoped3A : memref<!tpu.dma_semaphore, #tpu.memory_space<semaphore_mem>>)
      %dma_wait3A = arith.constant 0 : i32
      %dma_wait3A_62 = tpu.memref_slice %arg7[%add3A_42, %dma_wait3A] : memref<10240x16xf32, #tpu.memory_space<vmem_shared>> -> memref<128x16xf32, #tpu.memory_space<vmem_shared>>
      %dma_wait3A_63 = arith.constant 0 : i32
      %dma_wait3A_64 = tpu.memref_slice %arg7[%add3A_42, %dma_wait3A_63] : memref<10240x16xf32, #tpu.memory_space<vmem_shared>> -> memref<128x16xf32, #tpu.memory_space<vmem_shared>>
      tpu.wait_dma2 semaphore(%run_scoped3A : memref<!tpu.dma_semaphore, #tpu.memory_space<semaphore_mem>>) src(%dma_wait3A_64 : memref<128x16xf32, #tpu.memory_space<vmem_shared>>) dst(%arg6 : memref<128x16xf32, #tpu.memory_space<vmem>>)
      tpu.yield
    }) : () -> ()
    "tpu.region"() ({
      %run_scoped3A = tpu.sem_alloc : memref<!tpu.dma_semaphore, #tpu.memory_space<semaphore_mem>>
      %dma_start3A = arith.constant 0 : i32
      %dma_start3A_59 = tpu.memref_slice %arg3[%arg0, %add3A_42, %dma_start3A] : memref<2x10240x16xf32, #tpu.memory_space<hbm>> -> memref<1x128x16xf32, #tpu.memory_space<hbm>>
      %dma_start3A_60 = tpu.memref_squeeze %dma_start3A_59 : memref<1x128x16xf32, #tpu.memory_space<hbm>> -> memref<128x16xf32, #tpu.memory_space<hbm>>
      %dma_start3A_61 = arith.constant 0 : i32
      %dma_start3A_62 = tpu.memref_slice %arg3[%arg0, %add3A_42, %dma_start3A_61] : memref<2x10240x16xf32, #tpu.memory_space<hbm>> -> memref<1x128x16xf32, #tpu.memory_space<hbm>>
      %dma_start3A_63 = tpu.memref_squeeze %dma_start3A_62 : memref<1x128x16xf32, #tpu.memory_space<hbm>> -> memref<128x16xf32, #tpu.memory_space<hbm>>
      tpu.enqueue_dma source(%arg6 : memref<128x16xf32, #tpu.memory_space<vmem>>) target(%dma_start3A_63 : memref<128x16xf32, #tpu.memory_space<hbm>>) target_semaphore(%run_scoped3A : memref<!tpu.dma_semaphore, #tpu.memory_space<semaphore_mem>>)
      %dma_wait3A = arith.constant 0 : i32
      %dma_wait3A_64 = tpu.memref_slice %arg3[%arg0, %add3A_42, %dma_wait3A] : memref<2x10240x16xf32, #tpu.memory_space<hbm>> -> memref<1x128x16xf32, #tpu.memory_space<hbm>>
      %dma_wait3A_65 = tpu.memref_squeeze %dma_wait3A_64 : memref<1x128x16xf32, #tpu.memory_space<hbm>> -> memref<128x16xf32, #tpu.memory_space<hbm>>
      %dma_wait3A_66 = arith.constant 0 : i32
      %dma_wait3A_67 = tpu.memref_slice %arg3[%arg0, %add3A_42, %dma_wait3A_66] : memref<2x10240x16xf32, #tpu.memory_space<hbm>> -> memref<1x128x16xf32, #tpu.memory_space<hbm>>
      %dma_wait3A_68 = tpu.memref_squeeze %dma_wait3A_67 : memref<1x128x16xf32, #tpu.memory_space<hbm>> -> memref<128x16xf32, #tpu.memory_space<hbm>>
      tpu.wait_dma2 semaphore(%run_scoped3A : memref<!tpu.dma_semaphore, #tpu.memory_space<semaphore_mem>>) src(%arg6 : memref<128x16xf32, #tpu.memory_space<vmem>>) dst(%dma_wait3A_68 : memref<128x16xf32, #tpu.memory_space<hbm>>)
      tpu.yield
    }) : () -> ()
    %mul3A_43 = arith.constant 640 : i32
    %mul3A_44 = arith.muli %arg1, %mul3A_43 : i32
    %add3A_45 = arith.constant 128 : i32
    %add3A_46 = arith.addi %mul3A_44, %add3A_45 : i32
    "tpu.region"() ({
      %run_scoped3A = tpu.sem_alloc : memref<!tpu.dma_semaphore, #tpu.memory_space<semaphore_mem>>
      %dma_start3A = arith.constant 0 : i32
      %dma_start3A_59 = tpu.memref_slice %arg7[%add3A_46, %dma_start3A] : memref<10240x16xf32, #tpu.memory_space<vmem_shared>> -> memref<128x16xf32, #tpu.memory_space<vmem_shared>>
      %dma_start3A_60 = arith.constant 0 : i32
      %dma_start3A_61 = tpu.memref_slice %arg7[%add3A_46, %dma_start3A_60] : memref<10240x16xf32, #tpu.memory_space<vmem_shared>> -> memref<128x16xf32, #tpu.memory_space<vmem_shared>>
      tpu.enqueue_dma source(%dma_start3A_61 : memref<128x16xf32, #tpu.memory_space<vmem_shared>>) target(%arg6 : memref<128x16xf32, #tpu.memory_space<vmem>>) target_semaphore(%run_scoped3A : memref<!tpu.dma_semaphore, #tpu.memory_space<semaphore_mem>>)
      %dma_wait3A = arith.constant 0 : i32
      %dma_wait3A_62 = tpu.memref_slice %arg7[%add3A_46, %dma_wait3A] : memref<10240x16xf32, #tpu.memory_space<vmem_shared>> -> memref<128x16xf32, #tpu.memory_space<vmem_shared>>
      %dma_wait3A_63 = arith.constant 0 : i32
      %dma_wait3A_64 = tpu.memref_slice %arg7[%add3A_46, %dma_wait3A_63] : memref<10240x16xf32, #tpu.memory_space<vmem_shared>> -> memref<128x16xf32, #tpu.memory_space<vmem_shared>>
      tpu.wait_dma2 semaphore(%run_scoped3A : memref<!tpu.dma_semaphore, #tpu.memory_space<semaphore_mem>>) src(%dma_wait3A_64 : memref<128x16xf32, #tpu.memory_space<vmem_shared>>) dst(%arg6 : memref<128x16xf32, #tpu.memory_space<vmem>>)
      tpu.yield
    }) : () -> ()
    "tpu.region"() ({
      %run_scoped3A = tpu.sem_alloc : memref<!tpu.dma_semaphore, #tpu.memory_space<semaphore_mem>>
      %dma_start3A = arith.constant 0 : i32
      %dma_start3A_59 = tpu.memref_slice %arg3[%arg0, %add3A_46, %dma_start3A] : memref<2x10240x16xf32, #tpu.memory_space<hbm>> -> memref<1x128x16xf32, #tpu.memory_space<hbm>>
      %dma_start3A_60 = tpu.memref_squeeze %dma_start3A_59 : memref<1x128x16xf32, #tpu.memory_space<hbm>> -> memref<128x16xf32, #tpu.memory_space<hbm>>
      %dma_start3A_61 = arith.constant 0 : i32
      %dma_start3A_62 = tpu.memref_slice %arg3[%arg0, %add3A_46, %dma_start3A_61] : memref<2x10240x16xf32, #tpu.memory_space<hbm>> -> memref<1x128x16xf32, #tpu.memory_space<hbm>>
      %dma_start3A_63 = tpu.memref_squeeze %dma_start3A_62 : memref<1x128x16xf32, #tpu.memory_space<hbm>> -> memref<128x16xf32, #tpu.memory_space<hbm>>
      tpu.enqueue_dma source(%arg6 : memref<128x16xf32, #tpu.memory_space<vmem>>) target(%dma_start3A_63 : memref<128x16xf32, #tpu.memory_space<hbm>>) target_semaphore(%run_scoped3A : memref<!tpu.dma_semaphore, #tpu.memory_space<semaphore_mem>>)
      %dma_wait3A = arith.constant 0 : i32
      %dma_wait3A_64 = tpu.memref_slice %arg3[%arg0, %add3A_46, %dma_wait3A] : memref<2x10240x16xf32, #tpu.memory_space<hbm>> -> memref<1x128x16xf32, #tpu.memory_space<hbm>>
      %dma_wait3A_65 = tpu.memref_squeeze %dma_wait3A_64 : memref<1x128x16xf32, #tpu.memory_space<hbm>> -> memref<128x16xf32, #tpu.memory_space<hbm>>
      %dma_wait3A_66 = arith.constant 0 : i32
      %dma_wait3A_67 = tpu.memref_slice %arg3[%arg0, %add3A_46, %dma_wait3A_66] : memref<2x10240x16xf32, #tpu.memory_space<hbm>> -> memref<1x128x16xf32, #tpu.memory_space<hbm>>
      %dma_wait3A_68 = tpu.memref_squeeze %dma_wait3A_67 : memref<1x128x16xf32, #tpu.memory_space<hbm>> -> memref<128x16xf32, #tpu.memory_space<hbm>>
      tpu.wait_dma2 semaphore(%run_scoped3A : memref<!tpu.dma_semaphore, #tpu.memory_space<semaphore_mem>>) src(%arg6 : memref<128x16xf32, #tpu.memory_space<vmem>>) dst(%dma_wait3A_68 : memref<128x16xf32, #tpu.memory_space<hbm>>)
      tpu.yield
    }) : () -> ()
    %mul3A_47 = arith.constant 640 : i32
    %mul3A_48 = arith.muli %arg1, %mul3A_47 : i32
    %add3A_49 = arith.constant 256 : i32
    %add3A_50 = arith.addi %mul3A_48, %add3A_49 : i32
    "tpu.region"() ({
      %run_scoped3A = tpu.sem_alloc : memref<!tpu.dma_semaphore, #tpu.memory_space<semaphore_mem>>
      %dma_start3A = arith.constant 0 : i32
      %dma_start3A_59 = tpu.memref_slice %arg7[%add3A_50, %dma_start3A] : memref<10240x16xf32, #tpu.memory_space<vmem_shared>> -> memref<128x16xf32, #tpu.memory_space<vmem_shared>>
      %dma_start3A_60 = arith.constant 0 : i32
      %dma_start3A_61 = tpu.memref_slice %arg7[%add3A_50, %dma_start3A_60] : memref<10240x16xf32, #tpu.memory_space<vmem_shared>> -> memref<128x16xf32, #tpu.memory_space<vmem_shared>>
      tpu.enqueue_dma source(%dma_start3A_61 : memref<128x16xf32, #tpu.memory_space<vmem_shared>>) target(%arg6 : memref<128x16xf32, #tpu.memory_space<vmem>>) target_semaphore(%run_scoped3A : memref<!tpu.dma_semaphore, #tpu.memory_space<semaphore_mem>>)
      %dma_wait3A = arith.constant 0 : i32
      %dma_wait3A_62 = tpu.memref_slice %arg7[%add3A_50, %dma_wait3A] : memref<10240x16xf32, #tpu.memory_space<vmem_shared>> -> memref<128x16xf32, #tpu.memory_space<vmem_shared>>
      %dma_wait3A_63 = arith.constant 0 : i32
      %dma_wait3A_64 = tpu.memref_slice %arg7[%add3A_50, %dma_wait3A_63] : memref<10240x16xf32, #tpu.memory_space<vmem_shared>> -> memref<128x16xf32, #tpu.memory_space<vmem_shared>>
      tpu.wait_dma2 semaphore(%run_scoped3A : memref<!tpu.dma_semaphore, #tpu.memory_space<semaphore_mem>>) src(%dma_wait3A_64 : memref<128x16xf32, #tpu.memory_space<vmem_shared>>) dst(%arg6 : memref<128x16xf32, #tpu.memory_space<vmem>>)
      tpu.yield
    }) : () -> ()
    "tpu.region"() ({
      %run_scoped3A = tpu.sem_alloc : memref<!tpu.dma_semaphore, #tpu.memory_space<semaphore_mem>>
      %dma_start3A = arith.constant 0 : i32
      %dma_start3A_59 = tpu.memref_slice %arg3[%arg0, %add3A_50, %dma_start3A] : memref<2x10240x16xf32, #tpu.memory_space<hbm>> -> memref<1x128x16xf32, #tpu.memory_space<hbm>>
      %dma_start3A_60 = tpu.memref_squeeze %dma_start3A_59 : memref<1x128x16xf32, #tpu.memory_space<hbm>> -> memref<128x16xf32, #tpu.memory_space<hbm>>
      %dma_start3A_61 = arith.constant 0 : i32
      %dma_start3A_62 = tpu.memref_slice %arg3[%arg0, %add3A_50, %dma_start3A_61] : memref<2x10240x16xf32, #tpu.memory_space<hbm>> -> memref<1x128x16xf32, #tpu.memory_space<hbm>>
      %dma_start3A_63 = tpu.memref_squeeze %dma_start3A_62 : memref<1x128x16xf32, #tpu.memory_space<hbm>> -> memref<128x16xf32, #tpu.memory_space<hbm>>
      tpu.enqueue_dma source(%arg6 : memref<128x16xf32, #tpu.memory_space<vmem>>) target(%dma_start3A_63 : memref<128x16xf32, #tpu.memory_space<hbm>>) target_semaphore(%run_scoped3A : memref<!tpu.dma_semaphore, #tpu.memory_space<semaphore_mem>>)
      %dma_wait3A = arith.constant 0 : i32
      %dma_wait3A_64 = tpu.memref_slice %arg3[%arg0, %add3A_50, %dma_wait3A] : memref<2x10240x16xf32, #tpu.memory_space<hbm>> -> memref<1x128x16xf32, #tpu.memory_space<hbm>>
      %dma_wait3A_65 = tpu.memref_squeeze %dma_wait3A_64 : memref<1x128x16xf32, #tpu.memory_space<hbm>> -> memref<128x16xf32, #tpu.memory_space<hbm>>
      %dma_wait3A_66 = arith.constant 0 : i32
      %dma_wait3A_67 = tpu.memref_slice %arg3[%arg0, %add3A_50, %dma_wait3A_66] : memref<2x10240x16xf32, #tpu.memory_space<hbm>> -> memref<1x128x16xf32, #tpu.memory_space<hbm>>
      %dma_wait3A_68 = tpu.memref_squeeze %dma_wait3A_67 : memref<1x128x16xf32, #tpu.memory_space<hbm>> -> memref<128x16xf32, #tpu.memory_space<hbm>>
      tpu.wait_dma2 semaphore(%run_scoped3A : memref<!tpu.dma_semaphore, #tpu.memory_space<semaphore_mem>>) src(%arg6 : memref<128x16xf32, #tpu.memory_space<vmem>>) dst(%dma_wait3A_68 : memref<128x16xf32, #tpu.memory_space<hbm>>)
      tpu.yield
    }) : () -> ()
    %mul3A_51 = arith.constant 640 : i32
    %mul3A_52 = arith.muli %arg1, %mul3A_51 : i32
    %add3A_53 = arith.constant 384 : i32
    %add3A_54 = arith.addi %mul3A_52, %add3A_53 : i32
    "tpu.region"() ({
      %run_scoped3A = tpu.sem_alloc : memref<!tpu.dma_semaphore, #tpu.memory_space<semaphore_mem>>
      %dma_start3A = arith.constant 0 : i32
      %dma_start3A_59 = tpu.memref_slice %arg7[%add3A_54, %dma_start3A] : memref<10240x16xf32, #tpu.memory_space<vmem_shared>> -> memref<128x16xf32, #tpu.memory_space<vmem_shared>>
      %dma_start3A_60 = arith.constant 0 : i32
      %dma_start3A_61 = tpu.memref_slice %arg7[%add3A_54, %dma_start3A_60] : memref<10240x16xf32, #tpu.memory_space<vmem_shared>> -> memref<128x16xf32, #tpu.memory_space<vmem_shared>>
      tpu.enqueue_dma source(%dma_start3A_61 : memref<128x16xf32, #tpu.memory_space<vmem_shared>>) target(%arg6 : memref<128x16xf32, #tpu.memory_space<vmem>>) target_semaphore(%run_scoped3A : memref<!tpu.dma_semaphore, #tpu.memory_space<semaphore_mem>>)
      %dma_wait3A = arith.constant 0 : i32
      %dma_wait3A_62 = tpu.memref_slice %arg7[%add3A_54, %dma_wait3A] : memref<10240x16xf32, #tpu.memory_space<vmem_shared>> -> memref<128x16xf32, #tpu.memory_space<vmem_shared>>
      %dma_wait3A_63 = arith.constant 0 : i32
      %dma_wait3A_64 = tpu.memref_slice %arg7[%add3A_54, %dma_wait3A_63] : memref<10240x16xf32, #tpu.memory_space<vmem_shared>> -> memref<128x16xf32, #tpu.memory_space<vmem_shared>>
      tpu.wait_dma2 semaphore(%run_scoped3A : memref<!tpu.dma_semaphore, #tpu.memory_space<semaphore_mem>>) src(%dma_wait3A_64 : memref<128x16xf32, #tpu.memory_space<vmem_shared>>) dst(%arg6 : memref<128x16xf32, #tpu.memory_space<vmem>>)
      tpu.yield
    }) : () -> ()
    "tpu.region"() ({
      %run_scoped3A = tpu.sem_alloc : memref<!tpu.dma_semaphore, #tpu.memory_space<semaphore_mem>>
      %dma_start3A = arith.constant 0 : i32
      %dma_start3A_59 = tpu.memref_slice %arg3[%arg0, %add3A_54, %dma_start3A] : memref<2x10240x16xf32, #tpu.memory_space<hbm>> -> memref<1x128x16xf32, #tpu.memory_space<hbm>>
      %dma_start3A_60 = tpu.memref_squeeze %dma_start3A_59 : memref<1x128x16xf32, #tpu.memory_space<hbm>> -> memref<128x16xf32, #tpu.memory_space<hbm>>
      %dma_start3A_61 = arith.constant 0 : i32
      %dma_start3A_62 = tpu.memref_slice %arg3[%arg0, %add3A_54, %dma_start3A_61] : memref<2x10240x16xf32, #tpu.memory_space<hbm>> -> memref<1x128x16xf32, #tpu.memory_space<hbm>>
      %dma_start3A_63 = tpu.memref_squeeze %dma_start3A_62 : memref<1x128x16xf32, #tpu.memory_space<hbm>> -> memref<128x16xf32, #tpu.memory_space<hbm>>
      tpu.enqueue_dma source(%arg6 : memref<128x16xf32, #tpu.memory_space<vmem>>) target(%dma_start3A_63 : memref<128x16xf32, #tpu.memory_space<hbm>>) target_semaphore(%run_scoped3A : memref<!tpu.dma_semaphore, #tpu.memory_space<semaphore_mem>>)
      %dma_wait3A = arith.constant 0 : i32
      %dma_wait3A_64 = tpu.memref_slice %arg3[%arg0, %add3A_54, %dma_wait3A] : memref<2x10240x16xf32, #tpu.memory_space<hbm>> -> memref<1x128x16xf32, #tpu.memory_space<hbm>>
      %dma_wait3A_65 = tpu.memref_squeeze %dma_wait3A_64 : memref<1x128x16xf32, #tpu.memory_space<hbm>> -> memref<128x16xf32, #tpu.memory_space<hbm>>
      %dma_wait3A_66 = arith.constant 0 : i32
      %dma_wait3A_67 = tpu.memref_slice %arg3[%arg0, %add3A_54, %dma_wait3A_66] : memref<2x10240x16xf32, #tpu.memory_space<hbm>> -> memref<1x128x16xf32, #tpu.memory_space<hbm>>
      %dma_wait3A_68 = tpu.memref_squeeze %dma_wait3A_67 : memref<1x128x16xf32, #tpu.memory_space<hbm>> -> memref<128x16xf32, #tpu.memory_space<hbm>>
      tpu.wait_dma2 semaphore(%run_scoped3A : memref<!tpu.dma_semaphore, #tpu.memory_space<semaphore_mem>>) src(%arg6 : memref<128x16xf32, #tpu.memory_space<vmem>>) dst(%dma_wait3A_68 : memref<128x16xf32, #tpu.memory_space<hbm>>)
      tpu.yield
    }) : () -> ()
    %mul3A_55 = arith.constant 640 : i32
    %mul3A_56 = arith.muli %arg1, %mul3A_55 : i32
    %add3A_57 = arith.constant 512 : i32
    %add3A_58 = arith.addi %mul3A_56, %add3A_57 : i32
    "tpu.region"() ({
      %run_scoped3A = tpu.sem_alloc : memref<!tpu.dma_semaphore, #tpu.memory_space<semaphore_mem>>
      %dma_start3A = arith.constant 0 : i32
      %dma_start3A_59 = tpu.memref_slice %arg7[%add3A_58, %dma_start3A] : memref<10240x16xf32, #tpu.memory_space<vmem_shared>> -> memref<128x16xf32, #tpu.memory_space<vmem_shared>>
      %dma_start3A_60 = arith.constant 0 : i32
      %dma_start3A_61 = tpu.memref_slice %arg7[%add3A_58, %dma_start3A_60] : memref<10240x16xf32, #tpu.memory_space<vmem_shared>> -> memref<128x16xf32, #tpu.memory_space<vmem_shared>>
      tpu.enqueue_dma source(%dma_start3A_61 : memref<128x16xf32, #tpu.memory_space<vmem_shared>>) target(%arg6 : memref<128x16xf32, #tpu.memory_space<vmem>>) target_semaphore(%run_scoped3A : memref<!tpu.dma_semaphore, #tpu.memory_space<semaphore_mem>>)
      %dma_wait3A = arith.constant 0 : i32
      %dma_wait3A_62 = tpu.memref_slice %arg7[%add3A_58, %dma_wait3A] : memref<10240x16xf32, #tpu.memory_space<vmem_shared>> -> memref<128x16xf32, #tpu.memory_space<vmem_shared>>
      %dma_wait3A_63 = arith.constant 0 : i32
      %dma_wait3A_64 = tpu.memref_slice %arg7[%add3A_58, %dma_wait3A_63] : memref<10240x16xf32, #tpu.memory_space<vmem_shared>> -> memref<128x16xf32, #tpu.memory_space<vmem_shared>>
      tpu.wait_dma2 semaphore(%run_scoped3A : memref<!tpu.dma_semaphore, #tpu.memory_space<semaphore_mem>>) src(%dma_wait3A_64 : memref<128x16xf32, #tpu.memory_space<vmem_shared>>) dst(%arg6 : memref<128x16xf32, #tpu.memory_space<vmem>>)
      tpu.yield
    }) : () -> ()
    "tpu.region"() ({
      %run_scoped3A = tpu.sem_alloc : memref<!tpu.dma_semaphore, #tpu.memory_space<semaphore_mem>>
      %dma_start3A = arith.constant 0 : i32
      %dma_start3A_59 = tpu.memref_slice %arg3[%arg0, %add3A_58, %dma_start3A] : memref<2x10240x16xf32, #tpu.memory_space<hbm>> -> memref<1x128x16xf32, #tpu.memory_space<hbm>>
      %dma_start3A_60 = tpu.memref_squeeze %dma_start3A_59 : memref<1x128x16xf32, #tpu.memory_space<hbm>> -> memref<128x16xf32, #tpu.memory_space<hbm>>
      %dma_start3A_61 = arith.constant 0 : i32
      %dma_start3A_62 = tpu.memref_slice %arg3[%arg0, %add3A_58, %dma_start3A_61] : memref<2x10240x16xf32, #tpu.memory_space<hbm>> -> memref<1x128x16xf32, #tpu.memory_space<hbm>>
      %dma_start3A_63 = tpu.memref_squeeze %dma_start3A_62 : memref<1x128x16xf32, #tpu.memory_space<hbm>> -> memref<128x16xf32, #tpu.memory_space<hbm>>
      tpu.enqueue_dma source(%arg6 : memref<128x16xf32, #tpu.memory_space<vmem>>) target(%dma_start3A_63 : memref<128x16xf32, #tpu.memory_space<hbm>>) target_semaphore(%run_scoped3A : memref<!tpu.dma_semaphore, #tpu.memory_space<semaphore_mem>>)
      %dma_wait3A = arith.constant 0 : i32
      %dma_wait3A_64 = tpu.memref_slice %arg3[%arg0, %add3A_58, %dma_wait3A] : memref<2x10240x16xf32, #tpu.memory_space<hbm>> -> memref<1x128x16xf32, #tpu.memory_space<hbm>>
      %dma_wait3A_65 = tpu.memref_squeeze %dma_wait3A_64 : memref<1x128x16xf32, #tpu.memory_space<hbm>> -> memref<128x16xf32, #tpu.memory_space<hbm>>
      %dma_wait3A_66 = arith.constant 0 : i32
      %dma_wait3A_67 = tpu.memref_slice %arg3[%arg0, %add3A_58, %dma_wait3A_66] : memref<2x10240x16xf32, #tpu.memory_space<hbm>> -> memref<1x128x16xf32, #tpu.memory_space<hbm>>
      %dma_wait3A_68 = tpu.memref_squeeze %dma_wait3A_67 : memref<1x128x16xf32, #tpu.memory_space<hbm>> -> memref<128x16xf32, #tpu.memory_space<hbm>>
      tpu.wait_dma2 semaphore(%run_scoped3A : memref<!tpu.dma_semaphore, #tpu.memory_space<semaphore_mem>>) src(%arg6 : memref<128x16xf32, #tpu.memory_space<vmem>>) dst(%dma_wait3A_68 : memref<128x16xf32, #tpu.memory_space<hbm>>)
      tpu.yield
    }) : () -> ()
    return
  }
}

#map = affine_map<(d0, d1) -> (0, 0, 0)>
module attributes {stable_mosaic.version = 14 : i64} {
  func.func @_sc_conv_body(%arg0: i32, %arg1: i32, %arg2: memref<2x10000x64xf32, #tpu.memory_space<hbm>>, %arg3: memref<16x250x80xi32, #tpu.memory_space<hbm>>, %arg4: memref<16x250x80xi32, #tpu.memory_space<hbm>>, %arg5: memref<2x10240x64xf32, #tpu.memory_space<hbm>>, %arg6: memref<250x80xi32, #tpu.memory_space<vmem>>, %arg7: memref<250x80xi32, #tpu.memory_space<vmem>>, %arg8: memref<80x64xf32, #tpu.memory_space<vmem>>, %arg9: memref<80x64xf32, #tpu.memory_space<vmem>>, %arg10: memref<128x64xf32, #tpu.memory_space<vmem>>, %arg11: memref<10240x64xf32, #tpu.memory_space<vmem_shared>>, %arg12: memref<!tpu.dma_semaphore, #tpu.memory_space<semaphore_mem>>, %arg13: memref<!tpu.dma_semaphore, #tpu.memory_space<semaphore_mem>>) attributes {dimension_semantics = [#tpu.dimension_semantics<core_parallel>, #tpu.dimension_semantics<subcore_parallel>], iteration_bounds = array<i64: 2, 16>, scalar_prefetch = 0 : i64, scratch_operands = 8 : i64, tpu.core_type = #tpu.core_type<sc_vector_subcore>, window_params = [{transform_indices = #map}, {transform_indices = #map}, {transform_indices = #map}, {transform_indices = #map}]} {
    %scan3A = arith.constant 0 : i32
    %scan3A_0 = arith.constant 0 : i32
    %scan3A_1 = arith.constant 128 : i32
    %scan3A_2 = arith.addi %scan3A_0, %scan3A_1 : i32
    %scan3A_3 = arith.constant 1 : i32
    scf.for %scan3A_60 = %scan3A_0 to %scan3A_2 step %scan3A_3  : i32 {
      %broadcast_in_dim3A = arith.constant 0.000000e+00 : f32
      %broadcast_in_dim3A_61 = vector.broadcast %broadcast_in_dim3A : f32 to vector<16xf32>
      %swap3A = arith.index_cast %scan3A_60 : i32 to index
      %swap3A_62 = arith.constant 0 : index
      %swap3A_63 = tpu.vector_load %arg10[%swap3A, %swap3A_62] {strides = array<i32>} : memref<128x64xf32, #tpu.memory_space<vmem>>, vector<1x16xf32>,
      %swap3A_64 = vector.shape_cast %swap3A_63 : vector<1x16xf32> to vector<16xf32>
      %swap3A_65 = vector.shape_cast %broadcast_in_dim3A_61 : vector<16xf32> to vector<1x16xf32>
      tpu.vector_store %arg10[%swap3A, %swap3A_62], %swap3A_65 {strides = array<i32>} : memref<128x64xf32, #tpu.memory_space<vmem>>, vector<1x16xf32>,
      %broadcast_in_dim3A_66 = arith.constant 0.000000e+00 : f32
      %broadcast_in_dim3A_67 = vector.broadcast %broadcast_in_dim3A_66 : f32 to vector<16xf32>
      %swap3A_68 = arith.index_cast %scan3A_60 : i32 to index
      %swap3A_69 = arith.constant 16 : index
      %swap3A_70 = tpu.vector_load %arg10[%swap3A_68, %swap3A_69] {strides = array<i32>} : memref<128x64xf32, #tpu.memory_space<vmem>>, vector<1x16xf32>,
      %swap3A_71 = vector.shape_cast %swap3A_70 : vector<1x16xf32> to vector<16xf32>
      %swap3A_72 = vector.shape_cast %broadcast_in_dim3A_67 : vector<16xf32> to vector<1x16xf32>
      tpu.vector_store %arg10[%swap3A_68, %swap3A_69], %swap3A_72 {strides = array<i32>} : memref<128x64xf32, #tpu.memory_space<vmem>>, vector<1x16xf32>,
      %broadcast_in_dim3A_73 = arith.constant 0.000000e+00 : f32
      %broadcast_in_dim3A_74 = vector.broadcast %broadcast_in_dim3A_73 : f32 to vector<16xf32>
      %swap3A_75 = arith.index_cast %scan3A_60 : i32 to index
      %swap3A_76 = arith.constant 32 : index
      %swap3A_77 = tpu.vector_load %arg10[%swap3A_75, %swap3A_76] {strides = array<i32>} : memref<128x64xf32, #tpu.memory_space<vmem>>, vector<1x16xf32>,
      %swap3A_78 = vector.shape_cast %swap3A_77 : vector<1x16xf32> to vector<16xf32>
      %swap3A_79 = vector.shape_cast %broadcast_in_dim3A_74 : vector<16xf32> to vector<1x16xf32>
      tpu.vector_store %arg10[%swap3A_75, %swap3A_76], %swap3A_79 {strides = array<i32>} : memref<128x64xf32, #tpu.memory_space<vmem>>, vector<1x16xf32>,
      %broadcast_in_dim3A_80 = arith.constant 0.000000e+00 : f32
      %broadcast_in_dim3A_81 = vector.broadcast %broadcast_in_dim3A_80 : f32 to vector<16xf32>
      %swap3A_82 = arith.index_cast %scan3A_60 : i32 to index
      %swap3A_83 = arith.constant 48 : index
      %swap3A_84 = tpu.vector_load %arg10[%swap3A_82, %swap3A_83] {strides = array<i32>} : memref<128x64xf32, #tpu.memory_space<vmem>>, vector<1x16xf32>,
      %swap3A_85 = vector.shape_cast %swap3A_84 : vector<1x16xf32> to vector<16xf32>
      %swap3A_86 = vector.shape_cast %broadcast_in_dim3A_81 : vector<16xf32> to vector<1x16xf32>
      tpu.vector_store %arg10[%swap3A_82, %swap3A_83], %swap3A_86 {strides = array<i32>} : memref<128x64xf32, #tpu.memory_space<vmem>>, vector<1x16xf32>,
    }
    %scan3A_4 = arith.constant 128 : i32
    %mul3A = arith.constant 640 : i32
    %mul3A_5 = arith.muli %arg1, %mul3A : i32
    %add3A = arith.constant 0 : i32
    %add3A_6 = arith.addi %mul3A_5, %add3A : i32
    "tpu.region"() ({
      %run_scoped3A = tpu.sem_alloc : memref<!tpu.dma_semaphore, #tpu.memory_space<semaphore_mem>>
      %dma_start3A_60 = arith.constant 0 : i32
      %dma_start3A_61 = tpu.memref_slice %arg11[%add3A_6, %dma_start3A_60] : memref<10240x64xf32, #tpu.memory_space<vmem_shared>> -> memref<128x64xf32, #tpu.memory_space<vmem_shared>>
      %dma_start3A_62 = arith.constant 0 : i32
      %dma_start3A_63 = tpu.memref_slice %arg11[%add3A_6, %dma_start3A_62] : memref<10240x64xf32, #tpu.memory_space<vmem_shared>> -> memref<128x64xf32, #tpu.memory_space<vmem_shared>>
      tpu.enqueue_dma source(%arg10 : memref<128x64xf32, #tpu.memory_space<vmem>>) target(%dma_start3A_63 : memref<128x64xf32, #tpu.memory_space<vmem_shared>>) target_semaphore(%run_scoped3A : memref<!tpu.dma_semaphore, #tpu.memory_space<semaphore_mem>>)
      %dma_wait3A = arith.constant 0 : i32
      %dma_wait3A_64 = tpu.memref_slice %arg11[%add3A_6, %dma_wait3A] : memref<10240x64xf32, #tpu.memory_space<vmem_shared>> -> memref<128x64xf32, #tpu.memory_space<vmem_shared>>
      %dma_wait3A_65 = arith.constant 0 : i32
      %dma_wait3A_66 = tpu.memref_slice %arg11[%add3A_6, %dma_wait3A_65] : memref<10240x64xf32, #tpu.memory_space<vmem_shared>> -> memref<128x64xf32, #tpu.memory_space<vmem_shared>>
      tpu.wait_dma2 semaphore(%run_scoped3A : memref<!tpu.dma_semaphore, #tpu.memory_space<semaphore_mem>>) src(%arg10 : memref<128x64xf32, #tpu.memory_space<vmem>>) dst(%dma_wait3A_66 : memref<128x64xf32, #tpu.memory_space<vmem_shared>>)
      tpu.yield
    }) : () -> ()
    %mul3A_7 = arith.constant 640 : i32
    %mul3A_8 = arith.muli %arg1, %mul3A_7 : i32
    %add3A_9 = arith.constant 128 : i32
    %add3A_10 = arith.addi %mul3A_8, %add3A_9 : i32
    "tpu.region"() ({
      %run_scoped3A = tpu.sem_alloc : memref<!tpu.dma_semaphore, #tpu.memory_space<semaphore_mem>>
      %dma_start3A_60 = arith.constant 0 : i32
      %dma_start3A_61 = tpu.memref_slice %arg11[%add3A_10, %dma_start3A_60] : memref<10240x64xf32, #tpu.memory_space<vmem_shared>> -> memref<128x64xf32, #tpu.memory_space<vmem_shared>>
      %dma_start3A_62 = arith.constant 0 : i32
      %dma_start3A_63 = tpu.memref_slice %arg11[%add3A_10, %dma_start3A_62] : memref<10240x64xf32, #tpu.memory_space<vmem_shared>> -> memref<128x64xf32, #tpu.memory_space<vmem_shared>>
      tpu.enqueue_dma source(%arg10 : memref<128x64xf32, #tpu.memory_space<vmem>>) target(%dma_start3A_63 : memref<128x64xf32, #tpu.memory_space<vmem_shared>>) target_semaphore(%run_scoped3A : memref<!tpu.dma_semaphore, #tpu.memory_space<semaphore_mem>>)
      %dma_wait3A = arith.constant 0 : i32
      %dma_wait3A_64 = tpu.memref_slice %arg11[%add3A_10, %dma_wait3A] : memref<10240x64xf32, #tpu.memory_space<vmem_shared>> -> memref<128x64xf32, #tpu.memory_space<vmem_shared>>
      %dma_wait3A_65 = arith.constant 0 : i32
      %dma_wait3A_66 = tpu.memref_slice %arg11[%add3A_10, %dma_wait3A_65] : memref<10240x64xf32, #tpu.memory_space<vmem_shared>> -> memref<128x64xf32, #tpu.memory_space<vmem_shared>>
      tpu.wait_dma2 semaphore(%run_scoped3A : memref<!tpu.dma_semaphore, #tpu.memory_space<semaphore_mem>>) src(%arg10 : memref<128x64xf32, #tpu.memory_space<vmem>>) dst(%dma_wait3A_66 : memref<128x64xf32, #tpu.memory_space<vmem_shared>>)
      tpu.yield
    }) : () -> ()
    %mul3A_11 = arith.constant 640 : i32
    %mul3A_12 = arith.muli %arg1, %mul3A_11 : i32
    %add3A_13 = arith.constant 256 : i32
    %add3A_14 = arith.addi %mul3A_12, %add3A_13 : i32
    "tpu.region"() ({
      %run_scoped3A = tpu.sem_alloc : memref<!tpu.dma_semaphore, #tpu.memory_space<semaphore_mem>>
      %dma_start3A_60 = arith.constant 0 : i32
      %dma_start3A_61 = tpu.memref_slice %arg11[%add3A_14, %dma_start3A_60] : memref<10240x64xf32, #tpu.memory_space<vmem_shared>> -> memref<128x64xf32, #tpu.memory_space<vmem_shared>>
      %dma_start3A_62 = arith.constant 0 : i32
      %dma_start3A_63 = tpu.memref_slice %arg11[%add3A_14, %dma_start3A_62] : memref<10240x64xf32, #tpu.memory_space<vmem_shared>> -> memref<128x64xf32, #tpu.memory_space<vmem_shared>>
      tpu.enqueue_dma source(%arg10 : memref<128x64xf32, #tpu.memory_space<vmem>>) target(%dma_start3A_63 : memref<128x64xf32, #tpu.memory_space<vmem_shared>>) target_semaphore(%run_scoped3A : memref<!tpu.dma_semaphore, #tpu.memory_space<semaphore_mem>>)
      %dma_wait3A = arith.constant 0 : i32
      %dma_wait3A_64 = tpu.memref_slice %arg11[%add3A_14, %dma_wait3A] : memref<10240x64xf32, #tpu.memory_space<vmem_shared>> -> memref<128x64xf32, #tpu.memory_space<vmem_shared>>
      %dma_wait3A_65 = arith.constant 0 : i32
      %dma_wait3A_66 = tpu.memref_slice %arg11[%add3A_14, %dma_wait3A_65] : memref<10240x64xf32, #tpu.memory_space<vmem_shared>> -> memref<128x64xf32, #tpu.memory_space<vmem_shared>>
      tpu.wait_dma2 semaphore(%run_scoped3A : memref<!tpu.dma_semaphore, #tpu.memory_space<semaphore_mem>>) src(%arg10 : memref<128x64xf32, #tpu.memory_space<vmem>>) dst(%dma_wait3A_66 : memref<128x64xf32, #tpu.memory_space<vmem_shared>>)
      tpu.yield
    }) : () -> ()
    %mul3A_15 = arith.constant 640 : i32
    %mul3A_16 = arith.muli %arg1, %mul3A_15 : i32
    %add3A_17 = arith.constant 384 : i32
    %add3A_18 = arith.addi %mul3A_16, %add3A_17 : i32
    "tpu.region"() ({
      %run_scoped3A = tpu.sem_alloc : memref<!tpu.dma_semaphore, #tpu.memory_space<semaphore_mem>>
      %dma_start3A_60 = arith.constant 0 : i32
      %dma_start3A_61 = tpu.memref_slice %arg11[%add3A_18, %dma_start3A_60] : memref<10240x64xf32, #tpu.memory_space<vmem_shared>> -> memref<128x64xf32, #tpu.memory_space<vmem_shared>>
      %dma_start3A_62 = arith.constant 0 : i32
      %dma_start3A_63 = tpu.memref_slice %arg11[%add3A_18, %dma_start3A_62] : memref<10240x64xf32, #tpu.memory_space<vmem_shared>> -> memref<128x64xf32, #tpu.memory_space<vmem_shared>>
      tpu.enqueue_dma source(%arg10 : memref<128x64xf32, #tpu.memory_space<vmem>>) target(%dma_start3A_63 : memref<128x64xf32, #tpu.memory_space<vmem_shared>>) target_semaphore(%run_scoped3A : memref<!tpu.dma_semaphore, #tpu.memory_space<semaphore_mem>>)
      %dma_wait3A = arith.constant 0 : i32
      %dma_wait3A_64 = tpu.memref_slice %arg11[%add3A_18, %dma_wait3A] : memref<10240x64xf32, #tpu.memory_space<vmem_shared>> -> memref<128x64xf32, #tpu.memory_space<vmem_shared>>
      %dma_wait3A_65 = arith.constant 0 : i32
      %dma_wait3A_66 = tpu.memref_slice %arg11[%add3A_18, %dma_wait3A_65] : memref<10240x64xf32, #tpu.memory_space<vmem_shared>> -> memref<128x64xf32, #tpu.memory_space<vmem_shared>>
      tpu.wait_dma2 semaphore(%run_scoped3A : memref<!tpu.dma_semaphore, #tpu.memory_space<semaphore_mem>>) src(%arg10 : memref<128x64xf32, #tpu.memory_space<vmem>>) dst(%dma_wait3A_66 : memref<128x64xf32, #tpu.memory_space<vmem_shared>>)
      tpu.yield
    }) : () -> ()
    %mul3A_19 = arith.constant 640 : i32
    %mul3A_20 = arith.muli %arg1, %mul3A_19 : i32
    %add3A_21 = arith.constant 512 : i32
    %add3A_22 = arith.addi %mul3A_20, %add3A_21 : i32
    "tpu.region"() ({
      %run_scoped3A = tpu.sem_alloc : memref<!tpu.dma_semaphore, #tpu.memory_space<semaphore_mem>>
      %dma_start3A_60 = arith.constant 0 : i32
      %dma_start3A_61 = tpu.memref_slice %arg11[%add3A_22, %dma_start3A_60] : memref<10240x64xf32, #tpu.memory_space<vmem_shared>> -> memref<128x64xf32, #tpu.memory_space<vmem_shared>>
      %dma_start3A_62 = arith.constant 0 : i32
      %dma_start3A_63 = tpu.memref_slice %arg11[%add3A_22, %dma_start3A_62] : memref<10240x64xf32, #tpu.memory_space<vmem_shared>> -> memref<128x64xf32, #tpu.memory_space<vmem_shared>>
      tpu.enqueue_dma source(%arg10 : memref<128x64xf32, #tpu.memory_space<vmem>>) target(%dma_start3A_63 : memref<128x64xf32, #tpu.memory_space<vmem_shared>>) target_semaphore(%run_scoped3A : memref<!tpu.dma_semaphore, #tpu.memory_space<semaphore_mem>>)
      %dma_wait3A = arith.constant 0 : i32
      %dma_wait3A_64 = tpu.memref_slice %arg11[%add3A_22, %dma_wait3A] : memref<10240x64xf32, #tpu.memory_space<vmem_shared>> -> memref<128x64xf32, #tpu.memory_space<vmem_shared>>
      %dma_wait3A_65 = arith.constant 0 : i32
      %dma_wait3A_66 = tpu.memref_slice %arg11[%add3A_22, %dma_wait3A_65] : memref<10240x64xf32, #tpu.memory_space<vmem_shared>> -> memref<128x64xf32, #tpu.memory_space<vmem_shared>>
      tpu.wait_dma2 semaphore(%run_scoped3A : memref<!tpu.dma_semaphore, #tpu.memory_space<semaphore_mem>>) src(%arg10 : memref<128x64xf32, #tpu.memory_space<vmem>>) dst(%dma_wait3A_66 : memref<128x64xf32, #tpu.memory_space<vmem_shared>>)
      tpu.yield
    }) : () -> ()
    %barrier3A = arith.constant 0 : index
    tpu.barrier barrier_id(%barrier3A)
    "tpu.region"() ({
      %run_scoped3A = tpu.sem_alloc : memref<!tpu.dma_semaphore, #tpu.memory_space<semaphore_mem>>
      %dma_start3A_60 = arith.constant 0 : i32
      %dma_start3A_61 = arith.constant 0 : i32
      %dma_start3A_62 = tpu.memref_slice %arg3[%arg1, %dma_start3A_60, %dma_start3A_61] : memref<16x250x80xi32, #tpu.memory_space<hbm>> -> memref<1x250x80xi32, #tpu.memory_space<hbm>>
      %dma_start3A_63 = tpu.memref_squeeze %dma_start3A_62 : memref<1x250x80xi32, #tpu.memory_space<hbm>> -> memref<250x80xi32, #tpu.memory_space<hbm>>
      %dma_start3A_64 = arith.constant 0 : i32
      %dma_start3A_65 = arith.constant 0 : i32
      %dma_start3A_66 = tpu.memref_slice %arg3[%arg1, %dma_start3A_64, %dma_start3A_65] : memref<16x250x80xi32, #tpu.memory_space<hbm>> -> memref<1x250x80xi32, #tpu.memory_space<hbm>>
      %dma_start3A_67 = tpu.memref_squeeze %dma_start3A_66 : memref<1x250x80xi32, #tpu.memory_space<hbm>> -> memref<250x80xi32, #tpu.memory_space<hbm>>
      tpu.enqueue_dma source(%dma_start3A_67 : memref<250x80xi32, #tpu.memory_space<hbm>>) target(%arg6 : memref<250x80xi32, #tpu.memory_space<vmem>>) target_semaphore(%run_scoped3A : memref<!tpu.dma_semaphore, #tpu.memory_space<semaphore_mem>>)
      %dma_wait3A = arith.constant 0 : i32
      %dma_wait3A_68 = arith.constant 0 : i32
      %dma_wait3A_69 = tpu.memref_slice %arg3[%arg1, %dma_wait3A, %dma_wait3A_68] : memref<16x250x80xi32, #tpu.memory_space<hbm>> -> memref<1x250x80xi32, #tpu.memory_space<hbm>>
      %dma_wait3A_70 = tpu.memref_squeeze %dma_wait3A_69 : memref<1x250x80xi32, #tpu.memory_space<hbm>> -> memref<250x80xi32, #tpu.memory_space<hbm>>
      %dma_wait3A_71 = arith.constant 0 : i32
      %dma_wait3A_72 = arith.constant 0 : i32
      %dma_wait3A_73 = tpu.memref_slice %arg3[%arg1, %dma_wait3A_71, %dma_wait3A_72] : memref<16x250x80xi32, #tpu.memory_space<hbm>> -> memref<1x250x80xi32, #tpu.memory_space<hbm>>
      %dma_wait3A_74 = tpu.memref_squeeze %dma_wait3A_73 : memref<1x250x80xi32, #tpu.memory_space<hbm>> -> memref<250x80xi32, #tpu.memory_space<hbm>>
      tpu.wait_dma2 semaphore(%run_scoped3A : memref<!tpu.dma_semaphore, #tpu.memory_space<semaphore_mem>>) src(%dma_wait3A_74 : memref<250x80xi32, #tpu.memory_space<hbm>>) dst(%arg6 : memref<250x80xi32, #tpu.memory_space<vmem>>)
      tpu.yield
    }) : () -> ()
    "tpu.region"() ({
      %run_scoped3A = tpu.sem_alloc : memref<!tpu.dma_semaphore, #tpu.memory_space<semaphore_mem>>
      %dma_start3A_60 = arith.constant 0 : i32
      %dma_start3A_61 = arith.constant 0 : i32
      %dma_start3A_62 = tpu.memref_slice %arg4[%arg1, %dma_start3A_60, %dma_start3A_61] : memref<16x250x80xi32, #tpu.memory_space<hbm>> -> memref<1x250x80xi32, #tpu.memory_space<hbm>>
      %dma_start3A_63 = tpu.memref_squeeze %dma_start3A_62 : memref<1x250x80xi32, #tpu.memory_space<hbm>> -> memref<250x80xi32, #tpu.memory_space<hbm>>
      %dma_start3A_64 = arith.constant 0 : i32
      %dma_start3A_65 = arith.constant 0 : i32
      %dma_start3A_66 = tpu.memref_slice %arg4[%arg1, %dma_start3A_64, %dma_start3A_65] : memref<16x250x80xi32, #tpu.memory_space<hbm>> -> memref<1x250x80xi32, #tpu.memory_space<hbm>>
      %dma_start3A_67 = tpu.memref_squeeze %dma_start3A_66 : memref<1x250x80xi32, #tpu.memory_space<hbm>> -> memref<250x80xi32, #tpu.memory_space<hbm>>
      tpu.enqueue_dma source(%dma_start3A_67 : memref<250x80xi32, #tpu.memory_space<hbm>>) target(%arg7 : memref<250x80xi32, #tpu.memory_space<vmem>>) target_semaphore(%run_scoped3A : memref<!tpu.dma_semaphore, #tpu.memory_space<semaphore_mem>>)
      %dma_wait3A = arith.constant 0 : i32
      %dma_wait3A_68 = arith.constant 0 : i32
      %dma_wait3A_69 = tpu.memref_slice %arg4[%arg1, %dma_wait3A, %dma_wait3A_68] : memref<16x250x80xi32, #tpu.memory_space<hbm>> -> memref<1x250x80xi32, #tpu.memory_space<hbm>>
      %dma_wait3A_70 = tpu.memref_squeeze %dma_wait3A_69 : memref<1x250x80xi32, #tpu.memory_space<hbm>> -> memref<250x80xi32, #tpu.memory_space<hbm>>
      %dma_wait3A_71 = arith.constant 0 : i32
      %dma_wait3A_72 = arith.constant 0 : i32
      %dma_wait3A_73 = tpu.memref_slice %arg4[%arg1, %dma_wait3A_71, %dma_wait3A_72] : memref<16x250x80xi32, #tpu.memory_space<hbm>> -> memref<1x250x80xi32, #tpu.memory_space<hbm>>
      %dma_wait3A_74 = tpu.memref_squeeze %dma_wait3A_73 : memref<1x250x80xi32, #tpu.memory_space<hbm>> -> memref<250x80xi32, #tpu.memory_space<hbm>>
      tpu.wait_dma2 semaphore(%run_scoped3A : memref<!tpu.dma_semaphore, #tpu.memory_space<semaphore_mem>>) src(%dma_wait3A_74 : memref<250x80xi32, #tpu.memory_space<hbm>>) dst(%arg7 : memref<250x80xi32, #tpu.memory_space<vmem>>)
      tpu.yield
    }) : () -> ()
    %dma_start3A = arith.constant 0 : i32
    %dma_start3A_23 = arith.constant 0 : i32
    %dma_start3A_24 = tpu.memref_slice %arg6[%dma_start3A, %dma_start3A_23] : memref<250x80xi32, #tpu.memory_space<vmem>> -> memref<1x80xi32, #tpu.memory_space<vmem>>
    %dma_start3A_25 = tpu.memref_squeeze %dma_start3A_24 : memref<1x80xi32, #tpu.memory_space<vmem>> -> memref<80xi32, #tpu.memory_space<vmem>>
    %dma_start3A_26 = arith.constant 0 : i32
    %dma_start3A_27 = arith.constant 0 : i32
    %dma_start3A_28 = tpu.memref_slice %arg2[%arg0, %dma_start3A_26, %dma_start3A_27] : memref<2x10000x64xf32, #tpu.memory_space<hbm>> -> memref<1x10000x64xf32, #tpu.memory_space<hbm>>
    %dma_start3A_29 = tpu.memref_squeeze %dma_start3A_28 : memref<1x10000x64xf32, #tpu.memory_space<hbm>> -> memref<10000x64xf32, #tpu.memory_space<hbm>>
    %dma_start3A_30 = arith.constant 0 : i32
    %dma_start3A_31 = arith.constant 0 : i32
    %dma_start3A_32 = tpu.memref_slice %dma_start3A_29[%dma_start3A_30, %dma_start3A_31] : memref<10000x64xf32, #tpu.memory_space<hbm>> -> memref<10000x64xf32, #tpu.memory_space<hbm>>
    tpu.enqueue_indirect_dma source(%dma_start3A_32 : memref<10000x64xf32, #tpu.memory_space<hbm>>) target(%arg8 : memref<80x64xf32, #tpu.memory_space<vmem>>) offsets(%dma_start3A_25 : memref<80xi32, #tpu.memory_space<vmem>>) semaphore(%arg12 : memref<!tpu.dma_semaphore, #tpu.memory_space<semaphore_mem>>)
    %scan3A_33 = arith.constant 0 : i32
    %scan3A_34 = arith.constant 0 : i32
    %scan3A_35 = arith.constant 125 : i32
    %scan3A_36 = arith.addi %scan3A_34, %scan3A_35 : i32
    %scan3A_37 = arith.constant 1 : i32
    scf.for %scan3A_60 = %scan3A_34 to %scan3A_36 step %scan3A_37  : i32 {
      %mul3A_61 = arith.constant 2 : i32
      %mul3A_62 = arith.muli %mul3A_61, %scan3A_60 : i32
      %dma_wait3A = arith.constant 0 : i32
      %dma_wait3A_63 = tpu.memref_slice %arg6[%mul3A_62, %dma_wait3A] : memref<250x80xi32, #tpu.memory_space<vmem>> -> memref<1x80xi32, #tpu.memory_space<vmem>>
      %dma_wait3A_64 = tpu.memref_squeeze %dma_wait3A_63 : memref<1x80xi32, #tpu.memory_space<vmem>> -> memref<80xi32, #tpu.memory_space<vmem>>
      %dma_wait3A_65 = arith.constant 0 : i32
      %dma_wait3A_66 = arith.constant 0 : i32
      %dma_wait3A_67 = tpu.memref_slice %arg2[%arg0, %dma_wait3A_65, %dma_wait3A_66] : memref<2x10000x64xf32, #tpu.memory_space<hbm>> -> memref<1x10000x64xf32, #tpu.memory_space<hbm>>
      %dma_wait3A_68 = tpu.memref_squeeze %dma_wait3A_67 : memref<1x10000x64xf32, #tpu.memory_space<hbm>> -> memref<10000x64xf32, #tpu.memory_space<hbm>>
      %dma_wait3A_69 = arith.constant 0 : i32
      %dma_wait3A_70 = arith.constant 0 : i32
      %dma_wait3A_71 = tpu.memref_slice %dma_wait3A_68[%dma_wait3A_69, %dma_wait3A_70] : memref<10000x64xf32, #tpu.memory_space<hbm>> -> memref<10000x64xf32, #tpu.memory_space<hbm>>
      tpu.wait_indirect_dma semaphore(%arg12 : memref<!tpu.dma_semaphore, #tpu.memory_space<semaphore_mem>>) src(%dma_wait3A_71 : memref<10000x64xf32, #tpu.memory_space<hbm>>) dst(%arg8 : memref<80x64xf32, #tpu.memory_space<vmem>>)
      %add3A_72 = arith.constant 1 : i32
      %add3A_73 = arith.addi %mul3A_62, %add3A_72 : i32
      %dma_start3A_74 = arith.constant 0 : i32
      %dma_start3A_75 = tpu.memref_slice %arg6[%add3A_73, %dma_start3A_74] : memref<250x80xi32, #tpu.memory_space<vmem>> -> memref<1x80xi32, #tpu.memory_space<vmem>>
      %dma_start3A_76 = tpu.memref_squeeze %dma_start3A_75 : memref<1x80xi32, #tpu.memory_space<vmem>> -> memref<80xi32, #tpu.memory_space<vmem>>
      %dma_start3A_77 = arith.constant 0 : i32
      %dma_start3A_78 = arith.constant 0 : i32
      %dma_start3A_79 = tpu.memref_slice %arg2[%arg0, %dma_start3A_77, %dma_start3A_78] : memref<2x10000x64xf32, #tpu.memory_space<hbm>> -> memref<1x10000x64xf32, #tpu.memory_space<hbm>>
      %dma_start3A_80 = tpu.memref_squeeze %dma_start3A_79 : memref<1x10000x64xf32, #tpu.memory_space<hbm>> -> memref<10000x64xf32, #tpu.memory_space<hbm>>
      %dma_start3A_81 = arith.constant 0 : i32
      %dma_start3A_82 = arith.constant 0 : i32
      %dma_start3A_83 = tpu.memref_slice %dma_start3A_80[%dma_start3A_81, %dma_start3A_82] : memref<10000x64xf32, #tpu.memory_space<hbm>> -> memref<10000x64xf32, #tpu.memory_space<hbm>>
      tpu.enqueue_indirect_dma source(%dma_start3A_83 : memref<10000x64xf32, #tpu.memory_space<hbm>>) target(%arg9 : memref<80x64xf32, #tpu.memory_space<vmem>>) offsets(%dma_start3A_76 : memref<80xi32, #tpu.memory_space<vmem>>) semaphore(%arg13 : memref<!tpu.dma_semaphore, #tpu.memory_space<semaphore_mem>>)
      "tpu.region"() ({
        %run_scoped3A = tpu.sem_alloc : memref<!tpu.dma_semaphore, #tpu.memory_space<semaphore_mem>>
        %dma_start3A_100 = arith.constant 0 : i32
        %dma_start3A_101 = tpu.memref_slice %arg7[%mul3A_62, %dma_start3A_100] : memref<250x80xi32, #tpu.memory_space<vmem>> -> memref<1x80xi32, #tpu.memory_space<vmem>>
        %dma_start3A_102 = tpu.memref_squeeze %dma_start3A_101 : memref<1x80xi32, #tpu.memory_space<vmem>> -> memref<80xi32, #tpu.memory_space<vmem>>
        %dma_start3A_103 = arith.constant 0 : i32
        %dma_start3A_104 = arith.constant 0 : i32
        %dma_start3A_105 = tpu.memref_slice %arg11[%dma_start3A_103, %dma_start3A_104] : memref<10240x64xf32, #tpu.memory_space<vmem_shared>> -> memref<10240x64xf32, #tpu.memory_space<vmem_shared>>
        tpu.enqueue_indirect_dma source(%arg8 : memref<80x64xf32, #tpu.memory_space<vmem>>) target(%dma_start3A_105 : memref<10240x64xf32, #tpu.memory_space<vmem_shared>>) offsets(%dma_start3A_102 : memref<80xi32, #tpu.memory_space<vmem>>) semaphore(%run_scoped3A : memref<!tpu.dma_semaphore, #tpu.memory_space<semaphore_mem>>) {add = true}
        %dma_wait3A_106 = arith.constant 0 : i32
        %dma_wait3A_107 = tpu.memref_slice %arg7[%mul3A_62, %dma_wait3A_106] : memref<250x80xi32, #tpu.memory_space<vmem>> -> memref<1x80xi32, #tpu.memory_space<vmem>>
        %dma_wait3A_108 = tpu.memref_squeeze %dma_wait3A_107 : memref<1x80xi32, #tpu.memory_space<vmem>> -> memref<80xi32, #tpu.memory_space<vmem>>
        %dma_wait3A_109 = arith.constant 0 : i32
        %dma_wait3A_110 = arith.constant 0 : i32
        %dma_wait3A_111 = tpu.memref_slice %arg11[%dma_wait3A_109, %dma_wait3A_110] : memref<10240x64xf32, #tpu.memory_space<vmem_shared>> -> memref<10240x64xf32, #tpu.memory_space<vmem_shared>>
        tpu.wait_indirect_dma semaphore(%run_scoped3A : memref<!tpu.dma_semaphore, #tpu.memory_space<semaphore_mem>>) src(%arg8 : memref<80x64xf32, #tpu.memory_space<vmem>>) dst(%dma_wait3A_111 : memref<10240x64xf32, #tpu.memory_space<vmem_shared>>)
        tpu.yield
      }) : () -> ()
      %add3A_84 = arith.constant 1 : i32
      %add3A_85 = arith.addi %mul3A_62, %add3A_84 : i32
      %dma_wait3A_86 = arith.constant 0 : i32
      %dma_wait3A_87 = tpu.memref_slice %arg6[%add3A_85, %dma_wait3A_86] : memref<250x80xi32, #tpu.memory_space<vmem>> -> memref<1x80xi32, #tpu.memory_space<vmem>>
      %dma_wait3A_88 = tpu.memref_squeeze %dma_wait3A_87 : memref<1x80xi32, #tpu.memory_space<vmem>> -> memref<80xi32, #tpu.memory_space<vmem>>
      %dma_wait3A_89 = arith.constant 0 : i32
      %dma_wait3A_90 = arith.constant 0 : i32
      %dma_wait3A_91 = tpu.memref_slice %arg2[%arg0, %dma_wait3A_89, %dma_wait3A_90] : memref<2x10000x64xf32, #tpu.memory_space<hbm>> -> memref<1x10000x64xf32, #tpu.memory_space<hbm>>
      %dma_wait3A_92 = tpu.memref_squeeze %dma_wait3A_91 : memref<1x10000x64xf32, #tpu.memory_space<hbm>> -> memref<10000x64xf32, #tpu.memory_space<hbm>>
      %dma_wait3A_93 = arith.constant 0 : i32
      %dma_wait3A_94 = arith.constant 0 : i32
      %dma_wait3A_95 = tpu.memref_slice %dma_wait3A_92[%dma_wait3A_93, %dma_wait3A_94] : memref<10000x64xf32, #tpu.memory_space<hbm>> -> memref<10000x64xf32, #tpu.memory_space<hbm>>
      tpu.wait_indirect_dma semaphore(%arg13 : memref<!tpu.dma_semaphore, #tpu.memory_space<semaphore_mem>>) src(%dma_wait3A_95 : memref<10000x64xf32, #tpu.memory_space<hbm>>) dst(%arg9 : memref<80x64xf32, #tpu.memory_space<vmem>>)
      %lt3A = arith.constant 124 : i32
      %lt3A_96 = arith.cmpi slt, %scan3A_60, %lt3A : i32
      %convert_element_type3A = arith.extui %lt3A_96 : i1 to i32
      %cond3A = arith.constant 0 : i32
      %cond3A_97 = arith.cmpi ne, %convert_element_type3A, %cond3A : i32
      scf.if %cond3A_97 {
        %add3A_100 = arith.constant 2 : i32
        %add3A_101 = arith.addi %mul3A_62, %add3A_100 : i32
        %dma_start3A_102 = arith.constant 0 : i32
        %dma_start3A_103 = tpu.memref_slice %arg6[%add3A_101, %dma_start3A_102] : memref<250x80xi32, #tpu.memory_space<vmem>> -> memref<1x80xi32, #tpu.memory_space<vmem>>
        %dma_start3A_104 = tpu.memref_squeeze %dma_start3A_103 : memref<1x80xi32, #tpu.memory_space<vmem>> -> memref<80xi32, #tpu.memory_space<vmem>>
        %dma_start3A_105 = arith.constant 0 : i32
        %dma_start3A_106 = arith.constant 0 : i32
        %dma_start3A_107 = tpu.memref_slice %arg2[%arg0, %dma_start3A_105, %dma_start3A_106] : memref<2x10000x64xf32, #tpu.memory_space<hbm>> -> memref<1x10000x64xf32, #tpu.memory_space<hbm>>
        %dma_start3A_108 = tpu.memref_squeeze %dma_start3A_107 : memref<1x10000x64xf32, #tpu.memory_space<hbm>> -> memref<10000x64xf32, #tpu.memory_space<hbm>>
        %dma_start3A_109 = arith.constant 0 : i32
        %dma_start3A_110 = arith.constant 0 : i32
        %dma_start3A_111 = tpu.memref_slice %dma_start3A_108[%dma_start3A_109, %dma_start3A_110] : memref<10000x64xf32, #tpu.memory_space<hbm>> -> memref<10000x64xf32, #tpu.memory_space<hbm>>
        tpu.enqueue_indirect_dma source(%dma_start3A_111 : memref<10000x64xf32, #tpu.memory_space<hbm>>) target(%arg8 : memref<80x64xf32, #tpu.memory_space<vmem>>) offsets(%dma_start3A_104 : memref<80xi32, #tpu.memory_space<vmem>>) semaphore(%arg12 : memref<!tpu.dma_semaphore, #tpu.memory_space<semaphore_mem>>)
      } else {
      }
      %add3A_98 = arith.constant 1 : i32
      %add3A_99 = arith.addi %mul3A_62, %add3A_98 : i32
      "tpu.region"() ({
        %run_scoped3A = tpu.sem_alloc : memref<!tpu.dma_semaphore, #tpu.memory_space<semaphore_mem>>
        %dma_start3A_100 = arith.constant 0 : i32
        %dma_start3A_101 = tpu.memref_slice %arg7[%add3A_99, %dma_start3A_100] : memref<250x80xi32, #tpu.memory_space<vmem>> -> memref<1x80xi32, #tpu.memory_space<vmem>>
        %dma_start3A_102 = tpu.memref_squeeze %dma_start3A_101 : memref<1x80xi32, #tpu.memory_space<vmem>> -> memref<80xi32, #tpu.memory_space<vmem>>
        %dma_start3A_103 = arith.constant 0 : i32
        %dma_start3A_104 = arith.constant 0 : i32
        %dma_start3A_105 = tpu.memref_slice %arg11[%dma_start3A_103, %dma_start3A_104] : memref<10240x64xf32, #tpu.memory_space<vmem_shared>> -> memref<10240x64xf32, #tpu.memory_space<vmem_shared>>
        tpu.enqueue_indirect_dma source(%arg9 : memref<80x64xf32, #tpu.memory_space<vmem>>) target(%dma_start3A_105 : memref<10240x64xf32, #tpu.memory_space<vmem_shared>>) offsets(%dma_start3A_102 : memref<80xi32, #tpu.memory_space<vmem>>) semaphore(%run_scoped3A : memref<!tpu.dma_semaphore, #tpu.memory_space<semaphore_mem>>) {add = true}
        %dma_wait3A_106 = arith.constant 0 : i32
        %dma_wait3A_107 = tpu.memref_slice %arg7[%add3A_99, %dma_wait3A_106] : memref<250x80xi32, #tpu.memory_space<vmem>> -> memref<1x80xi32, #tpu.memory_space<vmem>>
        %dma_wait3A_108 = tpu.memref_squeeze %dma_wait3A_107 : memref<1x80xi32, #tpu.memory_space<vmem>> -> memref<80xi32, #tpu.memory_space<vmem>>
        %dma_wait3A_109 = arith.constant 0 : i32
        %dma_wait3A_110 = arith.constant 0 : i32
        %dma_wait3A_111 = tpu.memref_slice %arg11[%dma_wait3A_109, %dma_wait3A_110] : memref<10240x64xf32, #tpu.memory_space<vmem_shared>> -> memref<10240x64xf32, #tpu.memory_space<vmem_shared>>
        tpu.wait_indirect_dma semaphore(%run_scoped3A : memref<!tpu.dma_semaphore, #tpu.memory_space<semaphore_mem>>) src(%arg9 : memref<80x64xf32, #tpu.memory_space<vmem>>) dst(%dma_wait3A_111 : memref<10240x64xf32, #tpu.memory_space<vmem_shared>>)
        tpu.yield
      }) : () -> ()
    }
    %scan3A_38 = arith.constant 125 : i32
    %barrier3A_39 = arith.constant 0 : index
    tpu.barrier barrier_id(%barrier3A_39)
    %mul3A_40 = arith.constant 640 : i32
    %mul3A_41 = arith.muli %arg1, %mul3A_40 : i32
    %add3A_42 = arith.constant 0 : i32
    %add3A_43 = arith.addi %mul3A_41, %add3A_42 : i32
    "tpu.region"() ({
      %run_scoped3A = tpu.sem_alloc : memref<!tpu.dma_semaphore, #tpu.memory_space<semaphore_mem>>
      %dma_start3A_60 = arith.constant 0 : i32
      %dma_start3A_61 = tpu.memref_slice %arg11[%add3A_43, %dma_start3A_60] : memref<10240x64xf32, #tpu.memory_space<vmem_shared>> -> memref<128x64xf32, #tpu.memory_space<vmem_shared>>
      %dma_start3A_62 = arith.constant 0 : i32
      %dma_start3A_63 = tpu.memref_slice %arg11[%add3A_43, %dma_start3A_62] : memref<10240x64xf32, #tpu.memory_space<vmem_shared>> -> memref<128x64xf32, #tpu.memory_space<vmem_shared>>
      tpu.enqueue_dma source(%dma_start3A_63 : memref<128x64xf32, #tpu.memory_space<vmem_shared>>) target(%arg10 : memref<128x64xf32, #tpu.memory_space<vmem>>) target_semaphore(%run_scoped3A : memref<!tpu.dma_semaphore, #tpu.memory_space<semaphore_mem>>)
      %dma_wait3A = arith.constant 0 : i32
      %dma_wait3A_64 = tpu.memref_slice %arg11[%add3A_43, %dma_wait3A] : memref<10240x64xf32, #tpu.memory_space<vmem_shared>> -> memref<128x64xf32, #tpu.memory_space<vmem_shared>>
      %dma_wait3A_65 = arith.constant 0 : i32
      %dma_wait3A_66 = tpu.memref_slice %arg11[%add3A_43, %dma_wait3A_65] : memref<10240x64xf32, #tpu.memory_space<vmem_shared>> -> memref<128x64xf32, #tpu.memory_space<vmem_shared>>
      tpu.wait_dma2 semaphore(%run_scoped3A : memref<!tpu.dma_semaphore, #tpu.memory_space<semaphore_mem>>) src(%dma_wait3A_66 : memref<128x64xf32, #tpu.memory_space<vmem_shared>>) dst(%arg10 : memref<128x64xf32, #tpu.memory_space<vmem>>)
      tpu.yield
    }) : () -> ()
    "tpu.region"() ({
      %run_scoped3A = tpu.sem_alloc : memref<!tpu.dma_semaphore, #tpu.memory_space<semaphore_mem>>
      %dma_start3A_60 = arith.constant 0 : i32
      %dma_start3A_61 = tpu.memref_slice %arg5[%arg0, %add3A_43, %dma_start3A_60] : memref<2x10240x64xf32, #tpu.memory_space<hbm>> -> memref<1x128x64xf32, #tpu.memory_space<hbm>>
      %dma_start3A_62 = tpu.memref_squeeze %dma_start3A_61 : memref<1x128x64xf32, #tpu.memory_space<hbm>> -> memref<128x64xf32, #tpu.memory_space<hbm>>
      %dma_start3A_63 = arith.constant 0 : i32
      %dma_start3A_64 = tpu.memref_slice %arg5[%arg0, %add3A_43, %dma_start3A_63] : memref<2x10240x64xf32, #tpu.memory_space<hbm>> -> memref<1x128x64xf32, #tpu.memory_space<hbm>>
      %dma_start3A_65 = tpu.memref_squeeze %dma_start3A_64 : memref<1x128x64xf32, #tpu.memory_space<hbm>> -> memref<128x64xf32, #tpu.memory_space<hbm>>
      tpu.enqueue_dma source(%arg10 : memref<128x64xf32, #tpu.memory_space<vmem>>) target(%dma_start3A_65 : memref<128x64xf32, #tpu.memory_space<hbm>>) target_semaphore(%run_scoped3A : memref<!tpu.dma_semaphore, #tpu.memory_space<semaphore_mem>>)
      %dma_wait3A = arith.constant 0 : i32
      %dma_wait3A_66 = tpu.memref_slice %arg5[%arg0, %add3A_43, %dma_wait3A] : memref<2x10240x64xf32, #tpu.memory_space<hbm>> -> memref<1x128x64xf32, #tpu.memory_space<hbm>>
      %dma_wait3A_67 = tpu.memref_squeeze %dma_wait3A_66 : memref<1x128x64xf32, #tpu.memory_space<hbm>> -> memref<128x64xf32, #tpu.memory_space<hbm>>
      %dma_wait3A_68 = arith.constant 0 : i32
      %dma_wait3A_69 = tpu.memref_slice %arg5[%arg0, %add3A_43, %dma_wait3A_68] : memref<2x10240x64xf32, #tpu.memory_space<hbm>> -> memref<1x128x64xf32, #tpu.memory_space<hbm>>
      %dma_wait3A_70 = tpu.memref_squeeze %dma_wait3A_69 : memref<1x128x64xf32, #tpu.memory_space<hbm>> -> memref<128x64xf32, #tpu.memory_space<hbm>>
      tpu.wait_dma2 semaphore(%run_scoped3A : memref<!tpu.dma_semaphore, #tpu.memory_space<semaphore_mem>>) src(%arg10 : memref<128x64xf32, #tpu.memory_space<vmem>>) dst(%dma_wait3A_70 : memref<128x64xf32, #tpu.memory_space<hbm>>)
      tpu.yield
    }) : () -> ()
    %mul3A_44 = arith.constant 640 : i32
    %mul3A_45 = arith.muli %arg1, %mul3A_44 : i32
    %add3A_46 = arith.constant 128 : i32
    %add3A_47 = arith.addi %mul3A_45, %add3A_46 : i32
    "tpu.region"() ({
      %run_scoped3A = tpu.sem_alloc : memref<!tpu.dma_semaphore, #tpu.memory_space<semaphore_mem>>
      %dma_start3A_60 = arith.constant 0 : i32
      %dma_start3A_61 = tpu.memref_slice %arg11[%add3A_47, %dma_start3A_60] : memref<10240x64xf32, #tpu.memory_space<vmem_shared>> -> memref<128x64xf32, #tpu.memory_space<vmem_shared>>
      %dma_start3A_62 = arith.constant 0 : i32
      %dma_start3A_63 = tpu.memref_slice %arg11[%add3A_47, %dma_start3A_62] : memref<10240x64xf32, #tpu.memory_space<vmem_shared>> -> memref<128x64xf32, #tpu.memory_space<vmem_shared>>
      tpu.enqueue_dma source(%dma_start3A_63 : memref<128x64xf32, #tpu.memory_space<vmem_shared>>) target(%arg10 : memref<128x64xf32, #tpu.memory_space<vmem>>) target_semaphore(%run_scoped3A : memref<!tpu.dma_semaphore, #tpu.memory_space<semaphore_mem>>)
      %dma_wait3A = arith.constant 0 : i32
      %dma_wait3A_64 = tpu.memref_slice %arg11[%add3A_47, %dma_wait3A] : memref<10240x64xf32, #tpu.memory_space<vmem_shared>> -> memref<128x64xf32, #tpu.memory_space<vmem_shared>>
      %dma_wait3A_65 = arith.constant 0 : i32
      %dma_wait3A_66 = tpu.memref_slice %arg11[%add3A_47, %dma_wait3A_65] : memref<10240x64xf32, #tpu.memory_space<vmem_shared>> -> memref<128x64xf32, #tpu.memory_space<vmem_shared>>
      tpu.wait_dma2 semaphore(%run_scoped3A : memref<!tpu.dma_semaphore, #tpu.memory_space<semaphore_mem>>) src(%dma_wait3A_66 : memref<128x64xf32, #tpu.memory_space<vmem_shared>>) dst(%arg10 : memref<128x64xf32, #tpu.memory_space<vmem>>)
      tpu.yield
    }) : () -> ()
    "tpu.region"() ({
      %run_scoped3A = tpu.sem_alloc : memref<!tpu.dma_semaphore, #tpu.memory_space<semaphore_mem>>
      %dma_start3A_60 = arith.constant 0 : i32
      %dma_start3A_61 = tpu.memref_slice %arg5[%arg0, %add3A_47, %dma_start3A_60] : memref<2x10240x64xf32, #tpu.memory_space<hbm>> -> memref<1x128x64xf32, #tpu.memory_space<hbm>>
      %dma_start3A_62 = tpu.memref_squeeze %dma_start3A_61 : memref<1x128x64xf32, #tpu.memory_space<hbm>> -> memref<128x64xf32, #tpu.memory_space<hbm>>
      %dma_start3A_63 = arith.constant 0 : i32
      %dma_start3A_64 = tpu.memref_slice %arg5[%arg0, %add3A_47, %dma_start3A_63] : memref<2x10240x64xf32, #tpu.memory_space<hbm>> -> memref<1x128x64xf32, #tpu.memory_space<hbm>>
      %dma_start3A_65 = tpu.memref_squeeze %dma_start3A_64 : memref<1x128x64xf32, #tpu.memory_space<hbm>> -> memref<128x64xf32, #tpu.memory_space<hbm>>
      tpu.enqueue_dma source(%arg10 : memref<128x64xf32, #tpu.memory_space<vmem>>) target(%dma_start3A_65 : memref<128x64xf32, #tpu.memory_space<hbm>>) target_semaphore(%run_scoped3A : memref<!tpu.dma_semaphore, #tpu.memory_space<semaphore_mem>>)
      %dma_wait3A = arith.constant 0 : i32
      %dma_wait3A_66 = tpu.memref_slice %arg5[%arg0, %add3A_47, %dma_wait3A] : memref<2x10240x64xf32, #tpu.memory_space<hbm>> -> memref<1x128x64xf32, #tpu.memory_space<hbm>>
      %dma_wait3A_67 = tpu.memref_squeeze %dma_wait3A_66 : memref<1x128x64xf32, #tpu.memory_space<hbm>> -> memref<128x64xf32, #tpu.memory_space<hbm>>
      %dma_wait3A_68 = arith.constant 0 : i32
      %dma_wait3A_69 = tpu.memref_slice %arg5[%arg0, %add3A_47, %dma_wait3A_68] : memref<2x10240x64xf32, #tpu.memory_space<hbm>> -> memref<1x128x64xf32, #tpu.memory_space<hbm>>
      %dma_wait3A_70 = tpu.memref_squeeze %dma_wait3A_69 : memref<1x128x64xf32, #tpu.memory_space<hbm>> -> memref<128x64xf32, #tpu.memory_space<hbm>>
      tpu.wait_dma2 semaphore(%run_scoped3A : memref<!tpu.dma_semaphore, #tpu.memory_space<semaphore_mem>>) src(%arg10 : memref<128x64xf32, #tpu.memory_space<vmem>>) dst(%dma_wait3A_70 : memref<128x64xf32, #tpu.memory_space<hbm>>)
      tpu.yield
    }) : () -> ()
    %mul3A_48 = arith.constant 640 : i32
    %mul3A_49 = arith.muli %arg1, %mul3A_48 : i32
    %add3A_50 = arith.constant 256 : i32
    %add3A_51 = arith.addi %mul3A_49, %add3A_50 : i32
    "tpu.region"() ({
      %run_scoped3A = tpu.sem_alloc : memref<!tpu.dma_semaphore, #tpu.memory_space<semaphore_mem>>
      %dma_start3A_60 = arith.constant 0 : i32
      %dma_start3A_61 = tpu.memref_slice %arg11[%add3A_51, %dma_start3A_60] : memref<10240x64xf32, #tpu.memory_space<vmem_shared>> -> memref<128x64xf32, #tpu.memory_space<vmem_shared>>
      %dma_start3A_62 = arith.constant 0 : i32
      %dma_start3A_63 = tpu.memref_slice %arg11[%add3A_51, %dma_start3A_62] : memref<10240x64xf32, #tpu.memory_space<vmem_shared>> -> memref<128x64xf32, #tpu.memory_space<vmem_shared>>
      tpu.enqueue_dma source(%dma_start3A_63 : memref<128x64xf32, #tpu.memory_space<vmem_shared>>) target(%arg10 : memref<128x64xf32, #tpu.memory_space<vmem>>) target_semaphore(%run_scoped3A : memref<!tpu.dma_semaphore, #tpu.memory_space<semaphore_mem>>)
      %dma_wait3A = arith.constant 0 : i32
      %dma_wait3A_64 = tpu.memref_slice %arg11[%add3A_51, %dma_wait3A] : memref<10240x64xf32, #tpu.memory_space<vmem_shared>> -> memref<128x64xf32, #tpu.memory_space<vmem_shared>>
      %dma_wait3A_65 = arith.constant 0 : i32
      %dma_wait3A_66 = tpu.memref_slice %arg11[%add3A_51, %dma_wait3A_65] : memref<10240x64xf32, #tpu.memory_space<vmem_shared>> -> memref<128x64xf32, #tpu.memory_space<vmem_shared>>
      tpu.wait_dma2 semaphore(%run_scoped3A : memref<!tpu.dma_semaphore, #tpu.memory_space<semaphore_mem>>) src(%dma_wait3A_66 : memref<128x64xf32, #tpu.memory_space<vmem_shared>>) dst(%arg10 : memref<128x64xf32, #tpu.memory_space<vmem>>)
      tpu.yield
    }) : () -> ()
    "tpu.region"() ({
      %run_scoped3A = tpu.sem_alloc : memref<!tpu.dma_semaphore, #tpu.memory_space<semaphore_mem>>
      %dma_start3A_60 = arith.constant 0 : i32
      %dma_start3A_61 = tpu.memref_slice %arg5[%arg0, %add3A_51, %dma_start3A_60] : memref<2x10240x64xf32, #tpu.memory_space<hbm>> -> memref<1x128x64xf32, #tpu.memory_space<hbm>>
      %dma_start3A_62 = tpu.memref_squeeze %dma_start3A_61 : memref<1x128x64xf32, #tpu.memory_space<hbm>> -> memref<128x64xf32, #tpu.memory_space<hbm>>
      %dma_start3A_63 = arith.constant 0 : i32
      %dma_start3A_64 = tpu.memref_slice %arg5[%arg0, %add3A_51, %dma_start3A_63] : memref<2x10240x64xf32, #tpu.memory_space<hbm>> -> memref<1x128x64xf32, #tpu.memory_space<hbm>>
      %dma_start3A_65 = tpu.memref_squeeze %dma_start3A_64 : memref<1x128x64xf32, #tpu.memory_space<hbm>> -> memref<128x64xf32, #tpu.memory_space<hbm>>
      tpu.enqueue_dma source(%arg10 : memref<128x64xf32, #tpu.memory_space<vmem>>) target(%dma_start3A_65 : memref<128x64xf32, #tpu.memory_space<hbm>>) target_semaphore(%run_scoped3A : memref<!tpu.dma_semaphore, #tpu.memory_space<semaphore_mem>>)
      %dma_wait3A = arith.constant 0 : i32
      %dma_wait3A_66 = tpu.memref_slice %arg5[%arg0, %add3A_51, %dma_wait3A] : memref<2x10240x64xf32, #tpu.memory_space<hbm>> -> memref<1x128x64xf32, #tpu.memory_space<hbm>>
      %dma_wait3A_67 = tpu.memref_squeeze %dma_wait3A_66 : memref<1x128x64xf32, #tpu.memory_space<hbm>> -> memref<128x64xf32, #tpu.memory_space<hbm>>
      %dma_wait3A_68 = arith.constant 0 : i32
      %dma_wait3A_69 = tpu.memref_slice %arg5[%arg0, %add3A_51, %dma_wait3A_68] : memref<2x10240x64xf32, #tpu.memory_space<hbm>> -> memref<1x128x64xf32, #tpu.memory_space<hbm>>
      %dma_wait3A_70 = tpu.memref_squeeze %dma_wait3A_69 : memref<1x128x64xf32, #tpu.memory_space<hbm>> -> memref<128x64xf32, #tpu.memory_space<hbm>>
      tpu.wait_dma2 semaphore(%run_scoped3A : memref<!tpu.dma_semaphore, #tpu.memory_space<semaphore_mem>>) src(%arg10 : memref<128x64xf32, #tpu.memory_space<vmem>>) dst(%dma_wait3A_70 : memref<128x64xf32, #tpu.memory_space<hbm>>)
      tpu.yield
    }) : () -> ()
    %mul3A_52 = arith.constant 640 : i32
    %mul3A_53 = arith.muli %arg1, %mul3A_52 : i32
    %add3A_54 = arith.constant 384 : i32
    %add3A_55 = arith.addi %mul3A_53, %add3A_54 : i32
    "tpu.region"() ({
      %run_scoped3A = tpu.sem_alloc : memref<!tpu.dma_semaphore, #tpu.memory_space<semaphore_mem>>
      %dma_start3A_60 = arith.constant 0 : i32
      %dma_start3A_61 = tpu.memref_slice %arg11[%add3A_55, %dma_start3A_60] : memref<10240x64xf32, #tpu.memory_space<vmem_shared>> -> memref<128x64xf32, #tpu.memory_space<vmem_shared>>
      %dma_start3A_62 = arith.constant 0 : i32
      %dma_start3A_63 = tpu.memref_slice %arg11[%add3A_55, %dma_start3A_62] : memref<10240x64xf32, #tpu.memory_space<vmem_shared>> -> memref<128x64xf32, #tpu.memory_space<vmem_shared>>
      tpu.enqueue_dma source(%dma_start3A_63 : memref<128x64xf32, #tpu.memory_space<vmem_shared>>) target(%arg10 : memref<128x64xf32, #tpu.memory_space<vmem>>) target_semaphore(%run_scoped3A : memref<!tpu.dma_semaphore, #tpu.memory_space<semaphore_mem>>)
      %dma_wait3A = arith.constant 0 : i32
      %dma_wait3A_64 = tpu.memref_slice %arg11[%add3A_55, %dma_wait3A] : memref<10240x64xf32, #tpu.memory_space<vmem_shared>> -> memref<128x64xf32, #tpu.memory_space<vmem_shared>>
      %dma_wait3A_65 = arith.constant 0 : i32
      %dma_wait3A_66 = tpu.memref_slice %arg11[%add3A_55, %dma_wait3A_65] : memref<10240x64xf32, #tpu.memory_space<vmem_shared>> -> memref<128x64xf32, #tpu.memory_space<vmem_shared>>
      tpu.wait_dma2 semaphore(%run_scoped3A : memref<!tpu.dma_semaphore, #tpu.memory_space<semaphore_mem>>) src(%dma_wait3A_66 : memref<128x64xf32, #tpu.memory_space<vmem_shared>>) dst(%arg10 : memref<128x64xf32, #tpu.memory_space<vmem>>)
      tpu.yield
    }) : () -> ()
    "tpu.region"() ({
      %run_scoped3A = tpu.sem_alloc : memref<!tpu.dma_semaphore, #tpu.memory_space<semaphore_mem>>
      %dma_start3A_60 = arith.constant 0 : i32
      %dma_start3A_61 = tpu.memref_slice %arg5[%arg0, %add3A_55, %dma_start3A_60] : memref<2x10240x64xf32, #tpu.memory_space<hbm>> -> memref<1x128x64xf32, #tpu.memory_space<hbm>>
      %dma_start3A_62 = tpu.memref_squeeze %dma_start3A_61 : memref<1x128x64xf32, #tpu.memory_space<hbm>> -> memref<128x64xf32, #tpu.memory_space<hbm>>
      %dma_start3A_63 = arith.constant 0 : i32
      %dma_start3A_64 = tpu.memref_slice %arg5[%arg0, %add3A_55, %dma_start3A_63] : memref<2x10240x64xf32, #tpu.memory_space<hbm>> -> memref<1x128x64xf32, #tpu.memory_space<hbm>>
      %dma_start3A_65 = tpu.memref_squeeze %dma_start3A_64 : memref<1x128x64xf32, #tpu.memory_space<hbm>> -> memref<128x64xf32, #tpu.memory_space<hbm>>
      tpu.enqueue_dma source(%arg10 : memref<128x64xf32, #tpu.memory_space<vmem>>) target(%dma_start3A_65 : memref<128x64xf32, #tpu.memory_space<hbm>>) target_semaphore(%run_scoped3A : memref<!tpu.dma_semaphore, #tpu.memory_space<semaphore_mem>>)
      %dma_wait3A = arith.constant 0 : i32
      %dma_wait3A_66 = tpu.memref_slice %arg5[%arg0, %add3A_55, %dma_wait3A] : memref<2x10240x64xf32, #tpu.memory_space<hbm>> -> memref<1x128x64xf32, #tpu.memory_space<hbm>>
      %dma_wait3A_67 = tpu.memref_squeeze %dma_wait3A_66 : memref<1x128x64xf32, #tpu.memory_space<hbm>> -> memref<128x64xf32, #tpu.memory_space<hbm>>
      %dma_wait3A_68 = arith.constant 0 : i32
      %dma_wait3A_69 = tpu.memref_slice %arg5[%arg0, %add3A_55, %dma_wait3A_68] : memref<2x10240x64xf32, #tpu.memory_space<hbm>> -> memref<1x128x64xf32, #tpu.memory_space<hbm>>
      %dma_wait3A_70 = tpu.memref_squeeze %dma_wait3A_69 : memref<1x128x64xf32, #tpu.memory_space<hbm>> -> memref<128x64xf32, #tpu.memory_space<hbm>>
      tpu.wait_dma2 semaphore(%run_scoped3A : memref<!tpu.dma_semaphore, #tpu.memory_space<semaphore_mem>>) src(%arg10 : memref<128x64xf32, #tpu.memory_space<vmem>>) dst(%dma_wait3A_70 : memref<128x64xf32, #tpu.memory_space<hbm>>)
      tpu.yield
    }) : () -> ()
    %mul3A_56 = arith.constant 640 : i32
    %mul3A_57 = arith.muli %arg1, %mul3A_56 : i32
    %add3A_58 = arith.constant 512 : i32
    %add3A_59 = arith.addi %mul3A_57, %add3A_58 : i32
    "tpu.region"() ({
      %run_scoped3A = tpu.sem_alloc : memref<!tpu.dma_semaphore, #tpu.memory_space<semaphore_mem>>
      %dma_start3A_60 = arith.constant 0 : i32
      %dma_start3A_61 = tpu.memref_slice %arg11[%add3A_59, %dma_start3A_60] : memref<10240x64xf32, #tpu.memory_space<vmem_shared>> -> memref<128x64xf32, #tpu.memory_space<vmem_shared>>
      %dma_start3A_62 = arith.constant 0 : i32
      %dma_start3A_63 = tpu.memref_slice %arg11[%add3A_59, %dma_start3A_62] : memref<10240x64xf32, #tpu.memory_space<vmem_shared>> -> memref<128x64xf32, #tpu.memory_space<vmem_shared>>
      tpu.enqueue_dma source(%dma_start3A_63 : memref<128x64xf32, #tpu.memory_space<vmem_shared>>) target(%arg10 : memref<128x64xf32, #tpu.memory_space<vmem>>) target_semaphore(%run_scoped3A : memref<!tpu.dma_semaphore, #tpu.memory_space<semaphore_mem>>)
      %dma_wait3A = arith.constant 0 : i32
      %dma_wait3A_64 = tpu.memref_slice %arg11[%add3A_59, %dma_wait3A] : memref<10240x64xf32, #tpu.memory_space<vmem_shared>> -> memref<128x64xf32, #tpu.memory_space<vmem_shared>>
      %dma_wait3A_65 = arith.constant 0 : i32
      %dma_wait3A_66 = tpu.memref_slice %arg11[%add3A_59, %dma_wait3A_65] : memref<10240x64xf32, #tpu.memory_space<vmem_shared>> -> memref<128x64xf32, #tpu.memory_space<vmem_shared>>
      tpu.wait_dma2 semaphore(%run_scoped3A : memref<!tpu.dma_semaphore, #tpu.memory_space<semaphore_mem>>) src(%dma_wait3A_66 : memref<128x64xf32, #tpu.memory_space<vmem_shared>>) dst(%arg10 : memref<128x64xf32, #tpu.memory_space<vmem>>)
      tpu.yield
    }) : () -> ()
    "tpu.region"() ({
      %run_scoped3A = tpu.sem_alloc : memref<!tpu.dma_semaphore, #tpu.memory_space<semaphore_mem>>
      %dma_start3A_60 = arith.constant 0 : i32
      %dma_start3A_61 = tpu.memref_slice %arg5[%arg0, %add3A_59, %dma_start3A_60] : memref<2x10240x64xf32, #tpu.memory_space<hbm>> -> memref<1x128x64xf32, #tpu.memory_space<hbm>>
      %dma_start3A_62 = tpu.memref_squeeze %dma_start3A_61 : memref<1x128x64xf32, #tpu.memory_space<hbm>> -> memref<128x64xf32, #tpu.memory_space<hbm>>
      %dma_start3A_63 = arith.constant 0 : i32
      %dma_start3A_64 = tpu.memref_slice %arg5[%arg0, %add3A_59, %dma_start3A_63] : memref<2x10240x64xf32, #tpu.memory_space<hbm>> -> memref<1x128x64xf32, #tpu.memory_space<hbm>>
      %dma_start3A_65 = tpu.memref_squeeze %dma_start3A_64 : memref<1x128x64xf32, #tpu.memory_space<hbm>> -> memref<128x64xf32, #tpu.memory_space<hbm>>
      tpu.enqueue_dma source(%arg10 : memref<128x64xf32, #tpu.memory_space<vmem>>) target(%dma_start3A_65 : memref<128x64xf32, #tpu.memory_space<hbm>>) target_semaphore(%run_scoped3A : memref<!tpu.dma_semaphore, #tpu.memory_space<semaphore_mem>>)
      %dma_wait3A = arith.constant 0 : i32
      %dma_wait3A_66 = tpu.memref_slice %arg5[%arg0, %add3A_59, %dma_wait3A] : memref<2x10240x64xf32, #tpu.memory_space<hbm>> -> memref<1x128x64xf32, #tpu.memory_space<hbm>>
      %dma_wait3A_67 = tpu.memref_squeeze %dma_wait3A_66 : memref<1x128x64xf32, #tpu.memory_space<hbm>> -> memref<128x64xf32, #tpu.memory_space<hbm>>
      %dma_wait3A_68 = arith.constant 0 : i32
      %dma_wait3A_69 = tpu.memref_slice %arg5[%arg0, %add3A_59, %dma_wait3A_68] : memref<2x10240x64xf32, #tpu.memory_space<hbm>> -> memref<1x128x64xf32, #tpu.memory_space<hbm>>
      %dma_wait3A_70 = tpu.memref_squeeze %dma_wait3A_69 : memref<1x128x64xf32, #tpu.memory_space<hbm>> -> memref<128x64xf32, #tpu.memory_space<hbm>>
      tpu.wait_dma2 semaphore(%run_scoped3A : memref<!tpu.dma_semaphore, #tpu.memory_space<semaphore_mem>>) src(%arg10 : memref<128x64xf32, #tpu.memory_space<vmem>>) dst(%dma_wait3A_70 : memref<128x64xf32, #tpu.memory_space<hbm>>)
      tpu.yield
    }) : () -> ()
    return
  }
}

module attributes {stable_mosaic.version = 14 : i64} {
  func.func @_tc_a_body(%arg0: i32, %arg1: memref<400x128xf32, #tpu.memory_space<vmem>>, %arg2: memref<128x128xf32, #tpu.memory_space<vmem>>, %arg3: memref<2x400x16xf32, #tpu.memory_space<vmem>>, %arg4: memref<400x128xf32, #tpu.memory_space<vmem>>, %arg5: memref<2x400x64xf32, #tpu.memory_space<vmem>>, %arg6: memref<400x1xf32, #tpu.memory_space<vmem>>) attributes {dimension_semantics = [#tpu.dimension_semantics<arbitrary>], iteration_bounds = array<i64: 25>, scalar_prefetch = 0 : i64, scratch_operands = 0 : i64, tpu.core_type = #tpu.core_type<tc>, window_params = [{transform_indices = @transform_0, window_bounds = array<i64: 400, 128>}, {pipeline_mode = #tpu.pipeline_mode<synchronous>, transform_indices = @transform_1, window_bounds = array<i64: 128, 128>}, {transform_indices = @transform_2, window_bounds = array<i64: 2, 400, 16>}, {transform_indices = @transform_3, window_bounds = array<i64: 400, 128>}, {transform_indices = @transform_4, window_bounds = array<i64: 2, 400, 64>}, {transform_indices = @transform_5, window_bounds = array<i64: 400, 1>}]} {
    %get3A = arith.constant 0 : index
    %get3A_0 = arith.constant 0 : index
    %get3A_1 = vector.load %arg1[%get3A, %get3A_0] : memref<400x128xf32, #tpu.memory_space<vmem>>, vector<400x128xf32>
    %get3A_2 = arith.constant 0 : index
    %get3A_3 = arith.constant 0 : index
    %get3A_4 = vector.load %arg2[%get3A_2, %get3A_3] : memref<128x128xf32, #tpu.memory_space<vmem>>, vector<128x128xf32>
    %dot_general3A = arith.constant dense<0.000000e+00> : vector<400x128xf32>
    %dot_general3A_5 = tpu.matmul %get3A_1, %get3A_4, %dot_general3A {dimension_numbers = #tpu.dot_dimension_numbers<[1], [0], [0], [1], [0, 0, 1, 1], [], []>, transpose_lhs_hint = false} : vector<400x128xf32>, vector<128x128xf32>, vector<400x128xf32> -> vector<400x128xf32>
    %get3A_6 = arith.constant 0 : index
    %get3A_7 = arith.constant 0 : index
    %get3A_8 = arith.constant 0 : index
    %get3A_9 = vector.load %arg3[%get3A_6, %get3A_7, %get3A_8] : memref<2x400x16xf32, #tpu.memory_space<vmem>>, vector<1x400x16xf32>
    %get3A_10 = vector.shape_cast %get3A_9 : vector<1x400x16xf32> to vector<400x16xf32>
    %get3A_11 = arith.constant 1 : index
    %get3A_12 = arith.constant 0 : index
    %get3A_13 = arith.constant 0 : index
    %get3A_14 = vector.load %arg3[%get3A_11, %get3A_12, %get3A_13] : memref<2x400x16xf32, #tpu.memory_space<vmem>>, vector<1x400x16xf32>
    %get3A_15 = vector.shape_cast %get3A_14 : vector<1x400x16xf32> to vector<400x16xf32>
    %add3A = arith.addf %get3A_10, %get3A_15 : vector<400x16xf32>
    %reduce_sum3A = arith.constant dense<0.000000e+00> : vector<400xf32>
    %reduce_sum3A_16 = vector.multi_reduction <add>, %add3A, %reduce_sum3A [1] : vector<400x16xf32> to vector<400xf32>
    %broadcast_in_dim3A = vector.shape_cast %reduce_sum3A_16 : vector<400xf32> to vector<400x1xf32>
    %mul3A = arith.constant 6.250000e-02 : f32
    %mul3A_17 = vector.broadcast %mul3A : f32 to vector<400x1xf32>
    %mul3A_18 = arith.mulf %broadcast_in_dim3A, %mul3A_17 : vector<400x1xf32>
    %add3A_19 = arith.constant 1.000000e+00 : f32
    %add3A_20 = vector.broadcast %add3A_19 : f32 to vector<400x1xf32>
    %add3A_21 = arith.addf %mul3A_18, %add3A_20 : vector<400x1xf32>
    %sqrt3A = math.sqrt %add3A_21 : vector<400x1xf32>
    %div3A = arith.constant 1.000000e+00 : f32
    %div3A_22 = vector.broadcast %div3A : f32 to vector<400x1xf32>
    %div3A_23 = arith.divf %div3A_22, %sqrt3A : vector<400x1xf32>
    %mul3A_24 = vector.broadcast %div3A_23 : vector<400x1xf32> to vector<400x128xf32>
    %mul3A_25 = arith.mulf %dot_general3A_5, %mul3A_24 : vector<400x128xf32>
    %swap3A = arith.constant 0 : index
    %swap3A_26 = arith.constant 0 : index
    %swap3A_27 = vector.load %arg4[%swap3A, %swap3A_26] : memref<400x128xf32, #tpu.memory_space<vmem>>, vector<400x128xf32>
    tpu.vector_store %arg4[%swap3A, %swap3A_26], %dot_general3A_5 {strides = array<i32>} : memref<400x128xf32, #tpu.memory_space<vmem>>, vector<400x128xf32>,
    %slice3A = vector.extract_strided_slice %mul3A_25 {offsets = [0, 0], sizes = [400, 64], strides = [1, 1]} : vector<400x128xf32> to vector<400x64xf32>
    %swap3A_28 = arith.constant 0 : index
    %swap3A_29 = arith.constant 0 : index
    %swap3A_30 = arith.constant 0 : index
    %swap3A_31 = vector.load %arg5[%swap3A_28, %swap3A_29, %swap3A_30] : memref<2x400x64xf32, #tpu.memory_space<vmem>>, vector<1x400x64xf32>
    %swap3A_32 = vector.shape_cast %swap3A_31 : vector<1x400x64xf32> to vector<400x64xf32>
    %swap3A_33 = vector.shape_cast %slice3A : vector<400x64xf32> to vector<1x400x64xf32>
    tpu.vector_store %arg5[%swap3A_28, %swap3A_29, %swap3A_30], %swap3A_33 {strides = array<i32>} : memref<2x400x64xf32, #tpu.memory_space<vmem>>, vector<1x400x64xf32>,
    %slice3A_34 = vector.extract_strided_slice %mul3A_25 {offsets = [0, 64], sizes = [400, 64], strides = [1, 1]} : vector<400x128xf32> to vector<400x64xf32>
    %swap3A_35 = arith.constant 1 : index
    %swap3A_36 = arith.constant 0 : index
    %swap3A_37 = arith.constant 0 : index
    %swap3A_38 = vector.load %arg5[%swap3A_35, %swap3A_36, %swap3A_37] : memref<2x400x64xf32, #tpu.memory_space<vmem>>, vector<1x400x64xf32>
    %swap3A_39 = vector.shape_cast %swap3A_38 : vector<1x400x64xf32> to vector<400x64xf32>
    %swap3A_40 = vector.shape_cast %slice3A_34 : vector<400x64xf32> to vector<1x400x64xf32>
    tpu.vector_store %arg5[%swap3A_35, %swap3A_36, %swap3A_37], %swap3A_40 {strides = array<i32>} : memref<2x400x64xf32, #tpu.memory_space<vmem>>, vector<1x400x64xf32>,
    %swap3A_41 = arith.constant 0 : index
    %swap3A_42 = arith.constant 0 : index
    %swap3A_43 = vector.load %arg6[%swap3A_41, %swap3A_42] : memref<400x1xf32, #tpu.memory_space<vmem>>, vector<400x1xf32>
    tpu.vector_store %arg6[%swap3A_41, %swap3A_42], %div3A_23 {strides = array<i32>} : memref<400x1xf32, #tpu.memory_space<vmem>>, vector<400x1xf32>,
    return
  }
  func.func @transform_0(%arg0: i32) -> (i32, i32) {
    %c0_i32 = arith.constant 0 : i32
    %c0_i32_0 = arith.constant 0 : i32
    return %arg0, %c0_i32 : i32, i32
  }
  func.func @transform_1(%arg0: i32) -> (i32, i32) {
    %c0_i32 = arith.constant 0 : i32
    %c0_i32_0 = arith.constant 0 : i32
    %c0_i32_1 = arith.constant 0 : i32
    return %c0_i32, %c0_i32_0 : i32, i32
  }
  func.func @transform_2(%arg0: i32) -> (i32, i32, i32) {
    %c0_i32 = arith.constant 0 : i32
    %c0_i32_0 = arith.constant 0 : i32
    %c0_i32_1 = arith.constant 0 : i32
    return %c0_i32, %arg0, %c0_i32_0 : i32, i32, i32
  }
  func.func @transform_3(%arg0: i32) -> (i32, i32) {
    %c0_i32 = arith.constant 0 : i32
    %c0_i32_0 = arith.constant 0 : i32
    return %arg0, %c0_i32 : i32, i32
  }
  func.func @transform_4(%arg0: i32) -> (i32, i32, i32) {
    %c0_i32 = arith.constant 0 : i32
    %c0_i32_0 = arith.constant 0 : i32
    %c0_i32_1 = arith.constant 0 : i32
    return %c0_i32, %arg0, %c0_i32_0 : i32, i32, i32
  }
  func.func @transform_5(%arg0: i32) -> (i32, i32) {
    %c0_i32 = arith.constant 0 : i32
    %c0_i32_0 = arith.constant 0 : i32
    return %arg0, %c0_i32 : i32, i32
  }
}

module attributes {stable_mosaic.version = 14 : i64} {
  func.func @_tc_b_body(%arg0: i32, %arg1: memref<2x400x64xf32, #tpu.memory_space<vmem>>, %arg2: memref<400x128xf32, #tpu.memory_space<vmem>>, %arg3: memref<400x1xf32, #tpu.memory_space<vmem>>, %arg4: memref<1x128xf32, #tpu.memory_space<vmem>>, %arg5: memref<128x128xf32, #tpu.memory_space<vmem>>, %arg6: memref<8x128x128xf32, #tpu.memory_space<vmem>>, %arg7: memref<128x128xf32, #tpu.memory_space<vmem>>, %arg8: memref<400x128xf32, #tpu.memory_space<vmem>>, %arg9: memref<2x400x64xf32, #tpu.memory_space<vmem>>) attributes {dimension_semantics = [#tpu.dimension_semantics<arbitrary>], iteration_bounds = array<i64: 25>, scalar_prefetch = 0 : i64, scratch_operands = 0 : i64, tpu.core_type = #tpu.core_type<tc>, window_params = [{transform_indices = @transform_0, window_bounds = array<i64: 2, 400, 64>}, {transform_indices = @transform_1, window_bounds = array<i64: 400, 128>}, {transform_indices = @transform_2, window_bounds = array<i64: 400, 1>}, {pipeline_mode = #tpu.pipeline_mode<synchronous>, transform_indices = @transform_3, window_bounds = array<i64: 1, 128>}, {pipeline_mode = #tpu.pipeline_mode<synchronous>, transform_indices = @transform_4, window_bounds = array<i64: 128, 128>}, {pipeline_mode = #tpu.pipeline_mode<synchronous>, transform_indices = @transform_5, window_bounds = array<i64: 8, 128, 128>}, {pipeline_mode = #tpu.pipeline_mode<synchronous>, transform_indices = @transform_6, window_bounds = array<i64: 128, 128>}, {transform_indices = @transform_7, window_bounds = array<i64: 400, 128>}, {transform_indices = @transform_8, window_bounds = array<i64: 2, 400, 64>}]} {
    %get3A = arith.constant 0 : index
    %get3A_0 = arith.constant 0 : index
    %get3A_1 = vector.load %arg3[%get3A, %get3A_0] : memref<400x1xf32, #tpu.memory_space<vmem>>, vector<400x1xf32>
    %get3A_2 = arith.constant 0 : index
    %get3A_3 = arith.constant 0 : index
    %get3A_4 = arith.constant 0 : index
    %get3A_5 = vector.load %arg1[%get3A_2, %get3A_3, %get3A_4] : memref<2x400x64xf32, #tpu.memory_space<vmem>>, vector<1x400x64xf32>
    %get3A_6 = vector.shape_cast %get3A_5 : vector<1x400x64xf32> to vector<400x64xf32>
    %get3A_7 = arith.constant 1 : index
    %get3A_8 = arith.constant 0 : index
    %get3A_9 = arith.constant 0 : index
    %get3A_10 = vector.load %arg1[%get3A_7, %get3A_8, %get3A_9] : memref<2x400x64xf32, #tpu.memory_space<vmem>>, vector<1x400x64xf32>
    %get3A_11 = vector.shape_cast %get3A_10 : vector<1x400x64xf32> to vector<400x64xf32>
    %concatenate3A = tpu.concatenate %get3A_6, %get3A_11 in 1 : vector<400x64xf32>, vector<400x64xf32> -> vector<400x128xf32>
    %mul3A = vector.broadcast %get3A_1 : vector<400x1xf32> to vector<400x128xf32>
    %mul3A_12 = arith.mulf %mul3A, %concatenate3A : vector<400x128xf32>
    %mul3A_13 = arith.mulf %get3A_1, %get3A_1 : vector<400x1xf32>
    %get3A_14 = arith.constant 0 : index
    %get3A_15 = arith.constant 0 : index
    %get3A_16 = vector.load %arg2[%get3A_14, %get3A_15] : memref<400x128xf32, #tpu.memory_space<vmem>>, vector<400x128xf32>
    %mul3A_17 = vector.broadcast %mul3A_13 : vector<400x1xf32> to vector<400x128xf32>
    %mul3A_18 = arith.mulf %mul3A_17, %get3A_16 : vector<400x128xf32>
    %add3A = arith.addf %mul3A_12, %mul3A_18 : vector<400x128xf32>
    %get3A_19 = arith.constant 0 : index
    %get3A_20 = arith.constant 0 : index
    %get3A_21 = vector.load %arg4[%get3A_19, %get3A_20] : memref<1x128xf32, #tpu.memory_space<vmem>>, vector<1x128xf32>
    %add3A_22 = vector.broadcast %get3A_21 : vector<1x128xf32> to vector<400x128xf32>
    %add3A_23 = arith.addf %add3A, %add3A_22 : vector<400x128xf32>
    %max3A = arith.constant 0.000000e+00 : f32
    %max3A_24 = vector.broadcast %max3A : f32 to vector<400x128xf32>
    %max3A_25 = arith.maximumf %add3A_23, %max3A_24 : vector<400x128xf32>
    %neg3A = arith.constant 0.000000e+00 : f32
    %neg3A_26 = vector.broadcast %neg3A : f32 to vector<400x128xf32>
    %neg3A_27 = arith.subf %neg3A_26, %max3A_25 : vector<400x128xf32>
    %exp3A = math.exp %neg3A_27 : vector<400x128xf32>
    %add3A_28 = arith.constant 1.000000e+00 : f32
    %add3A_29 = vector.broadcast %add3A_28 : f32 to vector<400x128xf32>
    %add3A_30 = arith.addf %add3A_29, %exp3A : vector<400x128xf32>
    %div3A = arith.constant 1.000000e+00 : f32
    %div3A_31 = vector.broadcast %div3A : f32 to vector<400x128xf32>
    %div3A_32 = arith.divf %div3A_31, %add3A_30 : vector<400x128xf32>
    %mul3A_33 = arith.mulf %max3A_25, %div3A_32 : vector<400x128xf32>
    %get3A_34 = arith.constant 0 : index
    %get3A_35 = arith.constant 0 : index
    %get3A_36 = vector.load %arg5[%get3A_34, %get3A_35] : memref<128x128xf32, #tpu.memory_space<vmem>>, vector<128x128xf32>
    %dot_general3A = arith.constant dense<0.000000e+00> : vector<400x128xf32>
    %dot_general3A_37 = tpu.matmul %mul3A_33, %get3A_36, %dot_general3A {dimension_numbers = #tpu.dot_dimension_numbers<[1], [0], [0], [1], [0, 0, 1, 1], [], []>, transpose_lhs_hint = false} : vector<400x128xf32>, vector<128x128xf32>, vector<400x128xf32> -> vector<400x128xf32>
    %mul3A_38 = arith.constant 2.500000e+00 : f32
    %mul3A_39 = vector.broadcast %mul3A_38 : f32 to vector<400x128xf32>
    %mul3A_40 = arith.mulf %max3A_25, %mul3A_39 : vector<400x128xf32>
    %add3A_41 = arith.constant 5.500000e+00 : f32
    %add3A_42 = vector.broadcast %add3A_41 : f32 to vector<400x128xf32>
    %add3A_43 = arith.addf %mul3A_40, %add3A_42 : vector<400x128xf32>
    %sub3A = arith.constant 0.000000e+00 : f32
    %sub3A_44 = vector.broadcast %sub3A : f32 to vector<400x128xf32>
    %sub3A_45 = arith.subf %add3A_43, %sub3A_44 : vector<400x128xf32>
    %mul3A_46 = arith.mulf %sub3A_45, %sub3A_45 : vector<400x128xf32>
    %mul3A_47 = arith.mulf %mul3A_46, %sub3A_45 : vector<400x128xf32>
    %mul3A_48 = arith.constant 0.166666672 : f32
    %mul3A_49 = vector.broadcast %mul3A_48 : f32 to vector<400x128xf32>
    %mul3A_50 = arith.mulf %mul3A_47, %mul3A_49 : vector<400x128xf32>
    %mul3A_51 = arith.constant -3.000000e+00 : f32
    %mul3A_52 = vector.broadcast %mul3A_51 : f32 to vector<400x128xf32>
    %mul3A_53 = arith.mulf %mul3A_52, %mul3A_47 : vector<400x128xf32>
    %mul3A_54 = arith.constant 1.200000e+01 : f32
    %mul3A_55 = vector.broadcast %mul3A_54 : f32 to vector<400x128xf32>
    %mul3A_56 = arith.mulf %mul3A_55, %mul3A_46 : vector<400x128xf32>
    %add3A_57 = arith.addf %mul3A_53, %mul3A_56 : vector<400x128xf32>
    %mul3A_58 = arith.constant 1.200000e+01 : f32
    %mul3A_59 = vector.broadcast %mul3A_58 : f32 to vector<400x128xf32>
    %mul3A_60 = arith.mulf %mul3A_59, %sub3A_45 : vector<400x128xf32>
    %sub3A_61 = arith.subf %add3A_57, %mul3A_60 : vector<400x128xf32>
    %add3A_62 = arith.constant 4.000000e+00 : f32
    %add3A_63 = vector.broadcast %add3A_62 : f32 to vector<400x128xf32>
    %add3A_64 = arith.addf %sub3A_61, %add3A_63 : vector<400x128xf32>
    %mul3A_65 = arith.constant 0.166666672 : f32
    %mul3A_66 = vector.broadcast %mul3A_65 : f32 to vector<400x128xf32>
    %mul3A_67 = arith.mulf %add3A_64, %mul3A_66 : vector<400x128xf32>
    %mul3A_68 = arith.constant 3.000000e+00 : f32
    %mul3A_69 = vector.broadcast %mul3A_68 : f32 to vector<400x128xf32>
    %mul3A_70 = arith.mulf %mul3A_69, %mul3A_47 : vector<400x128xf32>
    %mul3A_71 = arith.constant 2.400000e+01 : f32
    %mul3A_72 = vector.broadcast %mul3A_71 : f32 to vector<400x128xf32>
    %mul3A_73 = arith.mulf %mul3A_72, %mul3A_46 : vector<400x128xf32>
    %sub3A_74 = arith.subf %mul3A_70, %mul3A_73 : vector<400x128xf32>
    %mul3A_75 = arith.constant 6.000000e+01 : f32
    %mul3A_76 = vector.broadcast %mul3A_75 : f32 to vector<400x128xf32>
    %mul3A_77 = arith.mulf %mul3A_76, %sub3A_45 : vector<400x128xf32>
    %add3A_78 = arith.addf %sub3A_74, %mul3A_77 : vector<400x128xf32>
    %sub3A_79 = arith.constant 4.400000e+01 : f32
    %sub3A_80 = vector.broadcast %sub3A_79 : f32 to vector<400x128xf32>
    %sub3A_81 = arith.subf %add3A_78, %sub3A_80 : vector<400x128xf32>
    %mul3A_82 = arith.constant 0.166666672 : f32
    %mul3A_83 = vector.broadcast %mul3A_82 : f32 to vector<400x128xf32>
    %mul3A_84 = arith.mulf %sub3A_81, %mul3A_83 : vector<400x128xf32>
    %sub3A_85 = arith.constant 4.000000e+00 : f32
    %sub3A_86 = vector.broadcast %sub3A_85 : f32 to vector<400x128xf32>
    %sub3A_87 = arith.subf %sub3A_86, %sub3A_45 : vector<400x128xf32>
    %mul3A_88 = arith.mulf %sub3A_87, %sub3A_87 : vector<400x128xf32>
    %mul3A_89 = arith.mulf %mul3A_88, %sub3A_87 : vector<400x128xf32>
    %mul3A_90 = arith.constant 0.166666672 : f32
    %mul3A_91 = vector.broadcast %mul3A_90 : f32 to vector<400x128xf32>
    %mul3A_92 = arith.mulf %mul3A_89, %mul3A_91 : vector<400x128xf32>
    %broadcast_in_dim3A = arith.constant 0.000000e+00 : f32
    %broadcast_in_dim3A_93 = vector.broadcast %broadcast_in_dim3A : f32 to vector<400x128xf32>
    %ge3A = arith.constant 0.000000e+00 : f32
    %ge3A_94 = vector.broadcast %ge3A : f32 to vector<400x128xf32>
    %ge3A_95 = arith.cmpf oge, %sub3A_45, %ge3A_94 : vector<400x128xf32>
    %lt3A = arith.constant 1.000000e+00 : f32
    %lt3A_96 = vector.broadcast %lt3A : f32 to vector<400x128xf32>
    %lt3A_97 = arith.cmpf olt, %sub3A_45, %lt3A_96 : vector<400x128xf32>
    %and3A = arith.andi %ge3A_95, %lt3A_97 : vector<400x128xi1>
    %select_n3A = arith.select %and3A, %mul3A_50, %broadcast_in_dim3A_93 : vector<400x128xi1>, vector<400x128xf32>
    %ge3A_98 = arith.constant 1.000000e+00 : f32
    %ge3A_99 = vector.broadcast %ge3A_98 : f32 to vector<400x128xf32>
    %ge3A_100 = arith.cmpf oge, %sub3A_45, %ge3A_99 : vector<400x128xf32>
    %lt3A_101 = arith.constant 2.000000e+00 : f32
    %lt3A_102 = vector.broadcast %lt3A_101 : f32 to vector<400x128xf32>
    %lt3A_103 = arith.cmpf olt, %sub3A_45, %lt3A_102 : vector<400x128xf32>
    %and3A_104 = arith.andi %ge3A_100, %lt3A_103 : vector<400x128xi1>
    %select_n3A_105 = arith.select %and3A_104, %mul3A_67, %broadcast_in_dim3A_93 : vector<400x128xi1>, vector<400x128xf32>
    %add3A_106 = arith.addf %select_n3A, %select_n3A_105 : vector<400x128xf32>
    %ge3A_107 = arith.constant 2.000000e+00 : f32
    %ge3A_108 = vector.broadcast %ge3A_107 : f32 to vector<400x128xf32>
    %ge3A_109 = arith.cmpf oge, %sub3A_45, %ge3A_108 : vector<400x128xf32>
    %lt3A_110 = arith.constant 3.000000e+00 : f32
    %lt3A_111 = vector.broadcast %lt3A_110 : f32 to vector<400x128xf32>
    %lt3A_112 = arith.cmpf olt, %sub3A_45, %lt3A_111 : vector<400x128xf32>
    %and3A_113 = arith.andi %ge3A_109, %lt3A_112 : vector<400x128xi1>
    %select_n3A_114 = arith.select %and3A_113, %mul3A_84, %broadcast_in_dim3A_93 : vector<400x128xi1>, vector<400x128xf32>
    %add3A_115 = arith.addf %add3A_106, %select_n3A_114 : vector<400x128xf32>
    %ge3A_116 = arith.constant 3.000000e+00 : f32
    %ge3A_117 = vector.broadcast %ge3A_116 : f32 to vector<400x128xf32>
    %ge3A_118 = arith.cmpf oge, %sub3A_45, %ge3A_117 : vector<400x128xf32>
    %lt3A_119 = arith.constant 4.000000e+00 : f32
    %lt3A_120 = vector.broadcast %lt3A_119 : f32 to vector<400x128xf32>
    %lt3A_121 = arith.cmpf olt, %sub3A_45, %lt3A_120 : vector<400x128xf32>
    %and3A_122 = arith.andi %ge3A_118, %lt3A_121 : vector<400x128xi1>
    %select_n3A_123 = arith.select %and3A_122, %mul3A_92, %broadcast_in_dim3A_93 : vector<400x128xi1>, vector<400x128xf32>
    %add3A_124 = arith.addf %add3A_115, %select_n3A_123 : vector<400x128xf32>
    %get3A_125 = arith.constant 0 : index
    %get3A_126 = arith.constant 0 : index
    %get3A_127 = arith.constant 0 : index
    %get3A_128 = vector.load %arg6[%get3A_125, %get3A_126, %get3A_127] : memref<8x128x128xf32, #tpu.memory_space<vmem>>, vector<1x128x128xf32>
    %get3A_129 = vector.shape_cast %get3A_128 : vector<1x128x128xf32> to vector<128x128xf32>
    %dot_general3A_130 = arith.constant dense<0.000000e+00> : vector<400x128xf32>
    %dot_general3A_131 = tpu.matmul %add3A_124, %get3A_129, %dot_general3A_130 {dimension_numbers = #tpu.dot_dimension_numbers<[1], [0], [0], [1], [0, 0, 1, 1], [], []>, transpose_lhs_hint = false} : vector<400x128xf32>, vector<128x128xf32>, vector<400x128xf32> -> vector<400x128xf32>
    %add3A_132 = arith.addf %dot_general3A_37, %dot_general3A_131 : vector<400x128xf32>
    %sub3A_133 = arith.constant 1.000000e+00 : f32
    %sub3A_134 = vector.broadcast %sub3A_133 : f32 to vector<400x128xf32>
    %sub3A_135 = arith.subf %add3A_43, %sub3A_134 : vector<400x128xf32>
    %mul3A_136 = arith.mulf %sub3A_135, %sub3A_135 : vector<400x128xf32>
    %mul3A_137 = arith.mulf %mul3A_136, %sub3A_135 : vector<400x128xf32>
    %mul3A_138 = arith.constant 0.166666672 : f32
    %mul3A_139 = vector.broadcast %mul3A_138 : f32 to vector<400x128xf32>
    %mul3A_140 = arith.mulf %mul3A_137, %mul3A_139 : vector<400x128xf32>
    %mul3A_141 = arith.constant -3.000000e+00 : f32
    %mul3A_142 = vector.broadcast %mul3A_141 : f32 to vector<400x128xf32>
    %mul3A_143 = arith.mulf %mul3A_142, %mul3A_137 : vector<400x128xf32>
    %mul3A_144 = arith.constant 1.200000e+01 : f32
    %mul3A_145 = vector.broadcast %mul3A_144 : f32 to vector<400x128xf32>
    %mul3A_146 = arith.mulf %mul3A_145, %mul3A_136 : vector<400x128xf32>
    %add3A_147 = arith.addf %mul3A_143, %mul3A_146 : vector<400x128xf32>
    %mul3A_148 = arith.constant 1.200000e+01 : f32
    %mul3A_149 = vector.broadcast %mul3A_148 : f32 to vector<400x128xf32>
    %mul3A_150 = arith.mulf %mul3A_149, %sub3A_135 : vector<400x128xf32>
    %sub3A_151 = arith.subf %add3A_147, %mul3A_150 : vector<400x128xf32>
    %add3A_152 = arith.constant 4.000000e+00 : f32
    %add3A_153 = vector.broadcast %add3A_152 : f32 to vector<400x128xf32>
    %add3A_154 = arith.addf %sub3A_151, %add3A_153 : vector<400x128xf32>
    %mul3A_155 = arith.constant 0.166666672 : f32
    %mul3A_156 = vector.broadcast %mul3A_155 : f32 to vector<400x128xf32>
    %mul3A_157 = arith.mulf %add3A_154, %mul3A_156 : vector<400x128xf32>
    %mul3A_158 = arith.constant 3.000000e+00 : f32
    %mul3A_159 = vector.broadcast %mul3A_158 : f32 to vector<400x128xf32>
    %mul3A_160 = arith.mulf %mul3A_159, %mul3A_137 : vector<400x128xf32>
    %mul3A_161 = arith.constant 2.400000e+01 : f32
    %mul3A_162 = vector.broadcast %mul3A_161 : f32 to vector<400x128xf32>
    %mul3A_163 = arith.mulf %mul3A_162, %mul3A_136 : vector<400x128xf32>
    %sub3A_164 = arith.subf %mul3A_160, %mul3A_163 : vector<400x128xf32>
    %mul3A_165 = arith.constant 6.000000e+01 : f32
    %mul3A_166 = vector.broadcast %mul3A_165 : f32 to vector<400x128xf32>
    %mul3A_167 = arith.mulf %mul3A_166, %sub3A_135 : vector<400x128xf32>
    %add3A_168 = arith.addf %sub3A_164, %mul3A_167 : vector<400x128xf32>
    %sub3A_169 = arith.constant 4.400000e+01 : f32
    %sub3A_170 = vector.broadcast %sub3A_169 : f32 to vector<400x128xf32>
    %sub3A_171 = arith.subf %add3A_168, %sub3A_170 : vector<400x128xf32>
    %mul3A_172 = arith.constant 0.166666672 : f32
    %mul3A_173 = vector.broadcast %mul3A_172 : f32 to vector<400x128xf32>
    %mul3A_174 = arith.mulf %sub3A_171, %mul3A_173 : vector<400x128xf32>
    %sub3A_175 = arith.constant 4.000000e+00 : f32
    %sub3A_176 = vector.broadcast %sub3A_175 : f32 to vector<400x128xf32>
    %sub3A_177 = arith.subf %sub3A_176, %sub3A_135 : vector<400x128xf32>
    %mul3A_178 = arith.mulf %sub3A_177, %sub3A_177 : vector<400x128xf32>
    %mul3A_179 = arith.mulf %mul3A_178, %sub3A_177 : vector<400x128xf32>
    %mul3A_180 = arith.constant 0.166666672 : f32
    %mul3A_181 = vector.broadcast %mul3A_180 : f32 to vector<400x128xf32>
    %mul3A_182 = arith.mulf %mul3A_179, %mul3A_181 : vector<400x128xf32>
    %broadcast_in_dim3A_183 = arith.constant 0.000000e+00 : f32
    %broadcast_in_dim3A_184 = vector.broadcast %broadcast_in_dim3A_183 : f32 to vector<400x128xf32>
    %ge3A_185 = arith.constant 0.000000e+00 : f32
    %ge3A_186 = vector.broadcast %ge3A_185 : f32 to vector<400x128xf32>
    %ge3A_187 = arith.cmpf oge, %sub3A_135, %ge3A_186 : vector<400x128xf32>
    %lt3A_188 = arith.constant 1.000000e+00 : f32
    %lt3A_189 = vector.broadcast %lt3A_188 : f32 to vector<400x128xf32>
    %lt3A_190 = arith.cmpf olt, %sub3A_135, %lt3A_189 : vector<400x128xf32>
    %and3A_191 = arith.andi %ge3A_187, %lt3A_190 : vector<400x128xi1>
    %select_n3A_192 = arith.select %and3A_191, %mul3A_140, %broadcast_in_dim3A_184 : vector<400x128xi1>, vector<400x128xf32>
    %ge3A_193 = arith.constant 1.000000e+00 : f32
    %ge3A_194 = vector.broadcast %ge3A_193 : f32 to vector<400x128xf32>
    %ge3A_195 = arith.cmpf oge, %sub3A_135, %ge3A_194 : vector<400x128xf32>
    %lt3A_196 = arith.constant 2.000000e+00 : f32
    %lt3A_197 = vector.broadcast %lt3A_196 : f32 to vector<400x128xf32>
    %lt3A_198 = arith.cmpf olt, %sub3A_135, %lt3A_197 : vector<400x128xf32>
    %and3A_199 = arith.andi %ge3A_195, %lt3A_198 : vector<400x128xi1>
    %select_n3A_200 = arith.select %and3A_199, %mul3A_157, %broadcast_in_dim3A_184 : vector<400x128xi1>, vector<400x128xf32>
    %add3A_201 = arith.addf %select_n3A_192, %select_n3A_200 : vector<400x128xf32>
    %ge3A_202 = arith.constant 2.000000e+00 : f32
    %ge3A_203 = vector.broadcast %ge3A_202 : f32 to vector<400x128xf32>
    %ge3A_204 = arith.cmpf oge, %sub3A_135, %ge3A_203 : vector<400x128xf32>
    %lt3A_205 = arith.constant 3.000000e+00 : f32
    %lt3A_206 = vector.broadcast %lt3A_205 : f32 to vector<400x128xf32>
    %lt3A_207 = arith.cmpf olt, %sub3A_135, %lt3A_206 : vector<400x128xf32>
    %and3A_208 = arith.andi %ge3A_204, %lt3A_207 : vector<400x128xi1>
    %select_n3A_209 = arith.select %and3A_208, %mul3A_174, %broadcast_in_dim3A_184 : vector<400x128xi1>, vector<400x128xf32>
    %add3A_210 = arith.addf %add3A_201, %select_n3A_209 : vector<400x128xf32>
    %ge3A_211 = arith.constant 3.000000e+00 : f32
    %ge3A_212 = vector.broadcast %ge3A_211 : f32 to vector<400x128xf32>
    %ge3A_213 = arith.cmpf oge, %sub3A_135, %ge3A_212 : vector<400x128xf32>
    %lt3A_214 = arith.constant 4.000000e+00 : f32
    %lt3A_215 = vector.broadcast %lt3A_214 : f32 to vector<400x128xf32>
    %lt3A_216 = arith.cmpf olt, %sub3A_135, %lt3A_215 : vector<400x128xf32>
    %and3A_217 = arith.andi %ge3A_213, %lt3A_216 : vector<400x128xi1>
    %select_n3A_218 = arith.select %and3A_217, %mul3A_182, %broadcast_in_dim3A_184 : vector<400x128xi1>, vector<400x128xf32>
    %add3A_219 = arith.addf %add3A_210, %select_n3A_218 : vector<400x128xf32>
    %get3A_220 = arith.constant 1 : index
    %get3A_221 = arith.constant 0 : index
    %get3A_222 = arith.constant 0 : index
    %get3A_223 = vector.load %arg6[%get3A_220, %get3A_221, %get3A_222] : memref<8x128x128xf32, #tpu.memory_space<vmem>>, vector<1x128x128xf32>
    %get3A_224 = vector.shape_cast %get3A_223 : vector<1x128x128xf32> to vector<128x128xf32>
    %dot_general3A_225 = arith.constant dense<0.000000e+00> : vector<400x128xf32>
    %dot_general3A_226 = tpu.matmul %add3A_219, %get3A_224, %dot_general3A_225 {dimension_numbers = #tpu.dot_dimension_numbers<[1], [0], [0], [1], [0, 0, 1, 1], [], []>, transpose_lhs_hint = false} : vector<400x128xf32>, vector<128x128xf32>, vector<400x128xf32> -> vector<400x128xf32>
    %add3A_227 = arith.addf %add3A_132, %dot_general3A_226 : vector<400x128xf32>
    %sub3A_228 = arith.constant 2.000000e+00 : f32
    %sub3A_229 = vector.broadcast %sub3A_228 : f32 to vector<400x128xf32>
    %sub3A_230 = arith.subf %add3A_43, %sub3A_229 : vector<400x128xf32>
    %mul3A_231 = arith.mulf %sub3A_230, %sub3A_230 : vector<400x128xf32>
    %mul3A_232 = arith.mulf %mul3A_231, %sub3A_230 : vector<400x128xf32>
    %mul3A_233 = arith.constant 0.166666672 : f32
    %mul3A_234 = vector.broadcast %mul3A_233 : f32 to vector<400x128xf32>
    %mul3A_235 = arith.mulf %mul3A_232, %mul3A_234 : vector<400x128xf32>
    %mul3A_236 = arith.constant -3.000000e+00 : f32
    %mul3A_237 = vector.broadcast %mul3A_236 : f32 to vector<400x128xf32>
    %mul3A_238 = arith.mulf %mul3A_237, %mul3A_232 : vector<400x128xf32>
    %mul3A_239 = arith.constant 1.200000e+01 : f32
    %mul3A_240 = vector.broadcast %mul3A_239 : f32 to vector<400x128xf32>
    %mul3A_241 = arith.mulf %mul3A_240, %mul3A_231 : vector<400x128xf32>
    %add3A_242 = arith.addf %mul3A_238, %mul3A_241 : vector<400x128xf32>
    %mul3A_243 = arith.constant 1.200000e+01 : f32
    %mul3A_244 = vector.broadcast %mul3A_243 : f32 to vector<400x128xf32>
    %mul3A_245 = arith.mulf %mul3A_244, %sub3A_230 : vector<400x128xf32>
    %sub3A_246 = arith.subf %add3A_242, %mul3A_245 : vector<400x128xf32>
    %add3A_247 = arith.constant 4.000000e+00 : f32
    %add3A_248 = vector.broadcast %add3A_247 : f32 to vector<400x128xf32>
    %add3A_249 = arith.addf %sub3A_246, %add3A_248 : vector<400x128xf32>
    %mul3A_250 = arith.constant 0.166666672 : f32
    %mul3A_251 = vector.broadcast %mul3A_250 : f32 to vector<400x128xf32>
    %mul3A_252 = arith.mulf %add3A_249, %mul3A_251 : vector<400x128xf32>
    %mul3A_253 = arith.constant 3.000000e+00 : f32
    %mul3A_254 = vector.broadcast %mul3A_253 : f32 to vector<400x128xf32>
    %mul3A_255 = arith.mulf %mul3A_254, %mul3A_232 : vector<400x128xf32>
    %mul3A_256 = arith.constant 2.400000e+01 : f32
    %mul3A_257 = vector.broadcast %mul3A_256 : f32 to vector<400x128xf32>
    %mul3A_258 = arith.mulf %mul3A_257, %mul3A_231 : vector<400x128xf32>
    %sub3A_259 = arith.subf %mul3A_255, %mul3A_258 : vector<400x128xf32>
    %mul3A_260 = arith.constant 6.000000e+01 : f32
    %mul3A_261 = vector.broadcast %mul3A_260 : f32 to vector<400x128xf32>
    %mul3A_262 = arith.mulf %mul3A_261, %sub3A_230 : vector<400x128xf32>
    %add3A_263 = arith.addf %sub3A_259, %mul3A_262 : vector<400x128xf32>
    %sub3A_264 = arith.constant 4.400000e+01 : f32
    %sub3A_265 = vector.broadcast %sub3A_264 : f32 to vector<400x128xf32>
    %sub3A_266 = arith.subf %add3A_263, %sub3A_265 : vector<400x128xf32>
    %mul3A_267 = arith.constant 0.166666672 : f32
    %mul3A_268 = vector.broadcast %mul3A_267 : f32 to vector<400x128xf32>
    %mul3A_269 = arith.mulf %sub3A_266, %mul3A_268 : vector<400x128xf32>
    %sub3A_270 = arith.constant 4.000000e+00 : f32
    %sub3A_271 = vector.broadcast %sub3A_270 : f32 to vector<400x128xf32>
    %sub3A_272 = arith.subf %sub3A_271, %sub3A_230 : vector<400x128xf32>
    %mul3A_273 = arith.mulf %sub3A_272, %sub3A_272 : vector<400x128xf32>
    %mul3A_274 = arith.mulf %mul3A_273, %sub3A_272 : vector<400x128xf32>
    %mul3A_275 = arith.constant 0.166666672 : f32
    %mul3A_276 = vector.broadcast %mul3A_275 : f32 to vector<400x128xf32>
    %mul3A_277 = arith.mulf %mul3A_274, %mul3A_276 : vector<400x128xf32>
    %broadcast_in_dim3A_278 = arith.constant 0.000000e+00 : f32
    %broadcast_in_dim3A_279 = vector.broadcast %broadcast_in_dim3A_278 : f32 to vector<400x128xf32>
    %ge3A_280 = arith.constant 0.000000e+00 : f32
    %ge3A_281 = vector.broadcast %ge3A_280 : f32 to vector<400x128xf32>
    %ge3A_282 = arith.cmpf oge, %sub3A_230, %ge3A_281 : vector<400x128xf32>
    %lt3A_283 = arith.constant 1.000000e+00 : f32
    %lt3A_284 = vector.broadcast %lt3A_283 : f32 to vector<400x128xf32>
    %lt3A_285 = arith.cmpf olt, %sub3A_230, %lt3A_284 : vector<400x128xf32>
    %and3A_286 = arith.andi %ge3A_282, %lt3A_285 : vector<400x128xi1>
    %select_n3A_287 = arith.select %and3A_286, %mul3A_235, %broadcast_in_dim3A_279 : vector<400x128xi1>, vector<400x128xf32>
    %ge3A_288 = arith.constant 1.000000e+00 : f32
    %ge3A_289 = vector.broadcast %ge3A_288 : f32 to vector<400x128xf32>
    %ge3A_290 = arith.cmpf oge, %sub3A_230, %ge3A_289 : vector<400x128xf32>
    %lt3A_291 = arith.constant 2.000000e+00 : f32
    %lt3A_292 = vector.broadcast %lt3A_291 : f32 to vector<400x128xf32>
    %lt3A_293 = arith.cmpf olt, %sub3A_230, %lt3A_292 : vector<400x128xf32>
    %and3A_294 = arith.andi %ge3A_290, %lt3A_293 : vector<400x128xi1>
    %select_n3A_295 = arith.select %and3A_294, %mul3A_252, %broadcast_in_dim3A_279 : vector<400x128xi1>, vector<400x128xf32>
    %add3A_296 = arith.addf %select_n3A_287, %select_n3A_295 : vector<400x128xf32>
    %ge3A_297 = arith.constant 2.000000e+00 : f32
    %ge3A_298 = vector.broadcast %ge3A_297 : f32 to vector<400x128xf32>
    %ge3A_299 = arith.cmpf oge, %sub3A_230, %ge3A_298 : vector<400x128xf32>
    %lt3A_300 = arith.constant 3.000000e+00 : f32
    %lt3A_301 = vector.broadcast %lt3A_300 : f32 to vector<400x128xf32>
    %lt3A_302 = arith.cmpf olt, %sub3A_230, %lt3A_301 : vector<400x128xf32>
    %and3A_303 = arith.andi %ge3A_299, %lt3A_302 : vector<400x128xi1>
    %select_n3A_304 = arith.select %and3A_303, %mul3A_269, %broadcast_in_dim3A_279 : vector<400x128xi1>, vector<400x128xf32>
    %add3A_305 = arith.addf %add3A_296, %select_n3A_304 : vector<400x128xf32>
    %ge3A_306 = arith.constant 3.000000e+00 : f32
    %ge3A_307 = vector.broadcast %ge3A_306 : f32 to vector<400x128xf32>
    %ge3A_308 = arith.cmpf oge, %sub3A_230, %ge3A_307 : vector<400x128xf32>
    %lt3A_309 = arith.constant 4.000000e+00 : f32
    %lt3A_310 = vector.broadcast %lt3A_309 : f32 to vector<400x128xf32>
    %lt3A_311 = arith.cmpf olt, %sub3A_230, %lt3A_310 : vector<400x128xf32>
    %and3A_312 = arith.andi %ge3A_308, %lt3A_311 : vector<400x128xi1>
    %select_n3A_313 = arith.select %and3A_312, %mul3A_277, %broadcast_in_dim3A_279 : vector<400x128xi1>, vector<400x128xf32>
    %add3A_314 = arith.addf %add3A_305, %select_n3A_313 : vector<400x128xf32>
    %get3A_315 = arith.constant 2 : index
    %get3A_316 = arith.constant 0 : index
    %get3A_317 = arith.constant 0 : index
    %get3A_318 = vector.load %arg6[%get3A_315, %get3A_316, %get3A_317] : memref<8x128x128xf32, #tpu.memory_space<vmem>>, vector<1x128x128xf32>
    %get3A_319 = vector.shape_cast %get3A_318 : vector<1x128x128xf32> to vector<128x128xf32>
    %dot_general3A_320 = arith.constant dense<0.000000e+00> : vector<400x128xf32>
    %dot_general3A_321 = tpu.matmul %add3A_314, %get3A_319, %dot_general3A_320 {dimension_numbers = #tpu.dot_dimension_numbers<[1], [0], [0], [1], [0, 0, 1, 1], [], []>, transpose_lhs_hint = false} : vector<400x128xf32>, vector<128x128xf32>, vector<400x128xf32> -> vector<400x128xf32>
    %add3A_322 = arith.addf %add3A_227, %dot_general3A_321 : vector<400x128xf32>
    %sub3A_323 = arith.constant 3.000000e+00 : f32
    %sub3A_324 = vector.broadcast %sub3A_323 : f32 to vector<400x128xf32>
    %sub3A_325 = arith.subf %add3A_43, %sub3A_324 : vector<400x128xf32>
    %mul3A_326 = arith.mulf %sub3A_325, %sub3A_325 : vector<400x128xf32>
    %mul3A_327 = arith.mulf %mul3A_326, %sub3A_325 : vector<400x128xf32>
    %mul3A_328 = arith.constant 0.166666672 : f32
    %mul3A_329 = vector.broadcast %mul3A_328 : f32 to vector<400x128xf32>
    %mul3A_330 = arith.mulf %mul3A_327, %mul3A_329 : vector<400x128xf32>
    %mul3A_331 = arith.constant -3.000000e+00 : f32
    %mul3A_332 = vector.broadcast %mul3A_331 : f32 to vector<400x128xf32>
    %mul3A_333 = arith.mulf %mul3A_332, %mul3A_327 : vector<400x128xf32>
    %mul3A_334 = arith.constant 1.200000e+01 : f32
    %mul3A_335 = vector.broadcast %mul3A_334 : f32 to vector<400x128xf32>
    %mul3A_336 = arith.mulf %mul3A_335, %mul3A_326 : vector<400x128xf32>
    %add3A_337 = arith.addf %mul3A_333, %mul3A_336 : vector<400x128xf32>
    %mul3A_338 = arith.constant 1.200000e+01 : f32
    %mul3A_339 = vector.broadcast %mul3A_338 : f32 to vector<400x128xf32>
    %mul3A_340 = arith.mulf %mul3A_339, %sub3A_325 : vector<400x128xf32>
    %sub3A_341 = arith.subf %add3A_337, %mul3A_340 : vector<400x128xf32>
    %add3A_342 = arith.constant 4.000000e+00 : f32
    %add3A_343 = vector.broadcast %add3A_342 : f32 to vector<400x128xf32>
    %add3A_344 = arith.addf %sub3A_341, %add3A_343 : vector<400x128xf32>
    %mul3A_345 = arith.constant 0.166666672 : f32
    %mul3A_346 = vector.broadcast %mul3A_345 : f32 to vector<400x128xf32>
    %mul3A_347 = arith.mulf %add3A_344, %mul3A_346 : vector<400x128xf32>
    %mul3A_348 = arith.constant 3.000000e+00 : f32
    %mul3A_349 = vector.broadcast %mul3A_348 : f32 to vector<400x128xf32>
    %mul3A_350 = arith.mulf %mul3A_349, %mul3A_327 : vector<400x128xf32>
    %mul3A_351 = arith.constant 2.400000e+01 : f32
    %mul3A_352 = vector.broadcast %mul3A_351 : f32 to vector<400x128xf32>
    %mul3A_353 = arith.mulf %mul3A_352, %mul3A_326 : vector<400x128xf32>
    %sub3A_354 = arith.subf %mul3A_350, %mul3A_353 : vector<400x128xf32>
    %mul3A_355 = arith.constant 6.000000e+01 : f32
    %mul3A_356 = vector.broadcast %mul3A_355 : f32 to vector<400x128xf32>
    %mul3A_357 = arith.mulf %mul3A_356, %sub3A_325 : vector<400x128xf32>
    %add3A_358 = arith.addf %sub3A_354, %mul3A_357 : vector<400x128xf32>
    %sub3A_359 = arith.constant 4.400000e+01 : f32
    %sub3A_360 = vector.broadcast %sub3A_359 : f32 to vector<400x128xf32>
    %sub3A_361 = arith.subf %add3A_358, %sub3A_360 : vector<400x128xf32>
    %mul3A_362 = arith.constant 0.166666672 : f32
    %mul3A_363 = vector.broadcast %mul3A_362 : f32 to vector<400x128xf32>
    %mul3A_364 = arith.mulf %sub3A_361, %mul3A_363 : vector<400x128xf32>
    %sub3A_365 = arith.constant 4.000000e+00 : f32
    %sub3A_366 = vector.broadcast %sub3A_365 : f32 to vector<400x128xf32>
    %sub3A_367 = arith.subf %sub3A_366, %sub3A_325 : vector<400x128xf32>
    %mul3A_368 = arith.mulf %sub3A_367, %sub3A_367 : vector<400x128xf32>
    %mul3A_369 = arith.mulf %mul3A_368, %sub3A_367 : vector<400x128xf32>
    %mul3A_370 = arith.constant 0.166666672 : f32
    %mul3A_371 = vector.broadcast %mul3A_370 : f32 to vector<400x128xf32>
    %mul3A_372 = arith.mulf %mul3A_369, %mul3A_371 : vector<400x128xf32>
    %broadcast_in_dim3A_373 = arith.constant 0.000000e+00 : f32
    %broadcast_in_dim3A_374 = vector.broadcast %broadcast_in_dim3A_373 : f32 to vector<400x128xf32>
    %ge3A_375 = arith.constant 0.000000e+00 : f32
    %ge3A_376 = vector.broadcast %ge3A_375 : f32 to vector<400x128xf32>
    %ge3A_377 = arith.cmpf oge, %sub3A_325, %ge3A_376 : vector<400x128xf32>
    %lt3A_378 = arith.constant 1.000000e+00 : f32
    %lt3A_379 = vector.broadcast %lt3A_378 : f32 to vector<400x128xf32>
    %lt3A_380 = arith.cmpf olt, %sub3A_325, %lt3A_379 : vector<400x128xf32>
    %and3A_381 = arith.andi %ge3A_377, %lt3A_380 : vector<400x128xi1>
    %select_n3A_382 = arith.select %and3A_381, %mul3A_330, %broadcast_in_dim3A_374 : vector<400x128xi1>, vector<400x128xf32>
    %ge3A_383 = arith.constant 1.000000e+00 : f32
    %ge3A_384 = vector.broadcast %ge3A_383 : f32 to vector<400x128xf32>
    %ge3A_385 = arith.cmpf oge, %sub3A_325, %ge3A_384 : vector<400x128xf32>
    %lt3A_386 = arith.constant 2.000000e+00 : f32
    %lt3A_387 = vector.broadcast %lt3A_386 : f32 to vector<400x128xf32>
    %lt3A_388 = arith.cmpf olt, %sub3A_325, %lt3A_387 : vector<400x128xf32>
    %and3A_389 = arith.andi %ge3A_385, %lt3A_388 : vector<400x128xi1>
    %select_n3A_390 = arith.select %and3A_389, %mul3A_347, %broadcast_in_dim3A_374 : vector<400x128xi1>, vector<400x128xf32>
    %add3A_391 = arith.addf %select_n3A_382, %select_n3A_390 : vector<400x128xf32>
    %ge3A_392 = arith.constant 2.000000e+00 : f32
    %ge3A_393 = vector.broadcast %ge3A_392 : f32 to vector<400x128xf32>
    %ge3A_394 = arith.cmpf oge, %sub3A_325, %ge3A_393 : vector<400x128xf32>
    %lt3A_395 = arith.constant 3.000000e+00 : f32
    %lt3A_396 = vector.broadcast %lt3A_395 : f32 to vector<400x128xf32>
    %lt3A_397 = arith.cmpf olt, %sub3A_325, %lt3A_396 : vector<400x128xf32>
    %and3A_398 = arith.andi %ge3A_394, %lt3A_397 : vector<400x128xi1>
    %select_n3A_399 = arith.select %and3A_398, %mul3A_364, %broadcast_in_dim3A_374 : vector<400x128xi1>, vector<400x128xf32>
    %add3A_400 = arith.addf %add3A_391, %select_n3A_399 : vector<400x128xf32>
    %ge3A_401 = arith.constant 3.000000e+00 : f32
    %ge3A_402 = vector.broadcast %ge3A_401 : f32 to vector<400x128xf32>
    %ge3A_403 = arith.cmpf oge, %sub3A_325, %ge3A_402 : vector<400x128xf32>
    %lt3A_404 = arith.constant 4.000000e+00 : f32
    %lt3A_405 = vector.broadcast %lt3A_404 : f32 to vector<400x128xf32>
    %lt3A_406 = arith.cmpf olt, %sub3A_325, %lt3A_405 : vector<400x128xf32>
    %and3A_407 = arith.andi %ge3A_403, %lt3A_406 : vector<400x128xi1>
    %select_n3A_408 = arith.select %and3A_407, %mul3A_372, %broadcast_in_dim3A_374 : vector<400x128xi1>, vector<400x128xf32>
    %add3A_409 = arith.addf %add3A_400, %select_n3A_408 : vector<400x128xf32>
    %get3A_410 = arith.constant 3 : index
    %get3A_411 = arith.constant 0 : index
    %get3A_412 = arith.constant 0 : index
    %get3A_413 = vector.load %arg6[%get3A_410, %get3A_411, %get3A_412] : memref<8x128x128xf32, #tpu.memory_space<vmem>>, vector<1x128x128xf32>
    %get3A_414 = vector.shape_cast %get3A_413 : vector<1x128x128xf32> to vector<128x128xf32>
    %dot_general3A_415 = arith.constant dense<0.000000e+00> : vector<400x128xf32>
    %dot_general3A_416 = tpu.matmul %add3A_409, %get3A_414, %dot_general3A_415 {dimension_numbers = #tpu.dot_dimension_numbers<[1], [0], [0], [1], [0, 0, 1, 1], [], []>, transpose_lhs_hint = false} : vector<400x128xf32>, vector<128x128xf32>, vector<400x128xf32> -> vector<400x128xf32>
    %add3A_417 = arith.addf %add3A_322, %dot_general3A_416 : vector<400x128xf32>
    %sub3A_418 = arith.constant 4.000000e+00 : f32
    %sub3A_419 = vector.broadcast %sub3A_418 : f32 to vector<400x128xf32>
    %sub3A_420 = arith.subf %add3A_43, %sub3A_419 : vector<400x128xf32>
    %mul3A_421 = arith.mulf %sub3A_420, %sub3A_420 : vector<400x128xf32>
    %mul3A_422 = arith.mulf %mul3A_421, %sub3A_420 : vector<400x128xf32>
    %mul3A_423 = arith.constant 0.166666672 : f32
    %mul3A_424 = vector.broadcast %mul3A_423 : f32 to vector<400x128xf32>
    %mul3A_425 = arith.mulf %mul3A_422, %mul3A_424 : vector<400x128xf32>
    %mul3A_426 = arith.constant -3.000000e+00 : f32
    %mul3A_427 = vector.broadcast %mul3A_426 : f32 to vector<400x128xf32>
    %mul3A_428 = arith.mulf %mul3A_427, %mul3A_422 : vector<400x128xf32>
    %mul3A_429 = arith.constant 1.200000e+01 : f32
    %mul3A_430 = vector.broadcast %mul3A_429 : f32 to vector<400x128xf32>
    %mul3A_431 = arith.mulf %mul3A_430, %mul3A_421 : vector<400x128xf32>
    %add3A_432 = arith.addf %mul3A_428, %mul3A_431 : vector<400x128xf32>
    %mul3A_433 = arith.constant 1.200000e+01 : f32
    %mul3A_434 = vector.broadcast %mul3A_433 : f32 to vector<400x128xf32>
    %mul3A_435 = arith.mulf %mul3A_434, %sub3A_420 : vector<400x128xf32>
    %sub3A_436 = arith.subf %add3A_432, %mul3A_435 : vector<400x128xf32>
    %add3A_437 = arith.constant 4.000000e+00 : f32
    %add3A_438 = vector.broadcast %add3A_437 : f32 to vector<400x128xf32>
    %add3A_439 = arith.addf %sub3A_436, %add3A_438 : vector<400x128xf32>
    %mul3A_440 = arith.constant 0.166666672 : f32
    %mul3A_441 = vector.broadcast %mul3A_440 : f32 to vector<400x128xf32>
    %mul3A_442 = arith.mulf %add3A_439, %mul3A_441 : vector<400x128xf32>
    %mul3A_443 = arith.constant 3.000000e+00 : f32
    %mul3A_444 = vector.broadcast %mul3A_443 : f32 to vector<400x128xf32>
    %mul3A_445 = arith.mulf %mul3A_444, %mul3A_422 : vector<400x128xf32>
    %mul3A_446 = arith.constant 2.400000e+01 : f32
    %mul3A_447 = vector.broadcast %mul3A_446 : f32 to vector<400x128xf32>
    %mul3A_448 = arith.mulf %mul3A_447, %mul3A_421 : vector<400x128xf32>
    %sub3A_449 = arith.subf %mul3A_445, %mul3A_448 : vector<400x128xf32>
    %mul3A_450 = arith.constant 6.000000e+01 : f32
    %mul3A_451 = vector.broadcast %mul3A_450 : f32 to vector<400x128xf32>
    %mul3A_452 = arith.mulf %mul3A_451, %sub3A_420 : vector<400x128xf32>
    %add3A_453 = arith.addf %sub3A_449, %mul3A_452 : vector<400x128xf32>
    %sub3A_454 = arith.constant 4.400000e+01 : f32
    %sub3A_455 = vector.broadcast %sub3A_454 : f32 to vector<400x128xf32>
    %sub3A_456 = arith.subf %add3A_453, %sub3A_455 : vector<400x128xf32>
    %mul3A_457 = arith.constant 0.166666672 : f32
    %mul3A_458 = vector.broadcast %mul3A_457 : f32 to vector<400x128xf32>
    %mul3A_459 = arith.mulf %sub3A_456, %mul3A_458 : vector<400x128xf32>
    %sub3A_460 = arith.constant 4.000000e+00 : f32
    %sub3A_461 = vector.broadcast %sub3A_460 : f32 to vector<400x128xf32>
    %sub3A_462 = arith.subf %sub3A_461, %sub3A_420 : vector<400x128xf32>
    %mul3A_463 = arith.mulf %sub3A_462, %sub3A_462 : vector<400x128xf32>
    %mul3A_464 = arith.mulf %mul3A_463, %sub3A_462 : vector<400x128xf32>
    %mul3A_465 = arith.constant 0.166666672 : f32
    %mul3A_466 = vector.broadcast %mul3A_465 : f32 to vector<400x128xf32>
    %mul3A_467 = arith.mulf %mul3A_464, %mul3A_466 : vector<400x128xf32>
    %broadcast_in_dim3A_468 = arith.constant 0.000000e+00 : f32
    %broadcast_in_dim3A_469 = vector.broadcast %broadcast_in_dim3A_468 : f32 to vector<400x128xf32>
    %ge3A_470 = arith.constant 0.000000e+00 : f32
    %ge3A_471 = vector.broadcast %ge3A_470 : f32 to vector<400x128xf32>
    %ge3A_472 = arith.cmpf oge, %sub3A_420, %ge3A_471 : vector<400x128xf32>
    %lt3A_473 = arith.constant 1.000000e+00 : f32
    %lt3A_474 = vector.broadcast %lt3A_473 : f32 to vector<400x128xf32>
    %lt3A_475 = arith.cmpf olt, %sub3A_420, %lt3A_474 : vector<400x128xf32>
    %and3A_476 = arith.andi %ge3A_472, %lt3A_475 : vector<400x128xi1>
    %select_n3A_477 = arith.select %and3A_476, %mul3A_425, %broadcast_in_dim3A_469 : vector<400x128xi1>, vector<400x128xf32>
    %ge3A_478 = arith.constant 1.000000e+00 : f32
    %ge3A_479 = vector.broadcast %ge3A_478 : f32 to vector<400x128xf32>
    %ge3A_480 = arith.cmpf oge, %sub3A_420, %ge3A_479 : vector<400x128xf32>
    %lt3A_481 = arith.constant 2.000000e+00 : f32
    %lt3A_482 = vector.broadcast %lt3A_481 : f32 to vector<400x128xf32>
    %lt3A_483 = arith.cmpf olt, %sub3A_420, %lt3A_482 : vector<400x128xf32>
    %and3A_484 = arith.andi %ge3A_480, %lt3A_483 : vector<400x128xi1>
    %select_n3A_485 = arith.select %and3A_484, %mul3A_442, %broadcast_in_dim3A_469 : vector<400x128xi1>, vector<400x128xf32>
    %add3A_486 = arith.addf %select_n3A_477, %select_n3A_485 : vector<400x128xf32>
    %ge3A_487 = arith.constant 2.000000e+00 : f32
    %ge3A_488 = vector.broadcast %ge3A_487 : f32 to vector<400x128xf32>
    %ge3A_489 = arith.cmpf oge, %sub3A_420, %ge3A_488 : vector<400x128xf32>
    %lt3A_490 = arith.constant 3.000000e+00 : f32
    %lt3A_491 = vector.broadcast %lt3A_490 : f32 to vector<400x128xf32>
    %lt3A_492 = arith.cmpf olt, %sub3A_420, %lt3A_491 : vector<400x128xf32>
    %and3A_493 = arith.andi %ge3A_489, %lt3A_492 : vector<400x128xi1>
    %select_n3A_494 = arith.select %and3A_493, %mul3A_459, %broadcast_in_dim3A_469 : vector<400x128xi1>, vector<400x128xf32>
    %add3A_495 = arith.addf %add3A_486, %select_n3A_494 : vector<400x128xf32>
    %ge3A_496 = arith.constant 3.000000e+00 : f32
    %ge3A_497 = vector.broadcast %ge3A_496 : f32 to vector<400x128xf32>
    %ge3A_498 = arith.cmpf oge, %sub3A_420, %ge3A_497 : vector<400x128xf32>
    %lt3A_499 = arith.constant 4.000000e+00 : f32
    %lt3A_500 = vector.broadcast %lt3A_499 : f32 to vector<400x128xf32>
    %lt3A_501 = arith.cmpf olt, %sub3A_420, %lt3A_500 : vector<400x128xf32>
    %and3A_502 = arith.andi %ge3A_498, %lt3A_501 : vector<400x128xi1>
    %select_n3A_503 = arith.select %and3A_502, %mul3A_467, %broadcast_in_dim3A_469 : vector<400x128xi1>, vector<400x128xf32>
    %add3A_504 = arith.addf %add3A_495, %select_n3A_503 : vector<400x128xf32>
    %get3A_505 = arith.constant 4 : index
    %get3A_506 = arith.constant 0 : index
    %get3A_507 = arith.constant 0 : index
    %get3A_508 = vector.load %arg6[%get3A_505, %get3A_506, %get3A_507] : memref<8x128x128xf32, #tpu.memory_space<vmem>>, vector<1x128x128xf32>
    %get3A_509 = vector.shape_cast %get3A_508 : vector<1x128x128xf32> to vector<128x128xf32>
    %dot_general3A_510 = arith.constant dense<0.000000e+00> : vector<400x128xf32>
    %dot_general3A_511 = tpu.matmul %add3A_504, %get3A_509, %dot_general3A_510 {dimension_numbers = #tpu.dot_dimension_numbers<[1], [0], [0], [1], [0, 0, 1, 1], [], []>, transpose_lhs_hint = false} : vector<400x128xf32>, vector<128x128xf32>, vector<400x128xf32> -> vector<400x128xf32>
    %add3A_512 = arith.addf %add3A_417, %dot_general3A_511 : vector<400x128xf32>
    %sub3A_513 = arith.constant 5.000000e+00 : f32
    %sub3A_514 = vector.broadcast %sub3A_513 : f32 to vector<400x128xf32>
    %sub3A_515 = arith.subf %add3A_43, %sub3A_514 : vector<400x128xf32>
    %mul3A_516 = arith.mulf %sub3A_515, %sub3A_515 : vector<400x128xf32>
    %mul3A_517 = arith.mulf %mul3A_516, %sub3A_515 : vector<400x128xf32>
    %mul3A_518 = arith.constant 0.166666672 : f32
    %mul3A_519 = vector.broadcast %mul3A_518 : f32 to vector<400x128xf32>
    %mul3A_520 = arith.mulf %mul3A_517, %mul3A_519 : vector<400x128xf32>
    %mul3A_521 = arith.constant -3.000000e+00 : f32
    %mul3A_522 = vector.broadcast %mul3A_521 : f32 to vector<400x128xf32>
    %mul3A_523 = arith.mulf %mul3A_522, %mul3A_517 : vector<400x128xf32>
    %mul3A_524 = arith.constant 1.200000e+01 : f32
    %mul3A_525 = vector.broadcast %mul3A_524 : f32 to vector<400x128xf32>
    %mul3A_526 = arith.mulf %mul3A_525, %mul3A_516 : vector<400x128xf32>
    %add3A_527 = arith.addf %mul3A_523, %mul3A_526 : vector<400x128xf32>
    %mul3A_528 = arith.constant 1.200000e+01 : f32
    %mul3A_529 = vector.broadcast %mul3A_528 : f32 to vector<400x128xf32>
    %mul3A_530 = arith.mulf %mul3A_529, %sub3A_515 : vector<400x128xf32>
    %sub3A_531 = arith.subf %add3A_527, %mul3A_530 : vector<400x128xf32>
    %add3A_532 = arith.constant 4.000000e+00 : f32
    %add3A_533 = vector.broadcast %add3A_532 : f32 to vector<400x128xf32>
    %add3A_534 = arith.addf %sub3A_531, %add3A_533 : vector<400x128xf32>
    %mul3A_535 = arith.constant 0.166666672 : f32
    %mul3A_536 = vector.broadcast %mul3A_535 : f32 to vector<400x128xf32>
    %mul3A_537 = arith.mulf %add3A_534, %mul3A_536 : vector<400x128xf32>
    %mul3A_538 = arith.constant 3.000000e+00 : f32
    %mul3A_539 = vector.broadcast %mul3A_538 : f32 to vector<400x128xf32>
    %mul3A_540 = arith.mulf %mul3A_539, %mul3A_517 : vector<400x128xf32>
    %mul3A_541 = arith.constant 2.400000e+01 : f32
    %mul3A_542 = vector.broadcast %mul3A_541 : f32 to vector<400x128xf32>
    %mul3A_543 = arith.mulf %mul3A_542, %mul3A_516 : vector<400x128xf32>
    %sub3A_544 = arith.subf %mul3A_540, %mul3A_543 : vector<400x128xf32>
    %mul3A_545 = arith.constant 6.000000e+01 : f32
    %mul3A_546 = vector.broadcast %mul3A_545 : f32 to vector<400x128xf32>
    %mul3A_547 = arith.mulf %mul3A_546, %sub3A_515 : vector<400x128xf32>
    %add3A_548 = arith.addf %sub3A_544, %mul3A_547 : vector<400x128xf32>
    %sub3A_549 = arith.constant 4.400000e+01 : f32
    %sub3A_550 = vector.broadcast %sub3A_549 : f32 to vector<400x128xf32>
    %sub3A_551 = arith.subf %add3A_548, %sub3A_550 : vector<400x128xf32>
    %mul3A_552 = arith.constant 0.166666672 : f32
    %mul3A_553 = vector.broadcast %mul3A_552 : f32 to vector<400x128xf32>
    %mul3A_554 = arith.mulf %sub3A_551, %mul3A_553 : vector<400x128xf32>
    %sub3A_555 = arith.constant 4.000000e+00 : f32
    %sub3A_556 = vector.broadcast %sub3A_555 : f32 to vector<400x128xf32>
    %sub3A_557 = arith.subf %sub3A_556, %sub3A_515 : vector<400x128xf32>
    %mul3A_558 = arith.mulf %sub3A_557, %sub3A_557 : vector<400x128xf32>
    %mul3A_559 = arith.mulf %mul3A_558, %sub3A_557 : vector<400x128xf32>
    %mul3A_560 = arith.constant 0.166666672 : f32
    %mul3A_561 = vector.broadcast %mul3A_560 : f32 to vector<400x128xf32>
    %mul3A_562 = arith.mulf %mul3A_559, %mul3A_561 : vector<400x128xf32>
    %broadcast_in_dim3A_563 = arith.constant 0.000000e+00 : f32
    %broadcast_in_dim3A_564 = vector.broadcast %broadcast_in_dim3A_563 : f32 to vector<400x128xf32>
    %ge3A_565 = arith.constant 0.000000e+00 : f32
    %ge3A_566 = vector.broadcast %ge3A_565 : f32 to vector<400x128xf32>
    %ge3A_567 = arith.cmpf oge, %sub3A_515, %ge3A_566 : vector<400x128xf32>
    %lt3A_568 = arith.constant 1.000000e+00 : f32
    %lt3A_569 = vector.broadcast %lt3A_568 : f32 to vector<400x128xf32>
    %lt3A_570 = arith.cmpf olt, %sub3A_515, %lt3A_569 : vector<400x128xf32>
    %and3A_571 = arith.andi %ge3A_567, %lt3A_570 : vector<400x128xi1>
    %select_n3A_572 = arith.select %and3A_571, %mul3A_520, %broadcast_in_dim3A_564 : vector<400x128xi1>, vector<400x128xf32>
    %ge3A_573 = arith.constant 1.000000e+00 : f32
    %ge3A_574 = vector.broadcast %ge3A_573 : f32 to vector<400x128xf32>
    %ge3A_575 = arith.cmpf oge, %sub3A_515, %ge3A_574 : vector<400x128xf32>
    %lt3A_576 = arith.constant 2.000000e+00 : f32
    %lt3A_577 = vector.broadcast %lt3A_576 : f32 to vector<400x128xf32>
    %lt3A_578 = arith.cmpf olt, %sub3A_515, %lt3A_577 : vector<400x128xf32>
    %and3A_579 = arith.andi %ge3A_575, %lt3A_578 : vector<400x128xi1>
    %select_n3A_580 = arith.select %and3A_579, %mul3A_537, %broadcast_in_dim3A_564 : vector<400x128xi1>, vector<400x128xf32>
    %add3A_581 = arith.addf %select_n3A_572, %select_n3A_580 : vector<400x128xf32>
    %ge3A_582 = arith.constant 2.000000e+00 : f32
    %ge3A_583 = vector.broadcast %ge3A_582 : f32 to vector<400x128xf32>
    %ge3A_584 = arith.cmpf oge, %sub3A_515, %ge3A_583 : vector<400x128xf32>
    %lt3A_585 = arith.constant 3.000000e+00 : f32
    %lt3A_586 = vector.broadcast %lt3A_585 : f32 to vector<400x128xf32>
    %lt3A_587 = arith.cmpf olt, %sub3A_515, %lt3A_586 : vector<400x128xf32>
    %and3A_588 = arith.andi %ge3A_584, %lt3A_587 : vector<400x128xi1>
    %select_n3A_589 = arith.select %and3A_588, %mul3A_554, %broadcast_in_dim3A_564 : vector<400x128xi1>, vector<400x128xf32>
    %add3A_590 = arith.addf %add3A_581, %select_n3A_589 : vector<400x128xf32>
    %ge3A_591 = arith.constant 3.000000e+00 : f32
    %ge3A_592 = vector.broadcast %ge3A_591 : f32 to vector<400x128xf32>
    %ge3A_593 = arith.cmpf oge, %sub3A_515, %ge3A_592 : vector<400x128xf32>
    %lt3A_594 = arith.constant 4.000000e+00 : f32
    %lt3A_595 = vector.broadcast %lt3A_594 : f32 to vector<400x128xf32>
    %lt3A_596 = arith.cmpf olt, %sub3A_515, %lt3A_595 : vector<400x128xf32>
    %and3A_597 = arith.andi %ge3A_593, %lt3A_596 : vector<400x128xi1>
    %select_n3A_598 = arith.select %and3A_597, %mul3A_562, %broadcast_in_dim3A_564 : vector<400x128xi1>, vector<400x128xf32>
    %add3A_599 = arith.addf %add3A_590, %select_n3A_598 : vector<400x128xf32>
    %get3A_600 = arith.constant 5 : index
    %get3A_601 = arith.constant 0 : index
    %get3A_602 = arith.constant 0 : index
    %get3A_603 = vector.load %arg6[%get3A_600, %get3A_601, %get3A_602] : memref<8x128x128xf32, #tpu.memory_space<vmem>>, vector<1x128x128xf32>
    %get3A_604 = vector.shape_cast %get3A_603 : vector<1x128x128xf32> to vector<128x128xf32>
    %dot_general3A_605 = arith.constant dense<0.000000e+00> : vector<400x128xf32>
    %dot_general3A_606 = tpu.matmul %add3A_599, %get3A_604, %dot_general3A_605 {dimension_numbers = #tpu.dot_dimension_numbers<[1], [0], [0], [1], [0, 0, 1, 1], [], []>, transpose_lhs_hint = false} : vector<400x128xf32>, vector<128x128xf32>, vector<400x128xf32> -> vector<400x128xf32>
    %add3A_607 = arith.addf %add3A_512, %dot_general3A_606 : vector<400x128xf32>
    %sub3A_608 = arith.constant 6.000000e+00 : f32
    %sub3A_609 = vector.broadcast %sub3A_608 : f32 to vector<400x128xf32>
    %sub3A_610 = arith.subf %add3A_43, %sub3A_609 : vector<400x128xf32>
    %mul3A_611 = arith.mulf %sub3A_610, %sub3A_610 : vector<400x128xf32>
    %mul3A_612 = arith.mulf %mul3A_611, %sub3A_610 : vector<400x128xf32>
    %mul3A_613 = arith.constant 0.166666672 : f32
    %mul3A_614 = vector.broadcast %mul3A_613 : f32 to vector<400x128xf32>
    %mul3A_615 = arith.mulf %mul3A_612, %mul3A_614 : vector<400x128xf32>
    %mul3A_616 = arith.constant -3.000000e+00 : f32
    %mul3A_617 = vector.broadcast %mul3A_616 : f32 to vector<400x128xf32>
    %mul3A_618 = arith.mulf %mul3A_617, %mul3A_612 : vector<400x128xf32>
    %mul3A_619 = arith.constant 1.200000e+01 : f32
    %mul3A_620 = vector.broadcast %mul3A_619 : f32 to vector<400x128xf32>
    %mul3A_621 = arith.mulf %mul3A_620, %mul3A_611 : vector<400x128xf32>
    %add3A_622 = arith.addf %mul3A_618, %mul3A_621 : vector<400x128xf32>
    %mul3A_623 = arith.constant 1.200000e+01 : f32
    %mul3A_624 = vector.broadcast %mul3A_623 : f32 to vector<400x128xf32>
    %mul3A_625 = arith.mulf %mul3A_624, %sub3A_610 : vector<400x128xf32>
    %sub3A_626 = arith.subf %add3A_622, %mul3A_625 : vector<400x128xf32>
    %add3A_627 = arith.constant 4.000000e+00 : f32
    %add3A_628 = vector.broadcast %add3A_627 : f32 to vector<400x128xf32>
    %add3A_629 = arith.addf %sub3A_626, %add3A_628 : vector<400x128xf32>
    %mul3A_630 = arith.constant 0.166666672 : f32
    %mul3A_631 = vector.broadcast %mul3A_630 : f32 to vector<400x128xf32>
    %mul3A_632 = arith.mulf %add3A_629, %mul3A_631 : vector<400x128xf32>
    %mul3A_633 = arith.constant 3.000000e+00 : f32
    %mul3A_634 = vector.broadcast %mul3A_633 : f32 to vector<400x128xf32>
    %mul3A_635 = arith.mulf %mul3A_634, %mul3A_612 : vector<400x128xf32>
    %mul3A_636 = arith.constant 2.400000e+01 : f32
    %mul3A_637 = vector.broadcast %mul3A_636 : f32 to vector<400x128xf32>
    %mul3A_638 = arith.mulf %mul3A_637, %mul3A_611 : vector<400x128xf32>
    %sub3A_639 = arith.subf %mul3A_635, %mul3A_638 : vector<400x128xf32>
    %mul3A_640 = arith.constant 6.000000e+01 : f32
    %mul3A_641 = vector.broadcast %mul3A_640 : f32 to vector<400x128xf32>
    %mul3A_642 = arith.mulf %mul3A_641, %sub3A_610 : vector<400x128xf32>
    %add3A_643 = arith.addf %sub3A_639, %mul3A_642 : vector<400x128xf32>
    %sub3A_644 = arith.constant 4.400000e+01 : f32
    %sub3A_645 = vector.broadcast %sub3A_644 : f32 to vector<400x128xf32>
    %sub3A_646 = arith.subf %add3A_643, %sub3A_645 : vector<400x128xf32>
    %mul3A_647 = arith.constant 0.166666672 : f32
    %mul3A_648 = vector.broadcast %mul3A_647 : f32 to vector<400x128xf32>
    %mul3A_649 = arith.mulf %sub3A_646, %mul3A_648 : vector<400x128xf32>
    %sub3A_650 = arith.constant 4.000000e+00 : f32
    %sub3A_651 = vector.broadcast %sub3A_650 : f32 to vector<400x128xf32>
    %sub3A_652 = arith.subf %sub3A_651, %sub3A_610 : vector<400x128xf32>
    %mul3A_653 = arith.mulf %sub3A_652, %sub3A_652 : vector<400x128xf32>
    %mul3A_654 = arith.mulf %mul3A_653, %sub3A_652 : vector<400x128xf32>
    %mul3A_655 = arith.constant 0.166666672 : f32
    %mul3A_656 = vector.broadcast %mul3A_655 : f32 to vector<400x128xf32>
    %mul3A_657 = arith.mulf %mul3A_654, %mul3A_656 : vector<400x128xf32>
    %broadcast_in_dim3A_658 = arith.constant 0.000000e+00 : f32
    %broadcast_in_dim3A_659 = vector.broadcast %broadcast_in_dim3A_658 : f32 to vector<400x128xf32>
    %ge3A_660 = arith.constant 0.000000e+00 : f32
    %ge3A_661 = vector.broadcast %ge3A_660 : f32 to vector<400x128xf32>
    %ge3A_662 = arith.cmpf oge, %sub3A_610, %ge3A_661 : vector<400x128xf32>
    %lt3A_663 = arith.constant 1.000000e+00 : f32
    %lt3A_664 = vector.broadcast %lt3A_663 : f32 to vector<400x128xf32>
    %lt3A_665 = arith.cmpf olt, %sub3A_610, %lt3A_664 : vector<400x128xf32>
    %and3A_666 = arith.andi %ge3A_662, %lt3A_665 : vector<400x128xi1>
    %select_n3A_667 = arith.select %and3A_666, %mul3A_615, %broadcast_in_dim3A_659 : vector<400x128xi1>, vector<400x128xf32>
    %ge3A_668 = arith.constant 1.000000e+00 : f32
    %ge3A_669 = vector.broadcast %ge3A_668 : f32 to vector<400x128xf32>
    %ge3A_670 = arith.cmpf oge, %sub3A_610, %ge3A_669 : vector<400x128xf32>
    %lt3A_671 = arith.constant 2.000000e+00 : f32
    %lt3A_672 = vector.broadcast %lt3A_671 : f32 to vector<400x128xf32>
    %lt3A_673 = arith.cmpf olt, %sub3A_610, %lt3A_672 : vector<400x128xf32>
    %and3A_674 = arith.andi %ge3A_670, %lt3A_673 : vector<400x128xi1>
    %select_n3A_675 = arith.select %and3A_674, %mul3A_632, %broadcast_in_dim3A_659 : vector<400x128xi1>, vector<400x128xf32>
    %add3A_676 = arith.addf %select_n3A_667, %select_n3A_675 : vector<400x128xf32>
    %ge3A_677 = arith.constant 2.000000e+00 : f32
    %ge3A_678 = vector.broadcast %ge3A_677 : f32 to vector<400x128xf32>
    %ge3A_679 = arith.cmpf oge, %sub3A_610, %ge3A_678 : vector<400x128xf32>
    %lt3A_680 = arith.constant 3.000000e+00 : f32
    %lt3A_681 = vector.broadcast %lt3A_680 : f32 to vector<400x128xf32>
    %lt3A_682 = arith.cmpf olt, %sub3A_610, %lt3A_681 : vector<400x128xf32>
    %and3A_683 = arith.andi %ge3A_679, %lt3A_682 : vector<400x128xi1>
    %select_n3A_684 = arith.select %and3A_683, %mul3A_649, %broadcast_in_dim3A_659 : vector<400x128xi1>, vector<400x128xf32>
    %add3A_685 = arith.addf %add3A_676, %select_n3A_684 : vector<400x128xf32>
    %ge3A_686 = arith.constant 3.000000e+00 : f32
    %ge3A_687 = vector.broadcast %ge3A_686 : f32 to vector<400x128xf32>
    %ge3A_688 = arith.cmpf oge, %sub3A_610, %ge3A_687 : vector<400x128xf32>
    %lt3A_689 = arith.constant 4.000000e+00 : f32
    %lt3A_690 = vector.broadcast %lt3A_689 : f32 to vector<400x128xf32>
    %lt3A_691 = arith.cmpf olt, %sub3A_610, %lt3A_690 : vector<400x128xf32>
    %and3A_692 = arith.andi %ge3A_688, %lt3A_691 : vector<400x128xi1>
    %select_n3A_693 = arith.select %and3A_692, %mul3A_657, %broadcast_in_dim3A_659 : vector<400x128xi1>, vector<400x128xf32>
    %add3A_694 = arith.addf %add3A_685, %select_n3A_693 : vector<400x128xf32>
    %get3A_695 = arith.constant 6 : index
    %get3A_696 = arith.constant 0 : index
    %get3A_697 = arith.constant 0 : index
    %get3A_698 = vector.load %arg6[%get3A_695, %get3A_696, %get3A_697] : memref<8x128x128xf32, #tpu.memory_space<vmem>>, vector<1x128x128xf32>
    %get3A_699 = vector.shape_cast %get3A_698 : vector<1x128x128xf32> to vector<128x128xf32>
    %dot_general3A_700 = arith.constant dense<0.000000e+00> : vector<400x128xf32>
    %dot_general3A_701 = tpu.matmul %add3A_694, %get3A_699, %dot_general3A_700 {dimension_numbers = #tpu.dot_dimension_numbers<[1], [0], [0], [1], [0, 0, 1, 1], [], []>, transpose_lhs_hint = false} : vector<400x128xf32>, vector<128x128xf32>, vector<400x128xf32> -> vector<400x128xf32>
    %add3A_702 = arith.addf %add3A_607, %dot_general3A_701 : vector<400x128xf32>
    %sub3A_703 = arith.constant 7.000000e+00 : f32
    %sub3A_704 = vector.broadcast %sub3A_703 : f32 to vector<400x128xf32>
    %sub3A_705 = arith.subf %add3A_43, %sub3A_704 : vector<400x128xf32>
    %mul3A_706 = arith.mulf %sub3A_705, %sub3A_705 : vector<400x128xf32>
    %mul3A_707 = arith.mulf %mul3A_706, %sub3A_705 : vector<400x128xf32>
    %mul3A_708 = arith.constant 0.166666672 : f32
    %mul3A_709 = vector.broadcast %mul3A_708 : f32 to vector<400x128xf32>
    %mul3A_710 = arith.mulf %mul3A_707, %mul3A_709 : vector<400x128xf32>
    %mul3A_711 = arith.constant -3.000000e+00 : f32
    %mul3A_712 = vector.broadcast %mul3A_711 : f32 to vector<400x128xf32>
    %mul3A_713 = arith.mulf %mul3A_712, %mul3A_707 : vector<400x128xf32>
    %mul3A_714 = arith.constant 1.200000e+01 : f32
    %mul3A_715 = vector.broadcast %mul3A_714 : f32 to vector<400x128xf32>
    %mul3A_716 = arith.mulf %mul3A_715, %mul3A_706 : vector<400x128xf32>
    %add3A_717 = arith.addf %mul3A_713, %mul3A_716 : vector<400x128xf32>
    %mul3A_718 = arith.constant 1.200000e+01 : f32
    %mul3A_719 = vector.broadcast %mul3A_718 : f32 to vector<400x128xf32>
    %mul3A_720 = arith.mulf %mul3A_719, %sub3A_705 : vector<400x128xf32>
    %sub3A_721 = arith.subf %add3A_717, %mul3A_720 : vector<400x128xf32>
    %add3A_722 = arith.constant 4.000000e+00 : f32
    %add3A_723 = vector.broadcast %add3A_722 : f32 to vector<400x128xf32>
    %add3A_724 = arith.addf %sub3A_721, %add3A_723 : vector<400x128xf32>
    %mul3A_725 = arith.constant 0.166666672 : f32
    %mul3A_726 = vector.broadcast %mul3A_725 : f32 to vector<400x128xf32>
    %mul3A_727 = arith.mulf %add3A_724, %mul3A_726 : vector<400x128xf32>
    %mul3A_728 = arith.constant 3.000000e+00 : f32
    %mul3A_729 = vector.broadcast %mul3A_728 : f32 to vector<400x128xf32>
    %mul3A_730 = arith.mulf %mul3A_729, %mul3A_707 : vector<400x128xf32>
    %mul3A_731 = arith.constant 2.400000e+01 : f32
    %mul3A_732 = vector.broadcast %mul3A_731 : f32 to vector<400x128xf32>
    %mul3A_733 = arith.mulf %mul3A_732, %mul3A_706 : vector<400x128xf32>
    %sub3A_734 = arith.subf %mul3A_730, %mul3A_733 : vector<400x128xf32>
    %mul3A_735 = arith.constant 6.000000e+01 : f32
    %mul3A_736 = vector.broadcast %mul3A_735 : f32 to vector<400x128xf32>
    %mul3A_737 = arith.mulf %mul3A_736, %sub3A_705 : vector<400x128xf32>
    %add3A_738 = arith.addf %sub3A_734, %mul3A_737 : vector<400x128xf32>
    %sub3A_739 = arith.constant 4.400000e+01 : f32
    %sub3A_740 = vector.broadcast %sub3A_739 : f32 to vector<400x128xf32>
    %sub3A_741 = arith.subf %add3A_738, %sub3A_740 : vector<400x128xf32>
    %mul3A_742 = arith.constant 0.166666672 : f32
    %mul3A_743 = vector.broadcast %mul3A_742 : f32 to vector<400x128xf32>
    %mul3A_744 = arith.mulf %sub3A_741, %mul3A_743 : vector<400x128xf32>
    %sub3A_745 = arith.constant 4.000000e+00 : f32
    %sub3A_746 = vector.broadcast %sub3A_745 : f32 to vector<400x128xf32>
    %sub3A_747 = arith.subf %sub3A_746, %sub3A_705 : vector<400x128xf32>
    %mul3A_748 = arith.mulf %sub3A_747, %sub3A_747 : vector<400x128xf32>
    %mul3A_749 = arith.mulf %mul3A_748, %sub3A_747 : vector<400x128xf32>
    %mul3A_750 = arith.constant 0.166666672 : f32
    %mul3A_751 = vector.broadcast %mul3A_750 : f32 to vector<400x128xf32>
    %mul3A_752 = arith.mulf %mul3A_749, %mul3A_751 : vector<400x128xf32>
    %broadcast_in_dim3A_753 = arith.constant 0.000000e+00 : f32
    %broadcast_in_dim3A_754 = vector.broadcast %broadcast_in_dim3A_753 : f32 to vector<400x128xf32>
    %ge3A_755 = arith.constant 0.000000e+00 : f32
    %ge3A_756 = vector.broadcast %ge3A_755 : f32 to vector<400x128xf32>
    %ge3A_757 = arith.cmpf oge, %sub3A_705, %ge3A_756 : vector<400x128xf32>
    %lt3A_758 = arith.constant 1.000000e+00 : f32
    %lt3A_759 = vector.broadcast %lt3A_758 : f32 to vector<400x128xf32>
    %lt3A_760 = arith.cmpf olt, %sub3A_705, %lt3A_759 : vector<400x128xf32>
    %and3A_761 = arith.andi %ge3A_757, %lt3A_760 : vector<400x128xi1>
    %select_n3A_762 = arith.select %and3A_761, %mul3A_710, %broadcast_in_dim3A_754 : vector<400x128xi1>, vector<400x128xf32>
    %ge3A_763 = arith.constant 1.000000e+00 : f32
    %ge3A_764 = vector.broadcast %ge3A_763 : f32 to vector<400x128xf32>
    %ge3A_765 = arith.cmpf oge, %sub3A_705, %ge3A_764 : vector<400x128xf32>
    %lt3A_766 = arith.constant 2.000000e+00 : f32
    %lt3A_767 = vector.broadcast %lt3A_766 : f32 to vector<400x128xf32>
    %lt3A_768 = arith.cmpf olt, %sub3A_705, %lt3A_767 : vector<400x128xf32>
    %and3A_769 = arith.andi %ge3A_765, %lt3A_768 : vector<400x128xi1>
    %select_n3A_770 = arith.select %and3A_769, %mul3A_727, %broadcast_in_dim3A_754 : vector<400x128xi1>, vector<400x128xf32>
    %add3A_771 = arith.addf %select_n3A_762, %select_n3A_770 : vector<400x128xf32>
    %ge3A_772 = arith.constant 2.000000e+00 : f32
    %ge3A_773 = vector.broadcast %ge3A_772 : f32 to vector<400x128xf32>
    %ge3A_774 = arith.cmpf oge, %sub3A_705, %ge3A_773 : vector<400x128xf32>
    %lt3A_775 = arith.constant 3.000000e+00 : f32
    %lt3A_776 = vector.broadcast %lt3A_775 : f32 to vector<400x128xf32>
    %lt3A_777 = arith.cmpf olt, %sub3A_705, %lt3A_776 : vector<400x128xf32>
    %and3A_778 = arith.andi %ge3A_774, %lt3A_777 : vector<400x128xi1>
    %select_n3A_779 = arith.select %and3A_778, %mul3A_744, %broadcast_in_dim3A_754 : vector<400x128xi1>, vector<400x128xf32>
    %add3A_780 = arith.addf %add3A_771, %select_n3A_779 : vector<400x128xf32>
    %ge3A_781 = arith.constant 3.000000e+00 : f32
    %ge3A_782 = vector.broadcast %ge3A_781 : f32 to vector<400x128xf32>
    %ge3A_783 = arith.cmpf oge, %sub3A_705, %ge3A_782 : vector<400x128xf32>
    %lt3A_784 = arith.constant 4.000000e+00 : f32
    %lt3A_785 = vector.broadcast %lt3A_784 : f32 to vector<400x128xf32>
    %lt3A_786 = arith.cmpf olt, %sub3A_705, %lt3A_785 : vector<400x128xf32>
    %and3A_787 = arith.andi %ge3A_783, %lt3A_786 : vector<400x128xi1>
    %select_n3A_788 = arith.select %and3A_787, %mul3A_752, %broadcast_in_dim3A_754 : vector<400x128xi1>, vector<400x128xf32>
    %add3A_789 = arith.addf %add3A_780, %select_n3A_788 : vector<400x128xf32>
    %get3A_790 = arith.constant 7 : index
    %get3A_791 = arith.constant 0 : index
    %get3A_792 = arith.constant 0 : index
    %get3A_793 = vector.load %arg6[%get3A_790, %get3A_791, %get3A_792] : memref<8x128x128xf32, #tpu.memory_space<vmem>>, vector<1x128x128xf32>
    %get3A_794 = vector.shape_cast %get3A_793 : vector<1x128x128xf32> to vector<128x128xf32>
    %dot_general3A_795 = arith.constant dense<0.000000e+00> : vector<400x128xf32>
    %dot_general3A_796 = tpu.matmul %add3A_789, %get3A_794, %dot_general3A_795 {dimension_numbers = #tpu.dot_dimension_numbers<[1], [0], [0], [1], [0, 0, 1, 1], [], []>, transpose_lhs_hint = false} : vector<400x128xf32>, vector<128x128xf32>, vector<400x128xf32> -> vector<400x128xf32>
    %add3A_797 = arith.addf %add3A_702, %dot_general3A_796 : vector<400x128xf32>
    %get3A_798 = arith.constant 0 : index
    %get3A_799 = arith.constant 0 : index
    %get3A_800 = vector.load %arg7[%get3A_798, %get3A_799] : memref<128x128xf32, #tpu.memory_space<vmem>>, vector<128x128xf32>
    %dot_general3A_801 = arith.constant dense<0.000000e+00> : vector<400x128xf32>
    %dot_general3A_802 = tpu.matmul %add3A_797, %get3A_800, %dot_general3A_801 {dimension_numbers = #tpu.dot_dimension_numbers<[1], [0], [0], [1], [0, 0, 1, 1], [], []>, transpose_lhs_hint = false} : vector<400x128xf32>, vector<128x128xf32>, vector<400x128xf32> -> vector<400x128xf32>
    %mul3A_803 = vector.broadcast %get3A_1 : vector<400x1xf32> to vector<400x128xf32>
    %mul3A_804 = arith.mulf %dot_general3A_802, %mul3A_803 : vector<400x128xf32>
    %swap3A = arith.constant 0 : index
    %swap3A_805 = arith.constant 0 : index
    %swap3A_806 = vector.load %arg8[%swap3A, %swap3A_805] : memref<400x128xf32, #tpu.memory_space<vmem>>, vector<400x128xf32>
    tpu.vector_store %arg8[%swap3A, %swap3A_805], %dot_general3A_802 {strides = array<i32>} : memref<400x128xf32, #tpu.memory_space<vmem>>, vector<400x128xf32>,
    %slice3A = vector.extract_strided_slice %mul3A_804 {offsets = [0, 0], sizes = [400, 64], strides = [1, 1]} : vector<400x128xf32> to vector<400x64xf32>
    %swap3A_807 = arith.constant 0 : index
    %swap3A_808 = arith.constant 0 : index
    %swap3A_809 = arith.constant 0 : index
    %swap3A_810 = vector.load %arg9[%swap3A_807, %swap3A_808, %swap3A_809] : memref<2x400x64xf32, #tpu.memory_space<vmem>>, vector<1x400x64xf32>
    %swap3A_811 = vector.shape_cast %swap3A_810 : vector<1x400x64xf32> to vector<400x64xf32>
    %swap3A_812 = vector.shape_cast %slice3A : vector<400x64xf32> to vector<1x400x64xf32>
    tpu.vector_store %arg9[%swap3A_807, %swap3A_808, %swap3A_809], %swap3A_812 {strides = array<i32>} : memref<2x400x64xf32, #tpu.memory_space<vmem>>, vector<1x400x64xf32>,
    %slice3A_813 = vector.extract_strided_slice %mul3A_804 {offsets = [0, 64], sizes = [400, 64], strides = [1, 1]} : vector<400x128xf32> to vector<400x64xf32>
    %swap3A_814 = arith.constant 1 : index
    %swap3A_815 = arith.constant 0 : index
    %swap3A_816 = arith.constant 0 : index
    %swap3A_817 = vector.load %arg9[%swap3A_814, %swap3A_815, %swap3A_816] : memref<2x400x64xf32, #tpu.memory_space<vmem>>, vector<1x400x64xf32>
    %swap3A_818 = vector.shape_cast %swap3A_817 : vector<1x400x64xf32> to vector<400x64xf32>
    %swap3A_819 = vector.shape_cast %slice3A_813 : vector<400x64xf32> to vector<1x400x64xf32>
    tpu.vector_store %arg9[%swap3A_814, %swap3A_815, %swap3A_816], %swap3A_819 {strides = array<i32>} : memref<2x400x64xf32, #tpu.memory_space<vmem>>, vector<1x400x64xf32>,
    return
  }
  func.func @transform_0(%arg0: i32) -> (i32, i32, i32) {
    %c0_i32 = arith.constant 0 : i32
    %c0_i32_0 = arith.constant 0 : i32
    %c0_i32_1 = arith.constant 0 : i32
    return %c0_i32, %arg0, %c0_i32_0 : i32, i32, i32
  }
  func.func @transform_1(%arg0: i32) -> (i32, i32) {
    %c0_i32 = arith.constant 0 : i32
    %c0_i32_0 = arith.constant 0 : i32
    return %arg0, %c0_i32 : i32, i32
  }
  func.func @transform_2(%arg0: i32) -> (i32, i32) {
    %c0_i32 = arith.constant 0 : i32
    %c0_i32_0 = arith.constant 0 : i32
    return %arg0, %c0_i32 : i32, i32
  }
  func.func @transform_3(%arg0: i32) -> (i32, i32) {
    %c0_i32 = arith.constant 0 : i32
    %c0_i32_0 = arith.constant 0 : i32
    %c0_i32_1 = arith.constant 0 : i32
    return %c0_i32, %c0_i32_0 : i32, i32
  }
  func.func @transform_4(%arg0: i32) -> (i32, i32) {
    %c0_i32 = arith.constant 0 : i32
    %c0_i32_0 = arith.constant 0 : i32
    %c0_i32_1 = arith.constant 0 : i32
    return %c0_i32, %c0_i32_0 : i32, i32
  }
  func.func @transform_5(%arg0: i32) -> (i32, i32, i32) {
    %c0_i32 = arith.constant 0 : i32
    %c0_i32_0 = arith.constant 0 : i32
    %c0_i32_1 = arith.constant 0 : i32
    %c0_i32_2 = arith.constant 0 : i32
    return %c0_i32, %c0_i32_0, %c0_i32_1 : i32, i32, i32
  }
  func.func @transform_6(%arg0: i32) -> (i32, i32) {
    %c0_i32 = arith.constant 0 : i32
    %c0_i32_0 = arith.constant 0 : i32
    %c0_i32_1 = arith.constant 0 : i32
    return %c0_i32, %c0_i32_0 : i32, i32
  }
  func.func @transform_7(%arg0: i32) -> (i32, i32) {
    %c0_i32 = arith.constant 0 : i32
    %c0_i32_0 = arith.constant 0 : i32
    return %arg0, %c0_i32 : i32, i32
  }
  func.func @transform_8(%arg0: i32) -> (i32, i32, i32) {
    %c0_i32 = arith.constant 0 : i32
    %c0_i32_0 = arith.constant 0 : i32
    %c0_i32_1 = arith.constant 0 : i32
    return %c0_i32, %arg0, %c0_i32_0 : i32, i32, i32
  }
}

module attributes {stable_mosaic.version = 14 : i64} {
  func.func @_tc_c_body(%arg0: i32, %arg1: memref<2x400x64xf32, #tpu.memory_space<vmem>>, %arg2: memref<400x128xf32, #tpu.memory_space<vmem>>, %arg3: memref<400x1xf32, #tpu.memory_space<vmem>>, %arg4: memref<1x128xf32, #tpu.memory_space<vmem>>, %arg5: memref<128x64xf32, #tpu.memory_space<vmem>>, %arg6: memref<1x64xf32, #tpu.memory_space<vmem>>, %arg7: memref<400x64xf32, #tpu.memory_space<vmem>>) attributes {dimension_semantics = [#tpu.dimension_semantics<arbitrary>], iteration_bounds = array<i64: 25>, scalar_prefetch = 0 : i64, scratch_operands = 0 : i64, tpu.core_type = #tpu.core_type<tc>, window_params = [{transform_indices = @transform_0, window_bounds = array<i64: 2, 400, 64>}, {transform_indices = @transform_1, window_bounds = array<i64: 400, 128>}, {transform_indices = @transform_2, window_bounds = array<i64: 400, 1>}, {pipeline_mode = #tpu.pipeline_mode<synchronous>, transform_indices = @transform_3, window_bounds = array<i64: 1, 128>}, {pipeline_mode = #tpu.pipeline_mode<synchronous>, transform_indices = @transform_4, window_bounds = array<i64: 128, 64>}, {pipeline_mode = #tpu.pipeline_mode<synchronous>, transform_indices = @transform_5, window_bounds = array<i64: 1, 64>}, {transform_indices = @transform_6, window_bounds = array<i64: 400, 64>}]} {
    %get3A = arith.constant 0 : index
    %get3A_0 = arith.constant 0 : index
    %get3A_1 = vector.load %arg3[%get3A, %get3A_0] : memref<400x1xf32, #tpu.memory_space<vmem>>, vector<400x1xf32>
    %get3A_2 = arith.constant 0 : index
    %get3A_3 = arith.constant 0 : index
    %get3A_4 = arith.constant 0 : index
    %get3A_5 = vector.load %arg1[%get3A_2, %get3A_3, %get3A_4] : memref<2x400x64xf32, #tpu.memory_space<vmem>>, vector<1x400x64xf32>
    %get3A_6 = vector.shape_cast %get3A_5 : vector<1x400x64xf32> to vector<400x64xf32>
    %get3A_7 = arith.constant 1 : index
    %get3A_8 = arith.constant 0 : index
    %get3A_9 = arith.constant 0 : index
    %get3A_10 = vector.load %arg1[%get3A_7, %get3A_8, %get3A_9] : memref<2x400x64xf32, #tpu.memory_space<vmem>>, vector<1x400x64xf32>
    %get3A_11 = vector.shape_cast %get3A_10 : vector<1x400x64xf32> to vector<400x64xf32>
    %concatenate3A = tpu.concatenate %get3A_6, %get3A_11 in 1 : vector<400x64xf32>, vector<400x64xf32> -> vector<400x128xf32>
    %mul3A = vector.broadcast %get3A_1 : vector<400x1xf32> to vector<400x128xf32>
    %mul3A_12 = arith.mulf %mul3A, %concatenate3A : vector<400x128xf32>
    %mul3A_13 = arith.mulf %get3A_1, %get3A_1 : vector<400x1xf32>
    %get3A_14 = arith.constant 0 : index
    %get3A_15 = arith.constant 0 : index
    %get3A_16 = vector.load %arg2[%get3A_14, %get3A_15] : memref<400x128xf32, #tpu.memory_space<vmem>>, vector<400x128xf32>
    %mul3A_17 = vector.broadcast %mul3A_13 : vector<400x1xf32> to vector<400x128xf32>
    %mul3A_18 = arith.mulf %mul3A_17, %get3A_16 : vector<400x128xf32>
    %add3A = arith.addf %mul3A_12, %mul3A_18 : vector<400x128xf32>
    %get3A_19 = arith.constant 0 : index
    %get3A_20 = arith.constant 0 : index
    %get3A_21 = vector.load %arg4[%get3A_19, %get3A_20] : memref<1x128xf32, #tpu.memory_space<vmem>>, vector<1x128xf32>
    %add3A_22 = vector.broadcast %get3A_21 : vector<1x128xf32> to vector<400x128xf32>
    %add3A_23 = arith.addf %add3A, %add3A_22 : vector<400x128xf32>
    %max3A = arith.constant 0.000000e+00 : f32
    %max3A_24 = vector.broadcast %max3A : f32 to vector<400x128xf32>
    %max3A_25 = arith.maximumf %add3A_23, %max3A_24 : vector<400x128xf32>
    %get3A_26 = arith.constant 0 : index
    %get3A_27 = arith.constant 0 : index
    %get3A_28 = vector.load %arg5[%get3A_26, %get3A_27] : memref<128x64xf32, #tpu.memory_space<vmem>>, vector<128x64xf32>
    %dot_general3A = arith.constant dense<0.000000e+00> : vector<400x64xf32>
    %dot_general3A_29 = tpu.matmul %max3A_25, %get3A_28, %dot_general3A {dimension_numbers = #tpu.dot_dimension_numbers<[1], [0], [0], [1], [0, 0, 1, 1], [], []>, transpose_lhs_hint = false} : vector<400x128xf32>, vector<128x64xf32>, vector<400x64xf32> -> vector<400x64xf32>
    %get3A_30 = arith.constant 0 : index
    %get3A_31 = arith.constant 0 : index
    %get3A_32 = vector.load %arg6[%get3A_30, %get3A_31] : memref<1x64xf32, #tpu.memory_space<vmem>>, vector<1x64xf32>
    %add3A_33 = vector.broadcast %get3A_32 : vector<1x64xf32> to vector<400x64xf32>
    %add3A_34 = arith.addf %dot_general3A_29, %add3A_33 : vector<400x64xf32>
    %reduce_max3A = arith.constant dense<0xFF800000> : vector<400xf32>
    %reduce_max3A_35 = vector.multi_reduction <maximumf>, %add3A_34, %reduce_max3A [1] : vector<400x64xf32> to vector<400xf32>
    %broadcast_in_dim3A = vector.shape_cast %reduce_max3A_35 : vector<400xf32> to vector<400x1xf32>
    %sub3A = vector.broadcast %broadcast_in_dim3A : vector<400x1xf32> to vector<400x64xf32>
    %sub3A_36 = arith.subf %add3A_34, %sub3A : vector<400x64xf32>
    %exp3A = math.exp %sub3A_36 : vector<400x64xf32>
    %reduce_sum3A = arith.constant dense<0.000000e+00> : vector<400xf32>
    %reduce_sum3A_37 = vector.multi_reduction <add>, %exp3A, %reduce_sum3A [1] : vector<400x64xf32> to vector<400xf32>
    %broadcast_in_dim3A_38 = vector.shape_cast %reduce_sum3A_37 : vector<400xf32> to vector<400x1xf32>
    %log3A = math.log %broadcast_in_dim3A_38 : vector<400x1xf32>
    %sub3A_39 = vector.broadcast %log3A : vector<400x1xf32> to vector<400x64xf32>
    %sub3A_40 = arith.subf %sub3A_36, %sub3A_39 : vector<400x64xf32>
    %swap3A = arith.constant 0 : index
    %swap3A_41 = arith.constant 0 : index
    %swap3A_42 = vector.load %arg7[%swap3A, %swap3A_41] : memref<400x64xf32, #tpu.memory_space<vmem>>, vector<400x64xf32>
    tpu.vector_store %arg7[%swap3A, %swap3A_41], %sub3A_40 {strides = array<i32>} : memref<400x64xf32, #tpu.memory_space<vmem>>, vector<400x64xf32>,
    return
  }
  func.func @transform_0(%arg0: i32) -> (i32, i32, i32) {
    %c0_i32 = arith.constant 0 : i32
    %c0_i32_0 = arith.constant 0 : i32
    %c0_i32_1 = arith.constant 0 : i32
    return %c0_i32, %arg0, %c0_i32_0 : i32, i32, i32
  }
  func.func @transform_1(%arg0: i32) -> (i32, i32) {
    %c0_i32 = arith.constant 0 : i32
    %c0_i32_0 = arith.constant 0 : i32
    return %arg0, %c0_i32 : i32, i32
  }
  func.func @transform_2(%arg0: i32) -> (i32, i32) {
    %c0_i32 = arith.constant 0 : i32
    %c0_i32_0 = arith.constant 0 : i32
    return %arg0, %c0_i32 : i32, i32
  }
  func.func @transform_3(%arg0: i32) -> (i32, i32) {
    %c0_i32 = arith.constant 0 : i32
    %c0_i32_0 = arith.constant 0 : i32
    %c0_i32_1 = arith.constant 0 : i32
    return %c0_i32, %c0_i32_0 : i32, i32
  }
  func.func @transform_4(%arg0: i32) -> (i32, i32) {
    %c0_i32 = arith.constant 0 : i32
    %c0_i32_0 = arith.constant 0 : i32
    %c0_i32_1 = arith.constant 0 : i32
    return %c0_i32, %c0_i32_0 : i32, i32
  }
  func.func @transform_5(%arg0: i32) -> (i32, i32) {
    %c0_i32 = arith.constant 0 : i32
    %c0_i32_0 = arith.constant 0 : i32
    %c0_i32_1 = arith.constant 0 : i32
    return %c0_i32, %c0_i32_0 : i32, i32
  }
  func.func @transform_6(%arg0: i32) -> (i32, i32) {
    %c0_i32 = arith.constant 0 : i32
    %c0_i32_0 = arith.constant 0 : i32
    return %arg0, %c0_i32 : i32, i32
  }
}

</mosaic_0001>

<sc_bundles>
// kernel: kernel.11.cloned.1.call-start
scs
__scs_entry_jumppad:
0x0: {  	(pc) =	sbr.rel $0x88, $3  }
0x1: {  	(tag) =	ssettag $0x0;
	lr =	simm.s32 $0x1  }
0x2: {  	[smem:$0x3F97] =	sst lr;
	_ =	strace $0xD0000000  }
0x3: {  	_ = 	snop  }
0x4: {  	_ = 	snop  }
0x5: {  	_ = 	snop  }
0x6: {  	_ = 	snop  }
0x7: {  	_ = 	snop  }
__scs_overlays_trampoline_lowered:
0x8: {  	[smem:$0x3FA6] =	sst s0  }
0x9: {  	[smem:$0x3FA7] =	sst s1  }
0xa: {  	[smem:$0x3FA8] =	sst s2  }
0xb: {  	[smem:$0x3FA9] =	sst s3  }
0xc: {  	[smem:$0x3FAA] =	sst s4  }
0xd: {  	[smem:$0x3FAB] =	sst s5  }
0xe: {  	[smem:$0x3FAC] =	sst s6  }
0xf: {  	[smem:$0x3FAD] =	sst s7  }
0x10: {  	[smem:$0x3FAE] =	sst s8  }
0x11: {  	[smem:$0x3FAF] =	sst s9;
	s0 =	simm.s32 @!p0 $0x0  }
0x12: {  	s1 =	sld [smem:$0x3F95];
	s0 =	simm.s32 @p0 $0x1  }
0x13: {  	[smem:$0x3FB0] =	sst s0;
	s0 =	simm.s32 @!p1 $0x0  }
0x14: {  	s2 =	sld [smem:$0x3F94];
	s0 =	simm.s32 @p1 $0x1  }
0x15: {  	[smem:$0x3FB1] =	sst s0;
	s0 =	simm.s32 @!p2 $0x0  }
0x16: {  	s3 =	sld [smem:$0x3FDB];
	s0 =	simm.s32 @p2 $0x1  }
0x17: {  	s4 =	simm.s32 $0x1BF5;
	[smem:$0x3FB3] =	sst s0  }
0x18: {  	s0 =	sld [smem:$0x3F96];
	_ =	swait.ge [sflag:s4], $0x0  }
0x19: {  	s7 =	sld [smem:$0x3F97]  }
0x1a: {  	s8 =	sadd.s32 $0xFFFFE003, lr  }
0x1b: {  	s9 =	sadd.s32 $0xFFFFFEF7, lr;
	s5 =	simm.s32 $0xFFFFFFFF;
	p2 =	slt.u32 s8, $0xFFFFF086  }
0x1c: {  	p1 =	slt.u32 s9, $0xF7A;
	s5 =	simm.s32 @!p2 $0x0  }
0x1d: {  	s5 =	simm.s32 @p1 $0x1;
	p0 =	seq.s32 s7, s2  }
0x1e: {  	s7 =	smul.u32 @!p0 $0xF7A, s2;
	p2 =	seq.s32 @!p0 s5, $0x0  }
0x1f: {  	s9 =	smul.u32 $0xF7A, s1;
	s8 =	simm.s32 @!p0 $0x1BF5;
	p2 =	por !p2, p0  }
0x20: {  	[sflag:s8] =	ssyncset.s32 @!p0 $0xFFFFF086;
	s6 =	sadd.s32 @!p0 s3, s7;
	s7 =	simm.s32 @!p0 $0x108  }
0x21: {  	s3 =	sadd.s32 s3, s9;
	s6 =	sadd.s32 @!p0 $0x88, s6;
	s7 =	simm.s32 @p2 $0x1082  }
0x22: {  	[simem:s7], [sflag:s8] =	dma.local @!p0 [hbm:s6], $0xF7A  }
0x23: {  	s9 =	sor.u32 $0xD0000000, s2;
	s6 =	simm.s32 $0x108;
	_ =	swait.ge @!p0 [sflag:s8], $0x0  }
0x24: {  	s3 =	sadd.s32 $0x88, s3;
	s6 =	simm.s32 @!p1 $0x1082;
	[sflag:s4] =	ssyncset.s32 $0xFFFFF086  }
0x25: {  	[simem:s6], [sflag:s4] =	dma.local [hbm:s3], $0xF7A  }
0x26: {  	[smem:$0x3F97] =	sst s1;
	(tag) =	ssettag s2;
	_ =	strace s9  }
0x27: {  	s1 =	sld [smem:$0x3FA7]  }
0x28: {  	s2 =	sld [smem:$0x3FA8]  }
0x29: {  	s4 =	sld [smem:$0x3FAA]  }
0x2a: {  	p0 =	seq.s32 s5, $0x0;
	s5 =	sld [smem:$0x3FAB]  }
0x2b: {  	s6 =	sld [smem:$0x3FAC]  }
0x2c: {  	s7 =	sld [smem:$0x3FAD]  }
0x2d: {  	s3 =	simm.s32 $0x108;
	s8 =	sld [smem:$0x3FAE]  }
0x2e: {  	s3 =	simm.s32 @!p0 $0x1082;
	s9 =	sld [smem:$0x3FAF]  }
0x2f: {  	lr =	sadd.s32 s0, s3;
	s0 =	sld [smem:$0x3FA6]  }
0x30: {  	s3 =	sld [smem:$0x3FA9]  }
0x31: {  	[smem:$0x3FB2] =	sst s10  }
0x32: {  	s10 =	sld [smem:$0x3FB0];
	_ =	sdelay $0x3  }
0x33: {  	p0 =	seq.s32 s10, $0x1;
	s10 =	sld [smem:$0x3FB2];
	_ =	sdelay $0x3  }
0x34: {  	[smem:$0x3FB2] =	sst s10  }
0x35: {  	s10 =	sld [smem:$0x3FB1];
	_ =	sdelay $0x3  }
0x36: {  	p1 =	seq.s32 s10, $0x1;
	s10 =	sld [smem:$0x3FB2];
	_ =	sdelay $0x3  }
0x37: {  	[smem:$0x3FB2] =	sst s10  }
0x38: {  	s10 =	sld [smem:$0x3FB3]  }
0x39: {  	_ = 	snop;
	(pc) =	sbr.ind lr, $3  }
0x3a: {  	_ = 	snop  }
0x3b: {  	_ = 	snop  }
0x3c: {  	p2 =	seq.s32 s10, $0x1;
	s10 =	sld [smem:$0x3FB2]  }
0x3d: {  	_ =	shalt  }
0x3e: {  	_ =	shalt  }
0x3f: {  	_ =	shalt  }
0x40: {  	_ =	shalt  }
0x41: {  	_ =	shalt  }
0x42: {  	_ =	shalt  }
0x43: {  	_ =	shalt  }
0x44: {  	_ =	shalt  }
0x45: {  	_ =	shalt  }
0x46: {  	_ =	shalt  }
0x47: {  	_ =	shalt  }
0x48: {  	_ =	shalt  }
0x49: {  	_ =	shalt  }
0x4a: {  	_ =	shalt  }
0x4b: {  	_ =	shalt  }
0x4c: {  	_ =	shalt  }
0x4d: {  	_ =	shalt  }
0x4e: {  	_ =	shalt  }
0x4f: {  	_ =	shalt  }
0x50: {  	_ =	shalt  }
0x51: {  	_ =	shalt  }
0x52: {  	_ =	shalt  }
0x53: {  	_ =	shalt  }
0x54: {  	_ =	shalt  }
0x55: {  	_ =	shalt  }
0x56: {  	_ =	shalt  }
0x57: {  	_ =	shalt  }
0x58: {  	_ =	shalt  }
0x59: {  	_ =	shalt  }
0x5a: {  	_ =	shalt  }
0x5b: {  	_ =	shalt  }
0x5c: {  	_ =	shalt  }
0x5d: {  	_ =	shalt  }
0x5e: {  	_ =	shalt  }
0x5f: {  	_ =	shalt  }
0x60: {  	_ =	shalt  }
0x61: {  	_ =	shalt  }
0x62: {  	_ =	shalt  }
0x63: {  	_ =	shalt  }
0x64: {  	_ =	shalt  }
0x65: {  	_ =	shalt  }
0x66: {  	_ =	shalt  }
0x67: {  	_ =	shalt  }
0x68: {  	_ =	shalt  }
0x69: {  	_ =	shalt  }
0x6a: {  	_ =	shalt  }
0x6b: {  	_ =	shalt  }
0x6c: {  	_ =	shalt  }
0x6d: {  	_ =	shalt  }
0x6e: {  	_ =	shalt  }
0x6f: {  	_ =	shalt  }
0x70: {  	_ =	shalt  }
0x71: {  	_ =	shalt  }
0x72: {  	_ =	shalt  }
0x73: {  	_ =	shalt  }
0x74: {  	_ =	shalt  }
0x75: {  	_ =	shalt  }
0x76: {  	_ =	shalt  }
0x77: {  	_ =	shalt  }
0x78: {  	_ =	shalt  }
0x79: {  	_ =	shalt  }
0x7a: {  	_ =	shalt  }
0x7b: {  	_ =	shalt  }
0x7c: {  	_ =	shalt  }
0x7d: {  	_ =	shalt  }
0x7e: {  	_ =	shalt  }
0x7f: {  	_ =	shalt  }
0x80: {  	_ =	shalt  }
0x81: {  	_ =	shalt  }
0x82: {  	_ =	shalt  }
0x83: {  	_ =	shalt  }
0x84: {  	_ =	shalt  }
0x85: {  	_ =	shalt  }
0x86: {  	_ =	shalt  }
0x87: {  	_ =	shalt  }
.Lfunc_end0:
.L_simem_size_0:
called_computation.1_lowered:
.L_overlay_start_0:
0x88: {  	s2 =	sld [smem:$0x3FD9]  }
0x89: {  	s3 =	sld [smem:$0x3FFE];
	_ =	sdelay $0x1  }
0x8a: {  	s1 =	srdreg.scid  }
0x8b: {  	s0 =	sand.u32 $0x1, s1  }
0x8c: {  	s16 =	sshll.u32 s0, $0xA;
	s2 =	sadd.s32 s3, s2  }
0x8d: {  	s2 =	sadd.s32 s2, s16  }
0x8e: {  	[smem:$0x3FBE] =	sst s2  }
0x8f: {  	_ = 	snop  }
0x90: {  	(tm) =	ssettm $0x1  }
0x91: {  	s17 =	sld [smem:$0x3FFB];
	_ =	sdelay $0x3  }
0x92: {  	_ =	strace s17  }
0x93: {  	s2 =	sld [smem:$0x3FFC];
	_ =	sdelay $0x3  }
0x94: {  	_ =	strace s2  }
0x95: {  	s2 =	sld [smem:$0x3FFD];
	_ =	sdelay $0x3  }
0x96: {  	_ =	strace s2  }
0x97: {  	_ =	strace $0x8FFFFFFF  }
0x98: {  	s18 =	sld [smem:$0x3FDB];
	_ =	sdelay $0x1  }
0x99: {  	s19 =	simm.s32 $_scs_section_size  }
0x9a: {  	s4 =	simm.s32 $_size__tile_overlayer_lowered;
	s5 =	simm.s32 $_tile_overlayer_lowered  }
0x9b: {  	s22 =	simm.s32 $0x1BFF;
	s21 =	sshll.u32 s5, $0x1;
	s2 =	sadd.s32 s19, s18  }
0x9c: {  	s6 =	simm.s32 $0x0;
	s20 =	sshll.u32 s4, $0x1;
	s4 =	sadd.s32 s21, s2  }
0x9d: {  	[timem:s6], [sflag:s22] =	dma.local [hbm:s4], s20  }
0x9e: {  	_ =	swait.ge [sflag:s22], s20  }
0x9f: {  	s3 =	ssub.s32 $0x0, s20;
	[sflag:s22] =	ssyncset.done $0x0  }
0xa0: {  	[sflag:s22] =	ssyncadd.s32 s3;
	_ =	sdelay $0x1  }
0xa1: {  	s23 =	simm.s32 $0x1B8B  }
0xa2: {  	_ =	swait.ge [sflag:s23], $0x1  }
0xa3: {  	[sflag:s23] =	ssyncset.done $0x0  }
0xa4: {  	s25 =	simm.s32 $0x1B8E;
	s24 =	sld [smem:$0x3FFE];
	[sflag:s23] =	ssyncadd.s32 $0xFFFFFFFF  }
0xa5: {  	s26 =	simm.s32 $execute0_lowered;
	[smem:$0x3FD2] =	sst s25  }
0xa6: {  	s4 =	sshll.u32 s26, $0x1;
	_ =	strace $0x80000049;
	[dreg:$0x1] =	wrdreg $0xFFFFFFFF  }
0xa7: {  	s28 =	simm.s32 $_size_execute0_lowered;
	s2 =	sadd.s32 s2, s4;
	[dreg:$0x0] =	wrdreg $0x0  }
0xa8: {  	s4 =	sshll.u32 s28, $0x1;
	[dreg:$0x2] =	wrdreg s2  }
0xa9: {  	[dreg:$0x3] =	wrdreg s4  }
0xaa: {  	[dreg:$0x4] =	wrdreg $0xC0  }
0xab: {  	_ =	task [dreg:s6], $0x5FFFF  }
0xac: {  	[dreg:$0x1] =	wrdreg $0xFFFFFFFF  }
0xad: {  	[dreg:$0x0] =	wrdreg $0x60  }
0xae: {  	[dreg:$0x2] =	wrdreg s24  }
0xaf: {  	[dreg:$0x3] =	wrdreg $0xE4400  }
0xb0: {  	[dreg:$0x4] =	wrdreg $0x9  }
0xb1: {  	_ =	task.clear_ibuf [dreg:s6], $0x5FFFF;
	_ =	strace $0x90000049  }
0xb2: {  	s29 =	simm.s32 $0x9;
	_ =	strace $0x8000004B  }
0xb3: {  	_ =	swait.ge [sflag:s29], $0x1  }
0xb4: {  	[sflag:s29] =	ssyncadd.s32 $0xFFFFFFFF  }
0xb5: {  	_ =	strace $0x9000004B  }
0xb6: {  	_ =	sfence  }
0xb7: {  	s30 =	sld [smem:$0x0];
	_ =	sdelay $0x2  }
0xb8: {  	s31 =	sshll.u32 s1, $0xD;
	s1 =	sshrl.u32 s1, $0x2  }
0xb9: {  	s3 =	sand.u32 $0x4000, s31;
	s1 =	sadd.s32 s1, s30  }
0xba: {  	s0 =	sor.u32 s3, s0;
	s1 =	sshll.u32 s1, $0x11  }
0xbb: {  	s0 =	sor.u32 s1, s0  }
0xbc: {  	s0 =	sadd.s32 $0x8F2B, s0  }
0xbd: {  	[sflag:s0] =	ssyncadd.remote.s32 $0x1  }
0xbe: {  	_ =	sfence.sel $0xFFFF  }
0xbf: {  	[dreg:$0x0] =	wrdreg $0xFFFFFFFF;
	(pc) =	sbr.abs _section_cstart, $3  }
0xc0: {  	[dreg:$0x1] =	wrdreg $0xFFFFFFFF  }
0xc1: {  	_ =	task.clear_ibuf [dreg:s6], $0x2FFFF;
	_ =	strace $0x9FFFFFFF  }
0xc2: {  	(tm) =	ssettm $0x7FFFFFFF  }
0xc3: {  	_ =	shalt  }
tec
execute0_lowered:
.L_overlay_start_1:
0x0: {  	(tag) =	ssettag $0x1  }
0x1: {  	s0 =	rddreg [dreg:$0x0]  }
0x2: {  	s1 =	rddreg [dreg:$0x1];
	s2 =	simm.s32 $0x0;
	s3 =	srdreg.scid  }
0x3: {  	s25 =	stileid.u32;
	s19 =	simm.s32 $0x3;
	s20 =	simm.s32 $0x4E20  }
0x4: {  	s21 =	simm.s32 $0x50;
	s22 =	simm.s32 $0x9C40;
	s23 =	simm.s32 $0x1  }
0x5: {  	s24 =	simm.s32 $0xB040;
	s28 =	simm.s32 $0x9BA0;
	s29 =	simm.s32 $0x9BF0  }
0x6: {  	s30 =	simm.s32 $0x0;
	[smem:$0x7FF] =	sst s2;
	s5 =	smul.u32 $0x9C4, s25  }
0x7: {  	s7 =	sand.u32 $0x1, s3;
	s12 =	smul.u32 $0xA000, s25;
	s25 =	simm.s32 $0x2  }
0x8: {  	s4 =	smul.u32 $0x13880, s7;
	_ =	strace $0x8000004A;
	s26 =	ssub.s32 $0x2, s7  }
0x9: {  	s18 =	smul.u32 $0xA0000, s7;
	s10 =	sadd.s32 s5, s0;
	s31 =	sshrl.u32 s26, $0x1  }
0xa: {  	s13 =	sadd.s32 $0x2000, s12;
	s14 =	sadd.s32 $0x4000, s12;
	s15 =	sadd.s32 $0x6000, s12  }
0xb: {  	s16 =	sadd.s32 $0x8000, s12;
	s11 =	sadd.s32 s4, s0;
	s0 =	sadd.s32 $0x3D000, s0  }
0xc: {  	s17 =	ssub.s32 s26, s31;
	s4 =	sadd.s32 s12, s1;
	s5 =	sadd.s32 s13, s1  }
0xd: {  	s6 =	sadd.s32 s14, s1;
	s7 =	sadd.s32 s15, s1;
	s8 =	sadd.s32 s16, s1  }
0xe: {  	s9 =	sadd.s32 $0x2200, s10;
	s10 =	sadd.s32 $0xC000, s10;
	s12 =	sadd.s32 s12, s18  }
0xf: {  	s13 =	sadd.s32 s18, s13;
	s14 =	sadd.s32 s18, s14;
	s15 =	sadd.s32 s18, s15  }
0x10: {  	s16 =	sadd.s32 s18, s16;
	s18 =	simm.s32 $0xC440;
	s26 =	simm.s32 $0x4DD0  }
0x11: {  	s11 =	sadd.s32 $0x15E00, s11;
	s12 =	sshrl.u32 s12, $0x3;
	s13 =	sshrl.u32 s13, $0x3  }
0x12: {  	s14 =	sshrl.u32 s14, $0x3;
	s15 =	sshrl.u32 s15, $0x3;
	s16 =	sshrl.u32 s16, $0x3  }
0x13: {  	s17 =	smax.u32 s17, $0x1;
	s12 =	sadd.s32 s0, s12;
	s13 =	sadd.s32 s0, s13  }
0x14: {  	v0 =	vimm.f32 $0.0e+00;
	s14 =	sadd.s32 s0, s14;
	s15 =	sadd.s32 s0, s15;
	s16 =	sadd.s32 s0, s16  }
.LBB2_1:
0x15: {  	s0 =	simm.s32 $0x100;
	s31 =	simm.s32 $0x0  }
.LBB2_2:
0x16: {  	p0 =	sne.s32 s0, $0x7F00;
	[tilespmem:s31+$0xC470] =	vst v0;
	s3 =	smov.u32 s0;
	s0 =	sadd.s32 $0x100, s0  }
.Ltmp0:
0x17: {  	[tilespmem:s31+$0xC460] =	vst v0;
	(pc) =	sbr.rel @p0 .LBB2_2-.Ltmp0, $3  }
0x18: {  	[tilespmem:s31+$0xC440] =	vst v0  }
0x19: {  	[tilespmem:s31+$0xC450] =	vst v0;
	_ =	sdelay $0x1  }
0x1a: {  	s31 =	sshra.s32 s3, $0x2  }
0x1b: {  	[tilespmem:s31+$0xC470] =	vst v0  }
0x1c: {  	[tilespmem:s31+$0xC460] =	vst v0  }
0x1d: {  	[tilespmem:s31+$0xC440] =	vst v0  }
0x1e: {  	[tilespmem:s31+$0xC450] =	vst v0  }
0x1f: {  	[spmem:s4] =	stream.linear.scatter [tilespmem:s18], [sflag:$0x3], $0x2000, $0x38;
	[tilespmem:$0x18440] =	vst v63  }
0x20: {  	_ =	swait.ge [sflag:s19], $0x2000  }
0x21: {  	[sflag:s19] =	ssyncset.done $0x0  }
0x22: {  	[sflag:s19] =	ssyncadd.s32 $0xFFFFE000  }
0x23: {  	[spmem:s5] =	stream.linear.scatter [tilespmem:s18], [sflag:$0x3], $0x2000, $0x38;
	[tilespmem:$0x18440] =	vst v63  }
0x24: {  	_ =	swait.ge [sflag:s19], $0x2000  }
0x25: {  	[sflag:s19] =	ssyncset.done $0x0  }
0x26: {  	[sflag:s19] =	ssyncadd.s32 $0xFFFFE000  }
0x27: {  	[spmem:s6] =	stream.linear.scatter [tilespmem:s18], [sflag:$0x3], $0x2000, $0x38;
	[tilespmem:$0x18440] =	vst v63  }
0x28: {  	_ =	swait.ge [sflag:s19], $0x2000  }
0x29: {  	[sflag:s19] =	ssyncset.done $0x0  }
0x2a: {  	[sflag:s19] =	ssyncadd.s32 $0xFFFFE000  }
0x2b: {  	[spmem:s7] =	stream.linear.scatter [tilespmem:s18], [sflag:$0x3], $0x2000, $0x38;
	[tilespmem:$0x18440] =	vst v63  }
0x2c: {  	_ =	swait.ge [sflag:s19], $0x2000  }
0x2d: {  	[sflag:s19] =	ssyncset.done $0x0  }
0x2e: {  	[sflag:s19] =	ssyncadd.s32 $0xFFFFE000  }
0x2f: {  	[spmem:s8] =	stream.linear.scatter [tilespmem:s18], [sflag:$0x3], $0x2000, $0x38;
	[tilespmem:$0x18440] =	vst v63  }
0x30: {  	_ =	swait.ge [sflag:s19], $0x2000  }
0x31: {  	[sflag:s19] =	ssyncset.done $0x0  }
0x32: {  	[sflag:s19] =	ssyncadd.s32 $0xFFFFE000  }
0x33: {  	s0 =	simm.s32 $0x0;
	[bflag:$0x0] =	sbarrier.arrive $0xFFFF  }
0x34: {  	[tilespmem:s0], [sflag:$0x3] =	stream.linear.gather [hbm4b:s9+s0], $0x4E20, $0x38;
	[tilespmem:$0x18440] =	vst v63  }
0x35: {  	_ =	swait.ge [sflag:s19], $0x4E20  }
0x36: {  	[sflag:s19] =	ssyncset.done $0x0  }
0x37: {  	[sflag:s19] =	ssyncadd.s32 $0xFFFFB1E0  }
0x38: {  	[tilespmem:s20], [sflag:$0x3] =	stream.linear.gather [hbm4b:s10+s0], $0x4E20, $0x38;
	[tilespmem:$0x18440] =	vst v63  }
0x39: {  	_ =	swait.ge [sflag:s19], $0x4E20  }
0x3a: {  	[sflag:s19] =	ssyncset.done $0x0  }
0x3b: {  	[sflag:s19] =	ssyncadd.s32 $0xFFFFB1E0  }
0x3c: {  	[tilespmem:s22], [sflag:$0x1] =	stream.indirect.gather [hbm4b:s11+s21], $0x40, s0, s21, $0xb8;
	[tilespmem:$0x18440] =	vst v63  }
0x3d: {  	_ =	swait.ge [sflag:s23], $0x1400  }
0x3e: {  	[sflag:s23] =	ssyncset.done $0x0  }
0x3f: {  	s3 =	simm.s32 $0x50;
	[sflag:s23] =	ssyncadd.s32 $0xFFFFEC00  }
0x40: {  	[tilespmem:s24], [sflag:$0x2] =	stream.indirect.gather [hbm4b:s11+s21], $0x40, s3, s21, $0xb8;
	[tilespmem:$0x18440] =	vst v63  }
0x41: {  	s3 =	simm.s32 $0x4E20  }
0x42: {  	[spmem:s1] =	stream.indirect.scatter.add.f32 [tilespmem:s22], [sflag:$0x3], $0x40, s3, s21, $0xb8;
	[tilespmem:$0x18440] =	vst v63  }
0x43: {  	_ =	swait.ge [sflag:s19], $0x1400  }
0x44: {  	[sflag:s19] =	ssyncset.done $0x0  }
0x45: {  	[sflag:s19] =	ssyncadd.s32 $0xFFFFEC00  }
0x46: {  	_ =	swait.ge [sflag:s25], $0x1400  }
0x47: {  	[sflag:s25] =	ssyncset.done $0x0  }
0x48: {  	s3 =	simm.s32 $0xA0;
	[sflag:s25] =	ssyncadd.s32 $0xFFFFEC00  }
0x49: {  	[tilespmem:s22], [sflag:$0x1] =	stream.indirect.gather [hbm4b:s11+s21], $0x40, s3, s21, $0xb8;
	[tilespmem:$0x18440] =	vst v63  }
0x4a: {  	s3 =	simm.s32 $0x4E70  }
0x4b: {  	[spmem:s1] =	stream.indirect.scatter.add.f32 [tilespmem:s24], [sflag:$0x3], $0x40, s3, s21, $0xb8;
	[tilespmem:$0x18440] =	vst v63  }
0x4c: {  	_ =	swait.ge [sflag:s19], $0x1400  }
0x4d: {  	s31 =	simm.s32 $0x280;
	[sflag:s19] =	ssyncset.done $0x0  }
.LBB2_4:
0x4e: {  	p0 =	sne.s32 s31, $0x13380  }
0x4f: {  	[sflag:s19] =	ssyncadd.s32 $0xFFFFEC00;
	s0 =	smov.u32 s31;
	s31 =	sadd.s32 $0x280, s31  }
0x50: {  	_ = 	snop  }
0x51: {  	_ =	swait.ge [sflag:s23], $0x1400  }
0x52: {  	s0 =	sshra.s32 s0, $0x2;
	[sflag:s23] =	ssyncset.done $0x0  }
0x53: {  	s3 =	sadd.s32 $0x50, s0;
	[sflag:s23] =	ssyncadd.s32 $0xFFFFEC00  }
0x54: {  	[tilespmem:s24], [sflag:$0x2] =	stream.indirect.gather [hbm4b:s11+s21], $0x40, s3, s21, $0xb8;
	[tilespmem:$0x18440] =	vst v63  }
0x55: {  	s3 =	sadd.s32 $0x4E20, s0  }
0x56: {  	[spmem:s1] =	stream.indirect.scatter.add.f32 [tilespmem:s22], [sflag:$0x3], $0x40, s3, s21, $0xb8;
	[tilespmem:$0x18440] =	vst v63  }
0x57: {  	_ =	swait.ge [sflag:s19], $0x1400  }
0x58: {  	[sflag:s19] =	ssyncset.done $0x0  }
0x59: {  	[sflag:s19] =	ssyncadd.s32 $0xFFFFEC00  }
0x5a: {  	_ =	swait.ge [sflag:s25], $0x1400  }
0x5b: {  	[sflag:s25] =	ssyncset.done $0x0  }
0x5c: {  	s3 =	sadd.s32 $0xA0, s0;
	[sflag:s25] =	ssyncadd.s32 $0xFFFFEC00  }
0x5d: {  	[tilespmem:s22], [sflag:$0x1] =	stream.indirect.gather [hbm4b:s11+s21], $0x40, s3, s21, $0xb8;
	[tilespmem:$0x18440] =	vst v63  }
.Ltmp1:
0x5e: {  	_ = 	snop;
	(pc) =	sbr.rel @p0 .LBB2_4-.Ltmp1, $4  }
0x5f: {  	s0 =	sadd.s32 $0x4E70, s0  }
0x60: {  	[spmem:s1] =	stream.indirect.scatter.add.f32 [tilespmem:s24], [sflag:$0x3], $0x40, s0, s21, $0xb8;
	[tilespmem:$0x18440] =	vst v63  }
0x61: {  	_ =	swait.ge [sflag:s19], $0x1400  }
0x62: {  	[sflag:s19] =	ssyncset.done $0x0  }
0x63: {  	[sflag:s19] =	ssyncadd.s32 $0xFFFFEC00  }
0x64: {  	_ =	swait.ge [sflag:s23], $0x1400  }
0x65: {  	[sflag:s23] =	ssyncset.done $0x0  }
0x66: {  	[sflag:s23] =	ssyncadd.s32 $0xFFFFEC00  }
0x67: {  	[tilespmem:s24], [sflag:$0x2] =	stream.indirect.gather [hbm4b:s11+s21], $0x40, s26, s21, $0xb8;
	[tilespmem:$0x18440] =	vst v63  }
0x68: {  	_ = 	snop  }
0x69: {  	[spmem:s1] =	stream.indirect.scatter.add.f32 [tilespmem:s22], [sflag:$0x3], $0x40, s28, s21, $0xb8;
	[tilespmem:$0x18440] =	vst v63  }
0x6a: {  	_ =	swait.ge [sflag:s19], $0x1400  }
0x6b: {  	[sflag:s19] =	ssyncset.done $0x0  }
0x6c: {  	[sflag:s19] =	ssyncadd.s32 $0xFFFFEC00  }
0x6d: {  	_ =	swait.ge [sflag:s25], $0x1400  }
0x6e: {  	[sflag:s25] =	ssyncset.done $0x0  }
0x6f: {  	[sflag:s25] =	ssyncadd.s32 $0xFFFFEC00  }
0x70: {  	[spmem:s1] =	stream.indirect.scatter.add.f32 [tilespmem:s24], [sflag:$0x3], $0x40, s29, s21, $0xb8;
	[tilespmem:$0x18440] =	vst v63  }
0x71: {  	_ =	swait.ge [sflag:s19], $0x1400  }
0x72: {  	[sflag:s19] =	ssyncset.done $0x0  }
0x73: {  	[sflag:s19] =	ssyncadd.s32 $0xFFFFEC00  }
0x74: {  	[bflag:$0x0] =	sbarrier.arrive $0xFFFF  }
0x75: {  	[tilespmem:s18], [sflag:$0x3] =	stream.linear.gather [spmem:s4], $0x2000, $0x38;
	[tilespmem:$0x18440] =	vst v63  }
0x76: {  	_ =	swait.ge [sflag:s19], $0x2000  }
0x77: {  	[sflag:s19] =	ssyncset.done $0x0  }
0x78: {  	[sflag:s19] =	ssyncadd.s32 $0xFFFFE000  }
0x79: {  	[hbm4b:s12+s2] =	stream.linear.scatter [tilespmem:s18], [sflag:$0x3], $0x2000, $0x38;
	[tilespmem:$0x18440] =	vst v63  }
0x7a: {  	_ =	swait.ge [sflag:s19], $0x2000  }
0x7b: {  	[sflag:s19] =	ssyncset.done $0x0  }
0x7c: {  	[sflag:s19] =	ssyncadd.s32 $0xFFFFE000  }
0x7d: {  	[tilespmem:s18], [sflag:$0x3] =	stream.linear.gather [spmem:s5], $0x2000, $0x38;
	[tilespmem:$0x18440] =	vst v63  }
0x7e: {  	_ =	swait.ge [sflag:s19], $0x2000  }
0x7f: {  	[sflag:s19] =	ssyncset.done $0x0  }
0x80: {  	[sflag:s19] =	ssyncadd.s32 $0xFFFFE000  }
0x81: {  	[hbm4b:s13+s2] =	stream.linear.scatter [tilespmem:s18], [sflag:$0x3], $0x2000, $0x38;
	[tilespmem:$0x18440] =	vst v63  }
0x82: {  	_ =	swait.ge [sflag:s19], $0x2000  }
0x83: {  	[sflag:s19] =	ssyncset.done $0x0  }
0x84: {  	[sflag:s19] =	ssyncadd.s32 $0xFFFFE000  }
0x85: {  	[tilespmem:s18], [sflag:$0x3] =	stream.linear.gather [spmem:s6], $0x2000, $0x38;
	[tilespmem:$0x18440] =	vst v63  }
0x86: {  	_ =	swait.ge [sflag:s19], $0x2000  }
0x87: {  	[sflag:s19] =	ssyncset.done $0x0  }
0x88: {  	[sflag:s19] =	ssyncadd.s32 $0xFFFFE000  }
0x89: {  	[hbm4b:s14+s2] =	stream.linear.scatter [tilespmem:s18], [sflag:$0x3], $0x2000, $0x38;
	[tilespmem:$0x18440] =	vst v63  }
0x8a: {  	_ =	swait.ge [sflag:s19], $0x2000  }
0x8b: {  	[sflag:s19] =	ssyncset.done $0x0  }
0x8c: {  	[sflag:s19] =	ssyncadd.s32 $0xFFFFE000  }
0x8d: {  	[tilespmem:s18], [sflag:$0x3] =	stream.linear.gather [spmem:s7], $0x2000, $0x38;
	[tilespmem:$0x18440] =	vst v63  }
0x8e: {  	_ =	swait.ge [sflag:s19], $0x2000  }
0x8f: {  	[sflag:s19] =	ssyncset.done $0x0  }
0x90: {  	[sflag:s19] =	ssyncadd.s32 $0xFFFFE000  }
0x91: {  	[hbm4b:s15+s2] =	stream.linear.scatter [tilespmem:s18], [sflag:$0x3], $0x2000, $0x38;
	[tilespmem:$0x18440] =	vst v63  }
0x92: {  	_ =	swait.ge [sflag:s19], $0x2000  }
0x93: {  	[sflag:s19] =	ssyncset.done $0x0  }
0x94: {  	[sflag:s19] =	ssyncadd.s32 $0xFFFFE000  }
0x95: {  	[tilespmem:s18], [sflag:$0x3] =	stream.linear.gather [spmem:s8], $0x2000, $0x38;
	[tilespmem:$0x18440] =	vst v63  }
0x96: {  	s30 =	sadd.s32 $0x1, s30;
	_ =	swait.ge [sflag:s19], $0x2000  }
0x97: {  	p0 =	sne.s32 s30, s17;
	[sflag:s19] =	ssyncset.done $0x0  }
.Ltmp2:
0x98: {  	[sflag:s19] =	ssyncadd.s32 $0xFFFFE000;
	(pc) =	sbr.rel @p0 .LBB2_1-.Ltmp2, $4  }
0x99: {  	[hbm4b:s16+s2] =	stream.linear.scatter [tilespmem:s18], [sflag:$0x3], $0x2000, $0x38;
	[tilespmem:$0x18440] =	vst v63  }
0x9a: {  	_ =	swait.ge [sflag:s19], $0x2000  }
0x9b: {  	[sflag:s19] =	ssyncset.done $0x0  }
0x9c: {  	[sflag:s19] =	ssyncadd.s32 $0xFFFFE000  }
0x9d: {  	_ =	sfence.sel $0x180000  }
0x9e: {  	[bflag:$0x0] =	sbarrier.arrive $0xFFFF  }
0x9f: {  	_ =	strace $0x9000004A  }
0xa0: {  	s0 =	stileid.u32;
	[bflag:$0x2] =	sbarrier.arrive $0xFFFF  }
0xa1: {  	p0 =	sne.s32 s0, $0x0;
	s0 =	rddreg [dreg:$0x2]  }
0xa2: {  	s0 =	sadd.s32 @!p0 $0x100000, s0  }
0xa3: {  	[sflag:s0] =	ssyncadd.tile.s32 @!p0 $0x1;
	_ =	shalt  }
.Lfunc_end2:
_tile_overlayer_lowered:
.L_overlay_start_2:
0xa4: {  	(tag) =	ssettag $0x2  }
0xa5: {  	s0 =	rddreg [dreg:$0x0];
	s2 =	stileid.u32  }
0xa6: {  	s1 =	rddreg [dreg:$0x1];
	p0 =	sne.s32 s2, $0x0  }
0xa7: {  	s3 =	rddreg [dreg:$0x2];
	[bflag:$0x3] =	sbarrier.arrive $0xFFFF;
	s2 =	simm.s32 @!p0 $0x1C03  }
0xa8: {  	[timem:s3], [sflag:s2] =	dma.local @!p0 [hbm:s0], s1  }
0xa9: {  	s0 =	simm.s32 @!p0 $0x3  }
0xaa: {  	_ =	swait.ge @!p0 [sflag:s0], s1  }
0xab: {  	s1 =	ssub.s32 @!p0 $0x0, s1;
	[sflag:s0] =	ssyncset.done @!p0 $0x0  }
0xac: {  	[sflag:s0] =	ssyncadd.s32 @!p0 s1  }
0xad: {  	[bflag:$0x3] =	sbarrier.arrive $0xFFFF  }
0xae: {  	_ =	shalt  }

// kernel: kernel.14.cloned.1.call-start
scs
__scs_entry_jumppad:
0x0: {  	(pc) =	sbr.rel $0x88, $3  }
0x1: {  	(tag) =	ssettag $0x0;
	lr =	simm.s32 $0x1  }
0x2: {  	[smem:$0x3F97] =	sst lr;
	_ =	strace $0xD0000000  }
0x3: {  	_ = 	snop  }
0x4: {  	_ = 	snop  }
0x5: {  	_ = 	snop  }
0x6: {  	_ = 	snop  }
0x7: {  	_ = 	snop  }
__scs_overlays_trampoline_lowered:
0x8: {  	[smem:$0x3FA6] =	sst s0  }
0x9: {  	[smem:$0x3FA7] =	sst s1  }
0xa: {  	[smem:$0x3FA8] =	sst s2  }
0xb: {  	[smem:$0x3FA9] =	sst s3  }
0xc: {  	[smem:$0x3FAA] =	sst s4  }
0xd: {  	[smem:$0x3FAB] =	sst s5  }
0xe: {  	[smem:$0x3FAC] =	sst s6  }
0xf: {  	[smem:$0x3FAD] =	sst s7  }
0x10: {  	[smem:$0x3FAE] =	sst s8  }
0x11: {  	[smem:$0x3FAF] =	sst s9;
	s0 =	simm.s32 @!p0 $0x0  }
0x12: {  	s1 =	sld [smem:$0x3F95];
	s0 =	simm.s32 @p0 $0x1  }
0x13: {  	[smem:$0x3FB0] =	sst s0;
	s0 =	simm.s32 @!p1 $0x0  }
0x14: {  	s2 =	sld [smem:$0x3F94];
	s0 =	simm.s32 @p1 $0x1  }
0x15: {  	[smem:$0x3FB1] =	sst s0;
	s0 =	simm.s32 @!p2 $0x0  }
0x16: {  	s3 =	sld [smem:$0x3FDB];
	s0 =	simm.s32 @p2 $0x1  }
0x17: {  	s4 =	simm.s32 $0x1BF5;
	[smem:$0x3FB3] =	sst s0  }
0x18: {  	s0 =	sld [smem:$0x3F96];
	_ =	swait.ge [sflag:s4], $0x0  }
0x19: {  	s7 =	sld [smem:$0x3F97]  }
0x1a: {  	s8 =	sadd.s32 $0xFFFFE003, lr  }
0x1b: {  	s9 =	sadd.s32 $0xFFFFFEF7, lr;
	s5 =	simm.s32 $0xFFFFFFFF;
	p2 =	slt.u32 s8, $0xFFFFF086  }
0x1c: {  	p1 =	slt.u32 s9, $0xF7A;
	s5 =	simm.s32 @!p2 $0x0  }
0x1d: {  	s5 =	simm.s32 @p1 $0x1;
	p0 =	seq.s32 s7, s2  }
0x1e: {  	s7 =	smul.u32 @!p0 $0xF7A, s2;
	p2 =	seq.s32 @!p0 s5, $0x0  }
0x1f: {  	s9 =	smul.u32 $0xF7A, s1;
	s8 =	simm.s32 @!p0 $0x1BF5;
	p2 =	por !p2, p0  }
0x20: {  	[sflag:s8] =	ssyncset.s32 @!p0 $0xFFFFF086;
	s6 =	sadd.s32 @!p0 s3, s7;
	s7 =	simm.s32 @!p0 $0x108  }
0x21: {  	s3 =	sadd.s32 s3, s9;
	s6 =	sadd.s32 @!p0 $0x88, s6;
	s7 =	simm.s32 @p2 $0x1082  }
0x22: {  	[simem:s7], [sflag:s8] =	dma.local @!p0 [hbm:s6], $0xF7A  }
0x23: {  	s9 =	sor.u32 $0xD0000000, s2;
	s6 =	simm.s32 $0x108;
	_ =	swait.ge @!p0 [sflag:s8], $0x0  }
0x24: {  	s3 =	sadd.s32 $0x88, s3;
	s6 =	simm.s32 @!p1 $0x1082;
	[sflag:s4] =	ssyncset.s32 $0xFFFFF086  }
0x25: {  	[simem:s6], [sflag:s4] =	dma.local [hbm:s3], $0xF7A  }
0x26: {  	[smem:$0x3F97] =	sst s1;
	(tag) =	ssettag s2;
	_ =	strace s9  }
0x27: {  	s1 =	sld [smem:$0x3FA7]  }
0x28: {  	s2 =	sld [smem:$0x3FA8]  }
0x29: {  	s4 =	sld [smem:$0x3FAA]  }
0x2a: {  	p0 =	seq.s32 s5, $0x0;
	s5 =	sld [smem:$0x3FAB]  }
0x2b: {  	s6 =	sld [smem:$0x3FAC]  }
0x2c: {  	s7 =	sld [smem:$0x3FAD]  }
0x2d: {  	s3 =	simm.s32 $0x108;
	s8 =	sld [smem:$0x3FAE]  }
0x2e: {  	s3 =	simm.s32 @!p0 $0x1082;
	s9 =	sld [smem:$0x3FAF]  }
0x2f: {  	lr =	sadd.s32 s0, s3;
	s0 =	sld [smem:$0x3FA6]  }
0x30: {  	s3 =	sld [smem:$0x3FA9]  }
0x31: {  	[smem:$0x3FB2] =	sst s10  }
0x32: {  	s10 =	sld [smem:$0x3FB0];
	_ =	sdelay $0x3  }
0x33: {  	p0 =	seq.s32 s10, $0x1;
	s10 =	sld [smem:$0x3FB2];
	_ =	sdelay $0x3  }
0x34: {  	[smem:$0x3FB2] =	sst s10  }
0x35: {  	s10 =	sld [smem:$0x3FB1];
	_ =	sdelay $0x3  }
0x36: {  	p1 =	seq.s32 s10, $0x1;
	s10 =	sld [smem:$0x3FB2];
	_ =	sdelay $0x3  }
0x37: {  	[smem:$0x3FB2] =	sst s10  }
0x38: {  	s10 =	sld [smem:$0x3FB3]  }
0x39: {  	_ = 	snop;
	(pc) =	sbr.ind lr, $3  }
0x3a: {  	_ = 	snop  }
0x3b: {  	_ = 	snop  }
0x3c: {  	p2 =	seq.s32 s10, $0x1;
	s10 =	sld [smem:$0x3FB2]  }
0x3d: {  	_ =	shalt  }
0x3e: {  	_ =	shalt  }
0x3f: {  	_ =	shalt  }
0x40: {  	_ =	shalt  }
0x41: {  	_ =	shalt  }
0x42: {  	_ =	shalt  }
0x43: {  	_ =	shalt  }
0x44: {  	_ =	shalt  }
0x45: {  	_ =	shalt  }
0x46: {  	_ =	shalt  }
0x47: {  	_ =	shalt  }
0x48: {  	_ =	shalt  }
0x49: {  	_ =	shalt  }
0x4a: {  	_ =	shalt  }
0x4b: {  	_ =	shalt  }
0x4c: {  	_ =	shalt  }
0x4d: {  	_ =	shalt  }
0x4e: {  	_ =	shalt  }
0x4f: {  	_ =	shalt  }
0x50: {  	_ =	shalt  }
0x51: {  	_ =	shalt  }
0x52: {  	_ =	shalt  }
0x53: {  	_ =	shalt  }
0x54: {  	_ =	shalt  }
0x55: {  	_ =	shalt  }
0x56: {  	_ =	shalt  }
0x57: {  	_ =	shalt  }
0x58: {  	_ =	shalt  }
0x59: {  	_ =	shalt  }
0x5a: {  	_ =	shalt  }
0x5b: {  	_ =	shalt  }
0x5c: {  	_ =	shalt  }
0x5d: {  	_ =	shalt  }
0x5e: {  	_ =	shalt  }
0x5f: {  	_ =	shalt  }
0x60: {  	_ =	shalt  }
0x61: {  	_ =	shalt  }
0x62: {  	_ =	shalt  }
0x63: {  	_ =	shalt  }
0x64: {  	_ =	shalt  }
0x65: {  	_ =	shalt  }
0x66: {  	_ =	shalt  }
0x67: {  	_ =	shalt  }
0x68: {  	_ =	shalt  }
0x69: {  	_ =	shalt  }
0x6a: {  	_ =	shalt  }
0x6b: {  	_ =	shalt  }
0x6c: {  	_ =	shalt  }
0x6d: {  	_ =	shalt  }
0x6e: {  	_ =	shalt  }
0x6f: {  	_ =	shalt  }
0x70: {  	_ =	shalt  }
0x71: {  	_ =	shalt  }
0x72: {  	_ =	shalt  }
0x73: {  	_ =	shalt  }
0x74: {  	_ =	shalt  }
0x75: {  	_ =	shalt  }
0x76: {  	_ =	shalt  }
0x77: {  	_ =	shalt  }
0x78: {  	_ =	shalt  }
0x79: {  	_ =	shalt  }
0x7a: {  	_ =	shalt  }
0x7b: {  	_ =	shalt  }
0x7c: {  	_ =	shalt  }
0x7d: {  	_ =	shalt  }
0x7e: {  	_ =	shalt  }
0x7f: {  	_ =	shalt  }
0x80: {  	_ =	shalt  }
0x81: {  	_ =	shalt  }
0x82: {  	_ =	shalt  }
0x83: {  	_ =	shalt  }
0x84: {  	_ =	shalt  }
0x85: {  	_ =	shalt  }
0x86: {  	_ =	shalt  }
0x87: {  	_ =	shalt  }
.Lfunc_end0:
.L_simem_size_0:
called_computation.2_lowered:
.L_overlay_start_0:
0x88: {  	s2 =	sld [smem:$0x3FD9]  }
0x89: {  	s3 =	sld [smem:$0x3FFE];
	_ =	sdelay $0x1  }
0x8a: {  	s1 =	srdreg.scid  }
0x8b: {  	s0 =	sand.u32 $0x1, s1  }
0x8c: {  	s16 =	sshll.u32 s0, $0xA;
	s2 =	sadd.s32 s3, s2  }
0x8d: {  	s2 =	sadd.s32 s2, s16  }
0x8e: {  	[smem:$0x3FBE] =	sst s2  }
0x8f: {  	_ = 	snop  }
0x90: {  	(tm) =	ssettm $0x1  }
0x91: {  	s17 =	sld [smem:$0x3FFB];
	_ =	sdelay $0x3  }
0x92: {  	_ =	strace s17  }
0x93: {  	s2 =	sld [smem:$0x3FFC];
	_ =	sdelay $0x3  }
0x94: {  	_ =	strace s2  }
0x95: {  	s2 =	sld [smem:$0x3FFD];
	_ =	sdelay $0x3  }
0x96: {  	_ =	strace s2  }
0x97: {  	_ =	strace $0x8FFFFFFF  }
0x98: {  	s18 =	sld [smem:$0x3FDB];
	_ =	sdelay $0x1  }
0x99: {  	s19 =	simm.s32 $_scs_section_size  }
0x9a: {  	s4 =	simm.s32 $_size__tile_overlayer_lowered;
	s5 =	simm.s32 $_tile_overlayer_lowered  }
0x9b: {  	s22 =	simm.s32 $0x1BFF;
	s21 =	sshll.u32 s5, $0x1;
	s2 =	sadd.s32 s19, s18  }
0x9c: {  	s6 =	simm.s32 $0x0;
	s20 =	sshll.u32 s4, $0x1;
	s4 =	sadd.s32 s21, s2  }
0x9d: {  	[timem:s6], [sflag:s22] =	dma.local [hbm:s4], s20  }
0x9e: {  	_ =	swait.ge [sflag:s22], s20  }
0x9f: {  	s3 =	ssub.s32 $0x0, s20;
	[sflag:s22] =	ssyncset.done $0x0  }
0xa0: {  	[sflag:s22] =	ssyncadd.s32 s3;
	_ =	sdelay $0x1  }
0xa1: {  	s23 =	simm.s32 $0x1B8B  }
0xa2: {  	_ =	swait.ge [sflag:s23], $0x1  }
0xa3: {  	[sflag:s23] =	ssyncset.done $0x0  }
0xa4: {  	s25 =	simm.s32 $0x1B8E;
	s24 =	sld [smem:$0x3FFE];
	[sflag:s23] =	ssyncadd.s32 $0xFFFFFFFF  }
0xa5: {  	s26 =	simm.s32 $execute0_lowered;
	[smem:$0x3FD2] =	sst s25  }
0xa6: {  	s4 =	sshll.u32 s26, $0x1;
	_ =	strace $0x8000004C;
	[dreg:$0x1] =	wrdreg $0xFFFFFFFF  }
0xa7: {  	s28 =	simm.s32 $_size_execute0_lowered;
	s2 =	sadd.s32 s2, s4;
	[dreg:$0x0] =	wrdreg $0x0  }
0xa8: {  	s4 =	sshll.u32 s28, $0x1;
	[dreg:$0x2] =	wrdreg s2  }
0xa9: {  	[dreg:$0x3] =	wrdreg s4  }
0xaa: {  	[dreg:$0x4] =	wrdreg $0xC0  }
0xab: {  	_ =	task [dreg:s6], $0x5FFFF  }
0xac: {  	[dreg:$0x1] =	wrdreg $0xFFFFFFFF  }
0xad: {  	[dreg:$0x0] =	wrdreg $0x60  }
0xae: {  	[dreg:$0x2] =	wrdreg s24  }
0xaf: {  	[dreg:$0x3] =	wrdreg $0xE4400  }
0xb0: {  	[dreg:$0x4] =	wrdreg $0x9  }
0xb1: {  	_ =	task.clear_ibuf [dreg:s6], $0x5FFFF;
	_ =	strace $0x9000004C  }
0xb2: {  	s29 =	simm.s32 $0x9;
	_ =	strace $0x8000004E  }
0xb3: {  	_ =	swait.ge [sflag:s29], $0x1  }
0xb4: {  	[sflag:s29] =	ssyncadd.s32 $0xFFFFFFFF  }
0xb5: {  	_ =	strace $0x9000004E  }
0xb6: {  	_ =	sfence  }
0xb7: {  	s30 =	sld [smem:$0x0];
	_ =	sdelay $0x2  }
0xb8: {  	s31 =	sshll.u32 s1, $0xD;
	s1 =	sshrl.u32 s1, $0x2  }
0xb9: {  	s3 =	sand.u32 $0x4000, s31;
	s1 =	sadd.s32 s1, s30  }
0xba: {  	s0 =	sor.u32 s3, s0;
	s1 =	sshll.u32 s1, $0x11  }
0xbb: {  	s0 =	sor.u32 s1, s0  }
0xbc: {  	s0 =	sadd.s32 $0x8F2B, s0  }
0xbd: {  	[sflag:s0] =	ssyncadd.remote.s32 $0x1  }
0xbe: {  	_ =	sfence.sel $0xFFFF  }
0xbf: {  	[dreg:$0x0] =	wrdreg $0xFFFFFFFF;
	(pc) =	sbr.abs _section_cstart, $3  }
0xc0: {  	[dreg:$0x1] =	wrdreg $0xFFFFFFFF  }
0xc1: {  	_ =	task.clear_ibuf [dreg:s6], $0x2FFFF;
	_ =	strace $0x9FFFFFFF  }
0xc2: {  	(tm) =	ssettm $0x7FFFFFFF  }
0xc3: {  	_ =	shalt  }
tec
execute0_lowered:
.L_overlay_start_1:
0x0: {  	(tag) =	ssettag $0x1  }
0x1: {  	s0 =	rddreg [dreg:$0x0]  }
0x2: {  	s1 =	rddreg [dreg:$0x1];
	s2 =	simm.s32 $0x0;
	s3 =	srdreg.scid  }
0x3: {  	s25 =	stileid.u32;
	s19 =	simm.s32 $0x3;
	s20 =	simm.s32 $0x4E20  }
0x4: {  	s21 =	simm.s32 $0x50;
	s22 =	simm.s32 $0x9C40;
	s23 =	simm.s32 $0x1  }
0x5: {  	s24 =	simm.s32 $0xB040;
	s28 =	simm.s32 $0x9BA0;
	s29 =	simm.s32 $0x9BF0  }
0x6: {  	s30 =	simm.s32 $0x0;
	[smem:$0x7FF] =	sst s2;
	s5 =	smul.u32 $0x9C4, s25  }
0x7: {  	s7 =	sand.u32 $0x1, s3;
	s12 =	smul.u32 $0xA000, s25;
	s25 =	simm.s32 $0x2  }
0x8: {  	s4 =	smul.u32 $0x13880, s7;
	_ =	strace $0x8000004D;
	s26 =	ssub.s32 $0x2, s7  }
0x9: {  	s18 =	smul.u32 $0xA0000, s7;
	s10 =	sadd.s32 s5, s0;
	s31 =	sshrl.u32 s26, $0x1  }
0xa: {  	s13 =	sadd.s32 $0x2000, s12;
	s14 =	sadd.s32 $0x4000, s12;
	s15 =	sadd.s32 $0x6000, s12  }
0xb: {  	s16 =	sadd.s32 $0x8000, s12;
	s11 =	sadd.s32 s4, s0;
	s0 =	sadd.s32 $0x15E00, s0  }
0xc: {  	s17 =	ssub.s32 s26, s31;
	s4 =	sadd.s32 s12, s1;
	s5 =	sadd.s32 s13, s1  }
0xd: {  	s6 =	sadd.s32 s14, s1;
	s7 =	sadd.s32 s15, s1;
	s8 =	sadd.s32 s16, s1  }
0xe: {  	s9 =	sadd.s32 $0x2200, s10;
	s10 =	sadd.s32 $0xC000, s10;
	s12 =	sadd.s32 s12, s18  }
0xf: {  	s13 =	sadd.s32 s18, s13;
	s14 =	sadd.s32 s18, s14;
	s15 =	sadd.s32 s18, s15  }
0x10: {  	s16 =	sadd.s32 s18, s16;
	s18 =	simm.s32 $0xC440;
	s26 =	simm.s32 $0x4DD0  }
0x11: {  	s11 =	sadd.s32 $0x64000, s11;
	s12 =	sshrl.u32 s12, $0x3;
	s13 =	sshrl.u32 s13, $0x3  }
0x12: {  	s14 =	sshrl.u32 s14, $0x3;
	s15 =	sshrl.u32 s15, $0x3;
	s16 =	sshrl.u32 s16, $0x3  }
0x13: {  	s17 =	smax.u32 s17, $0x1;
	s12 =	sadd.s32 s0, s12;
	s13 =	sadd.s32 s0, s13  }
0x14: {  	v0 =	vimm.f32 $0.0e+00;
	s14 =	sadd.s32 s0, s14;
	s15 =	sadd.s32 s0, s15;
	s16 =	sadd.s32 s0, s16  }
.LBB2_1:
0x15: {  	s0 =	simm.s32 $0x100;
	s31 =	simm.s32 $0x0  }
.LBB2_2:
0x16: {  	p0 =	sne.s32 s0, $0x7F00;
	[tilespmem:s31+$0xC470] =	vst v0;
	s3 =	smov.u32 s0;
	s0 =	sadd.s32 $0x100, s0  }
.Ltmp0:
0x17: {  	[tilespmem:s31+$0xC460] =	vst v0;
	(pc) =	sbr.rel @p0 .LBB2_2-.Ltmp0, $3  }
0x18: {  	[tilespmem:s31+$0xC440] =	vst v0  }
0x19: {  	[tilespmem:s31+$0xC450] =	vst v0;
	_ =	sdelay $0x1  }
0x1a: {  	s31 =	sshra.s32 s3, $0x2  }
0x1b: {  	[tilespmem:s31+$0xC470] =	vst v0  }
0x1c: {  	[tilespmem:s31+$0xC460] =	vst v0  }
0x1d: {  	[tilespmem:s31+$0xC440] =	vst v0  }
0x1e: {  	[tilespmem:s31+$0xC450] =	vst v0  }
0x1f: {  	[spmem:s4] =	stream.linear.scatter [tilespmem:s18], [sflag:$0x3], $0x2000, $0x38;
	[tilespmem:$0x18440] =	vst v63  }
0x20: {  	_ =	swait.ge [sflag:s19], $0x2000  }
0x21: {  	[sflag:s19] =	ssyncset.done $0x0  }
0x22: {  	[sflag:s19] =	ssyncadd.s32 $0xFFFFE000  }
0x23: {  	[spmem:s5] =	stream.linear.scatter [tilespmem:s18], [sflag:$0x3], $0x2000, $0x38;
	[tilespmem:$0x18440] =	vst v63  }
0x24: {  	_ =	swait.ge [sflag:s19], $0x2000  }
0x25: {  	[sflag:s19] =	ssyncset.done $0x0  }
0x26: {  	[sflag:s19] =	ssyncadd.s32 $0xFFFFE000  }
0x27: {  	[spmem:s6] =	stream.linear.scatter [tilespmem:s18], [sflag:$0x3], $0x2000, $0x38;
	[tilespmem:$0x18440] =	vst v63  }
0x28: {  	_ =	swait.ge [sflag:s19], $0x2000  }
0x29: {  	[sflag:s19] =	ssyncset.done $0x0  }
0x2a: {  	[sflag:s19] =	ssyncadd.s32 $0xFFFFE000  }
0x2b: {  	[spmem:s7] =	stream.linear.scatter [tilespmem:s18], [sflag:$0x3], $0x2000, $0x38;
	[tilespmem:$0x18440] =	vst v63  }
0x2c: {  	_ =	swait.ge [sflag:s19], $0x2000  }
0x2d: {  	[sflag:s19] =	ssyncset.done $0x0  }
0x2e: {  	[sflag:s19] =	ssyncadd.s32 $0xFFFFE000  }
0x2f: {  	[spmem:s8] =	stream.linear.scatter [tilespmem:s18], [sflag:$0x3], $0x2000, $0x38;
	[tilespmem:$0x18440] =	vst v63  }
0x30: {  	_ =	swait.ge [sflag:s19], $0x2000  }
0x31: {  	[sflag:s19] =	ssyncset.done $0x0  }
0x32: {  	[sflag:s19] =	ssyncadd.s32 $0xFFFFE000  }
0x33: {  	s0 =	simm.s32 $0x0;
	[bflag:$0x0] =	sbarrier.arrive $0xFFFF  }
0x34: {  	[tilespmem:s0], [sflag:$0x3] =	stream.linear.gather [hbm4b:s9+s0], $0x4E20, $0x38;
	[tilespmem:$0x18440] =	vst v63  }
0x35: {  	_ =	swait.ge [sflag:s19], $0x4E20  }
0x36: {  	[sflag:s19] =	ssyncset.done $0x0  }
0x37: {  	[sflag:s19] =	ssyncadd.s32 $0xFFFFB1E0  }
0x38: {  	[tilespmem:s20], [sflag:$0x3] =	stream.linear.gather [hbm4b:s10+s0], $0x4E20, $0x38;
	[tilespmem:$0x18440] =	vst v63  }
0x39: {  	_ =	swait.ge [sflag:s19], $0x4E20  }
0x3a: {  	[sflag:s19] =	ssyncset.done $0x0  }
0x3b: {  	[sflag:s19] =	ssyncadd.s32 $0xFFFFB1E0  }
0x3c: {  	[tilespmem:s22], [sflag:$0x1] =	stream.indirect.gather [hbm4b:s11+s21], $0x40, s0, s21, $0xb8;
	[tilespmem:$0x18440] =	vst v63  }
0x3d: {  	_ =	swait.ge [sflag:s23], $0x1400  }
0x3e: {  	[sflag:s23] =	ssyncset.done $0x0  }
0x3f: {  	s3 =	simm.s32 $0x50;
	[sflag:s23] =	ssyncadd.s32 $0xFFFFEC00  }
0x40: {  	[tilespmem:s24], [sflag:$0x2] =	stream.indirect.gather [hbm4b:s11+s21], $0x40, s3, s21, $0xb8;
	[tilespmem:$0x18440] =	vst v63  }
0x41: {  	s3 =	simm.s32 $0x4E20  }
0x42: {  	[spmem:s1] =	stream.indirect.scatter.add.f32 [tilespmem:s22], [sflag:$0x3], $0x40, s3, s21, $0xb8;
	[tilespmem:$0x18440] =	vst v63  }
0x43: {  	_ =	swait.ge [sflag:s19], $0x1400  }
0x44: {  	[sflag:s19] =	ssyncset.done $0x0  }
0x45: {  	[sflag:s19] =	ssyncadd.s32 $0xFFFFEC00  }
0x46: {  	_ =	swait.ge [sflag:s25], $0x1400  }
0x47: {  	[sflag:s25] =	ssyncset.done $0x0  }
0x48: {  	s3 =	simm.s32 $0xA0;
	[sflag:s25] =	ssyncadd.s32 $0xFFFFEC00  }
0x49: {  	[tilespmem:s22], [sflag:$0x1] =	stream.indirect.gather [hbm4b:s11+s21], $0x40, s3, s21, $0xb8;
	[tilespmem:$0x18440] =	vst v63  }
0x4a: {  	s3 =	simm.s32 $0x4E70  }
0x4b: {  	[spmem:s1] =	stream.indirect.scatter.add.f32 [tilespmem:s24], [sflag:$0x3], $0x40, s3, s21, $0xb8;
	[tilespmem:$0x18440] =	vst v63  }
0x4c: {  	_ =	swait.ge [sflag:s19], $0x1400  }
0x4d: {  	s31 =	simm.s32 $0x280;
	[sflag:s19] =	ssyncset.done $0x0  }
.LBB2_4:
0x4e: {  	p0 =	sne.s32 s31, $0x13380  }
0x4f: {  	[sflag:s19] =	ssyncadd.s32 $0xFFFFEC00;
	s0 =	smov.u32 s31;
	s31 =	sadd.s32 $0x280, s31  }
0x50: {  	_ = 	snop  }
0x51: {  	_ =	swait.ge [sflag:s23], $0x1400  }
0x52: {  	s0 =	sshra.s32 s0, $0x2;
	[sflag:s23] =	ssyncset.done $0x0  }
0x53: {  	s3 =	sadd.s32 $0x50, s0;
	[sflag:s23] =	ssyncadd.s32 $0xFFFFEC00  }
0x54: {  	[tilespmem:s24], [sflag:$0x2] =	stream.indirect.gather [hbm4b:s11+s21], $0x40, s3, s21, $0xb8;
	[tilespmem:$0x18440] =	vst v63  }
0x55: {  	s3 =	sadd.s32 $0x4E20, s0  }
0x56: {  	[spmem:s1] =	stream.indirect.scatter.add.f32 [tilespmem:s22], [sflag:$0x3], $0x40, s3, s21, $0xb8;
	[tilespmem:$0x18440] =	vst v63  }
0x57: {  	_ =	swait.ge [sflag:s19], $0x1400  }
0x58: {  	[sflag:s19] =	ssyncset.done $0x0  }
0x59: {  	[sflag:s19] =	ssyncadd.s32 $0xFFFFEC00  }
0x5a: {  	_ =	swait.ge [sflag:s25], $0x1400  }
0x5b: {  	[sflag:s25] =	ssyncset.done $0x0  }
0x5c: {  	s3 =	sadd.s32 $0xA0, s0;
	[sflag:s25] =	ssyncadd.s32 $0xFFFFEC00  }
0x5d: {  	[tilespmem:s22], [sflag:$0x1] =	stream.indirect.gather [hbm4b:s11+s21], $0x40, s3, s21, $0xb8;
	[tilespmem:$0x18440] =	vst v63  }
.Ltmp1:
0x5e: {  	_ = 	snop;
	(pc) =	sbr.rel @p0 .LBB2_4-.Ltmp1, $4  }
0x5f: {  	s0 =	sadd.s32 $0x4E70, s0  }
0x60: {  	[spmem:s1] =	stream.indirect.scatter.add.f32 [tilespmem:s24], [sflag:$0x3], $0x40, s0, s21, $0xb8;
	[tilespmem:$0x18440] =	vst v63  }
0x61: {  	_ =	swait.ge [sflag:s19], $0x1400  }
0x62: {  	[sflag:s19] =	ssyncset.done $0x0  }
0x63: {  	[sflag:s19] =	ssyncadd.s32 $0xFFFFEC00  }
0x64: {  	_ =	swait.ge [sflag:s23], $0x1400  }
0x65: {  	[sflag:s23] =	ssyncset.done $0x0  }
0x66: {  	[sflag:s23] =	ssyncadd.s32 $0xFFFFEC00  }
0x67: {  	[tilespmem:s24], [sflag:$0x2] =	stream.indirect.gather [hbm4b:s11+s21], $0x40, s26, s21, $0xb8;
	[tilespmem:$0x18440] =	vst v63  }
0x68: {  	_ = 	snop  }
0x69: {  	[spmem:s1] =	stream.indirect.scatter.add.f32 [tilespmem:s22], [sflag:$0x3], $0x40, s28, s21, $0xb8;
	[tilespmem:$0x18440] =	vst v63  }
0x6a: {  	_ =	swait.ge [sflag:s19], $0x1400  }
0x6b: {  	[sflag:s19] =	ssyncset.done $0x0  }
0x6c: {  	[sflag:s19] =	ssyncadd.s32 $0xFFFFEC00  }
0x6d: {  	_ =	swait.ge [sflag:s25], $0x1400  }
0x6e: {  	[sflag:s25] =	ssyncset.done $0x0  }
0x6f: {  	[sflag:s25] =	ssyncadd.s32 $0xFFFFEC00  }
0x70: {  	[spmem:s1] =	stream.indirect.scatter.add.f32 [tilespmem:s24], [sflag:$0x3], $0x40, s29, s21, $0xb8;
	[tilespmem:$0x18440] =	vst v63  }
0x71: {  	_ =	swait.ge [sflag:s19], $0x1400  }
0x72: {  	[sflag:s19] =	ssyncset.done $0x0  }
0x73: {  	[sflag:s19] =	ssyncadd.s32 $0xFFFFEC00  }
0x74: {  	[bflag:$0x0] =	sbarrier.arrive $0xFFFF  }
0x75: {  	[tilespmem:s18], [sflag:$0x3] =	stream.linear.gather [spmem:s4], $0x2000, $0x38;
	[tilespmem:$0x18440] =	vst v63  }
0x76: {  	_ =	swait.ge [sflag:s19], $0x2000  }
0x77: {  	[sflag:s19] =	ssyncset.done $0x0  }
0x78: {  	[sflag:s19] =	ssyncadd.s32 $0xFFFFE000  }
0x79: {  	[hbm4b:s12+s2] =	stream.linear.scatter [tilespmem:s18], [sflag:$0x3], $0x2000, $0x38;
	[tilespmem:$0x18440] =	vst v63  }
0x7a: {  	_ =	swait.ge [sflag:s19], $0x2000  }
0x7b: {  	[sflag:s19] =	ssyncset.done $0x0  }
0x7c: {  	[sflag:s19] =	ssyncadd.s32 $0xFFFFE000  }
0x7d: {  	[tilespmem:s18], [sflag:$0x3] =	stream.linear.gather [spmem:s5], $0x2000, $0x38;
	[tilespmem:$0x18440] =	vst v63  }
0x7e: {  	_ =	swait.ge [sflag:s19], $0x2000  }
0x7f: {  	[sflag:s19] =	ssyncset.done $0x0  }
0x80: {  	[sflag:s19] =	ssyncadd.s32 $0xFFFFE000  }
0x81: {  	[hbm4b:s13+s2] =	stream.linear.scatter [tilespmem:s18], [sflag:$0x3], $0x2000, $0x38;
	[tilespmem:$0x18440] =	vst v63  }
0x82: {  	_ =	swait.ge [sflag:s19], $0x2000  }
0x83: {  	[sflag:s19] =	ssyncset.done $0x0  }
0x84: {  	[sflag:s19] =	ssyncadd.s32 $0xFFFFE000  }
0x85: {  	[tilespmem:s18], [sflag:$0x3] =	stream.linear.gather [spmem:s6], $0x2000, $0x38;
	[tilespmem:$0x18440] =	vst v63  }
0x86: {  	_ =	swait.ge [sflag:s19], $0x2000  }
0x87: {  	[sflag:s19] =	ssyncset.done $0x0  }
0x88: {  	[sflag:s19] =	ssyncadd.s32 $0xFFFFE000  }
0x89: {  	[hbm4b:s14+s2] =	stream.linear.scatter [tilespmem:s18], [sflag:$0x3], $0x2000, $0x38;
	[tilespmem:$0x18440] =	vst v63  }
0x8a: {  	_ =	swait.ge [sflag:s19], $0x2000  }
0x8b: {  	[sflag:s19] =	ssyncset.done $0x0  }
0x8c: {  	[sflag:s19] =	ssyncadd.s32 $0xFFFFE000  }
0x8d: {  	[tilespmem:s18], [sflag:$0x3] =	stream.linear.gather [spmem:s7], $0x2000, $0x38;
	[tilespmem:$0x18440] =	vst v63  }
0x8e: {  	_ =	swait.ge [sflag:s19], $0x2000  }
0x8f: {  	[sflag:s19] =	ssyncset.done $0x0  }
0x90: {  	[sflag:s19] =	ssyncadd.s32 $0xFFFFE000  }
0x91: {  	[hbm4b:s15+s2] =	stream.linear.scatter [tilespmem:s18], [sflag:$0x3], $0x2000, $0x38;
	[tilespmem:$0x18440] =	vst v63  }
0x92: {  	_ =	swait.ge [sflag:s19], $0x2000  }
0x93: {  	[sflag:s19] =	ssyncset.done $0x0  }
0x94: {  	[sflag:s19] =	ssyncadd.s32 $0xFFFFE000  }
0x95: {  	[tilespmem:s18], [sflag:$0x3] =	stream.linear.gather [spmem:s8], $0x2000, $0x38;
	[tilespmem:$0x18440] =	vst v63  }
0x96: {  	s30 =	sadd.s32 $0x1, s30;
	_ =	swait.ge [sflag:s19], $0x2000  }
0x97: {  	p0 =	sne.s32 s30, s17;
	[sflag:s19] =	ssyncset.done $0x0  }
.Ltmp2:
0x98: {  	[sflag:s19] =	ssyncadd.s32 $0xFFFFE000;
	(pc) =	sbr.rel @p0 .LBB2_1-.Ltmp2, $4  }
0x99: {  	[hbm4b:s16+s2] =	stream.linear.scatter [tilespmem:s18], [sflag:$0x3], $0x2000, $0x38;
	[tilespmem:$0x18440] =	vst v63  }
0x9a: {  	_ =	swait.ge [sflag:s19], $0x2000  }
0x9b: {  	[sflag:s19] =	ssyncset.done $0x0  }
0x9c: {  	[sflag:s19] =	ssyncadd.s32 $0xFFFFE000  }
0x9d: {  	_ =	sfence.sel $0x180000  }
0x9e: {  	[bflag:$0x0] =	sbarrier.arrive $0xFFFF  }
0x9f: {  	_ =	strace $0x9000004D  }
0xa0: {  	s0 =	stileid.u32;
	[bflag:$0x2] =	sbarrier.arrive $0xFFFF  }
0xa1: {  	p0 =	sne.s32 s0, $0x0;
	s0 =	rddreg [dreg:$0x2]  }
0xa2: {  	s0 =	sadd.s32 @!p0 $0x100000, s0  }
0xa3: {  	[sflag:s0] =	ssyncadd.tile.s32 @!p0 $0x1;
	_ =	shalt  }
.Lfunc_end2:
_tile_overlayer_lowered:
.L_overlay_start_2:
0xa4: {  	(tag) =	ssettag $0x2  }
0xa5: {  	s0 =	rddreg [dreg:$0x0];
	s2 =	stileid.u32  }
0xa6: {  	s1 =	rddreg [dreg:$0x1];
	p0 =	sne.s32 s2, $0x0  }
0xa7: {  	s3 =	rddreg [dreg:$0x2];
	[bflag:$0x3] =	sbarrier.arrive $0xFFFF;
	s2 =	simm.s32 @!p0 $0x1C03  }
0xa8: {  	[timem:s3], [sflag:s2] =	dma.local @!p0 [hbm:s0], s1  }
0xa9: {  	s0 =	simm.s32 @!p0 $0x3  }
0xaa: {  	_ =	swait.ge @!p0 [sflag:s0], s1  }
0xab: {  	s1 =	ssub.s32 @!p0 $0x0, s1;
	[sflag:s0] =	ssyncset.done @!p0 $0x0  }
0xac: {  	[sflag:s0] =	ssyncadd.s32 @!p0 s1  }
0xad: {  	[bflag:$0x3] =	sbarrier.arrive $0xFFFF  }
0xae: {  	_ =	shalt  }

// kernel: kernel.8.cloned.1.call-start
scs
__scs_entry_jumppad:
0x0: {  	(pc) =	sbr.rel $0x88, $3  }
0x1: {  	(tag) =	ssettag $0x0;
	lr =	simm.s32 $0x1  }
0x2: {  	[smem:$0x3F97] =	sst lr;
	_ =	strace $0xD0000000  }
0x3: {  	_ = 	snop  }
0x4: {  	_ = 	snop  }
0x5: {  	_ = 	snop  }
0x6: {  	_ = 	snop  }
0x7: {  	_ = 	snop  }
__scs_overlays_trampoline_lowered:
0x8: {  	[smem:$0x3FA6] =	sst s0  }
0x9: {  	[smem:$0x3FA7] =	sst s1  }
0xa: {  	[smem:$0x3FA8] =	sst s2  }
0xb: {  	[smem:$0x3FA9] =	sst s3  }
0xc: {  	[smem:$0x3FAA] =	sst s4  }
0xd: {  	[smem:$0x3FAB] =	sst s5  }
0xe: {  	[smem:$0x3FAC] =	sst s6  }
0xf: {  	[smem:$0x3FAD] =	sst s7  }
0x10: {  	[smem:$0x3FAE] =	sst s8  }
0x11: {  	[smem:$0x3FAF] =	sst s9;
	s0 =	simm.s32 @!p0 $0x0  }
0x12: {  	s1 =	sld [smem:$0x3F95];
	s0 =	simm.s32 @p0 $0x1  }
0x13: {  	[smem:$0x3FB0] =	sst s0;
	s0 =	simm.s32 @!p1 $0x0  }
0x14: {  	s2 =	sld [smem:$0x3F94];
	s0 =	simm.s32 @p1 $0x1  }
0x15: {  	[smem:$0x3FB1] =	sst s0;
	s0 =	simm.s32 @!p2 $0x0  }
0x16: {  	s3 =	sld [smem:$0x3FDB];
	s0 =	simm.s32 @p2 $0x1  }
0x17: {  	s4 =	simm.s32 $0x1BF5;
	[smem:$0x3FB3] =	sst s0  }
0x18: {  	s0 =	sld [smem:$0x3F96];
	_ =	swait.ge [sflag:s4], $0x0  }
0x19: {  	s7 =	sld [smem:$0x3F97]  }
0x1a: {  	s8 =	sadd.s32 $0xFFFFE003, lr  }
0x1b: {  	s9 =	sadd.s32 $0xFFFFFEF7, lr;
	s5 =	simm.s32 $0xFFFFFFFF;
	p2 =	slt.u32 s8, $0xFFFFF086  }
0x1c: {  	p1 =	slt.u32 s9, $0xF7A;
	s5 =	simm.s32 @!p2 $0x0  }
0x1d: {  	s5 =	simm.s32 @p1 $0x1;
	p0 =	seq.s32 s7, s2  }
0x1e: {  	s7 =	smul.u32 @!p0 $0xF7A, s2;
	p2 =	seq.s32 @!p0 s5, $0x0  }
0x1f: {  	s9 =	smul.u32 $0xF7A, s1;
	s8 =	simm.s32 @!p0 $0x1BF5;
	p2 =	por !p2, p0  }
0x20: {  	[sflag:s8] =	ssyncset.s32 @!p0 $0xFFFFF086;
	s6 =	sadd.s32 @!p0 s3, s7;
	s7 =	simm.s32 @!p0 $0x108  }
0x21: {  	s3 =	sadd.s32 s3, s9;
	s6 =	sadd.s32 @!p0 $0x88, s6;
	s7 =	simm.s32 @p2 $0x1082  }
0x22: {  	[simem:s7], [sflag:s8] =	dma.local @!p0 [hbm:s6], $0xF7A  }
0x23: {  	s9 =	sor.u32 $0xD0000000, s2;
	s6 =	simm.s32 $0x108;
	_ =	swait.ge @!p0 [sflag:s8], $0x0  }
0x24: {  	s3 =	sadd.s32 $0x88, s3;
	s6 =	simm.s32 @!p1 $0x1082;
	[sflag:s4] =	ssyncset.s32 $0xFFFFF086  }
0x25: {  	[simem:s6], [sflag:s4] =	dma.local [hbm:s3], $0xF7A  }
0x26: {  	[smem:$0x3F97] =	sst s1;
	(tag) =	ssettag s2;
	_ =	strace s9  }
0x27: {  	s1 =	sld [smem:$0x3FA7]  }
0x28: {  	s2 =	sld [smem:$0x3FA8]  }
0x29: {  	s4 =	sld [smem:$0x3FAA]  }
0x2a: {  	p0 =	seq.s32 s5, $0x0;
	s5 =	sld [smem:$0x3FAB]  }
0x2b: {  	s6 =	sld [smem:$0x3FAC]  }
0x2c: {  	s7 =	sld [smem:$0x3FAD]  }
0x2d: {  	s3 =	simm.s32 $0x108;
	s8 =	sld [smem:$0x3FAE]  }
0x2e: {  	s3 =	simm.s32 @!p0 $0x1082;
	s9 =	sld [smem:$0x3FAF]  }
0x2f: {  	lr =	sadd.s32 s0, s3;
	s0 =	sld [smem:$0x3FA6]  }
0x30: {  	s3 =	sld [smem:$0x3FA9]  }
0x31: {  	[smem:$0x3FB2] =	sst s10  }
0x32: {  	s10 =	sld [smem:$0x3FB0];
	_ =	sdelay $0x3  }
0x33: {  	p0 =	seq.s32 s10, $0x1;
	s10 =	sld [smem:$0x3FB2];
	_ =	sdelay $0x3  }
0x34: {  	[smem:$0x3FB2] =	sst s10  }
0x35: {  	s10 =	sld [smem:$0x3FB1];
	_ =	sdelay $0x3  }
0x36: {  	p1 =	seq.s32 s10, $0x1;
	s10 =	sld [smem:$0x3FB2];
	_ =	sdelay $0x3  }
0x37: {  	[smem:$0x3FB2] =	sst s10  }
0x38: {  	s10 =	sld [smem:$0x3FB3]  }
0x39: {  	_ = 	snop;
	(pc) =	sbr.ind lr, $3  }
0x3a: {  	_ = 	snop  }
0x3b: {  	_ = 	snop  }
0x3c: {  	p2 =	seq.s32 s10, $0x1;
	s10 =	sld [smem:$0x3FB2]  }
0x3d: {  	_ =	shalt  }
0x3e: {  	_ =	shalt  }
0x3f: {  	_ =	shalt  }
0x40: {  	_ =	shalt  }
0x41: {  	_ =	shalt  }
0x42: {  	_ =	shalt  }
0x43: {  	_ =	shalt  }
0x44: {  	_ =	shalt  }
0x45: {  	_ =	shalt  }
0x46: {  	_ =	shalt  }
0x47: {  	_ =	shalt  }
0x48: {  	_ =	shalt  }
0x49: {  	_ =	shalt  }
0x4a: {  	_ =	shalt  }
0x4b: {  	_ =	shalt  }
0x4c: {  	_ =	shalt  }
0x4d: {  	_ =	shalt  }
0x4e: {  	_ =	shalt  }
0x4f: {  	_ =	shalt  }
0x50: {  	_ =	shalt  }
0x51: {  	_ =	shalt  }
0x52: {  	_ =	shalt  }
0x53: {  	_ =	shalt  }
0x54: {  	_ =	shalt  }
0x55: {  	_ =	shalt  }
0x56: {  	_ =	shalt  }
0x57: {  	_ =	shalt  }
0x58: {  	_ =	shalt  }
0x59: {  	_ =	shalt  }
0x5a: {  	_ =	shalt  }
0x5b: {  	_ =	shalt  }
0x5c: {  	_ =	shalt  }
0x5d: {  	_ =	shalt  }
0x5e: {  	_ =	shalt  }
0x5f: {  	_ =	shalt  }
0x60: {  	_ =	shalt  }
0x61: {  	_ =	shalt  }
0x62: {  	_ =	shalt  }
0x63: {  	_ =	shalt  }
0x64: {  	_ =	shalt  }
0x65: {  	_ =	shalt  }
0x66: {  	_ =	shalt  }
0x67: {  	_ =	shalt  }
0x68: {  	_ =	shalt  }
0x69: {  	_ =	shalt  }
0x6a: {  	_ =	shalt  }
0x6b: {  	_ =	shalt  }
0x6c: {  	_ =	shalt  }
0x6d: {  	_ =	shalt  }
0x6e: {  	_ =	shalt  }
0x6f: {  	_ =	shalt  }
0x70: {  	_ =	shalt  }
0x71: {  	_ =	shalt  }
0x72: {  	_ =	shalt  }
0x73: {  	_ =	shalt  }
0x74: {  	_ =	shalt  }
0x75: {  	_ =	shalt  }
0x76: {  	_ =	shalt  }
0x77: {  	_ =	shalt  }
0x78: {  	_ =	shalt  }
0x79: {  	_ =	shalt  }
0x7a: {  	_ =	shalt  }
0x7b: {  	_ =	shalt  }
0x7c: {  	_ =	shalt  }
0x7d: {  	_ =	shalt  }
0x7e: {  	_ =	shalt  }
0x7f: {  	_ =	shalt  }
0x80: {  	_ =	shalt  }
0x81: {  	_ =	shalt  }
0x82: {  	_ =	shalt  }
0x83: {  	_ =	shalt  }
0x84: {  	_ =	shalt  }
0x85: {  	_ =	shalt  }
0x86: {  	_ =	shalt  }
0x87: {  	_ =	shalt  }
.Lfunc_end0:
.L_simem_size_0:
called_computation_lowered:
.L_overlay_start_0:
0x88: {  	s2 =	sld [smem:$0x3FD9]  }
0x89: {  	s3 =	sld [smem:$0x3FFE];
	_ =	sdelay $0x1  }
0x8a: {  	s1 =	srdreg.scid  }
0x8b: {  	s0 =	sand.u32 $0x1, s1  }
0x8c: {  	s17 =	sshll.u32 s0, $0xA;
	s2 =	sadd.s32 s3, s2  }
0x8d: {  	s2 =	sadd.s32 s2, s17  }
0x8e: {  	[smem:$0x3FBE] =	sst s2  }
0x8f: {  	_ = 	snop  }
0x90: {  	s2 =	sld [smem:$0x3FD0];
	(tm) =	ssettm $0x1  }
0x91: {  	s18 =	sld [smem:$0x3FFB];
	_ =	sdelay $0x3  }
0x92: {  	_ =	strace s18  }
0x93: {  	s3 =	sld [smem:$0x3FFC];
	_ =	sdelay $0x3  }
0x94: {  	_ =	strace s3  }
0x95: {  	s3 =	sld [smem:$0x3FFD];
	_ =	sdelay $0x3  }
0x96: {  	_ =	strace s3  }
0x97: {  	_ =	strace $0x8FFFFFFF  }
0x98: {  	s19 =	sld [smem:$0x3FDB];
	_ =	sdelay $0x1  }
0x99: {  	s4 =	simm.s32 $_scs_section_size  }
0x9a: {  	s5 =	simm.s32 $_size__tile_overlayer_lowered;
	s6 =	simm.s32 $_tile_overlayer_lowered  }
0x9b: {  	s22 =	simm.s32 $0x1BFF;
	s21 =	sshll.u32 s6, $0x1;
	s3 =	sadd.s32 s4, s19  }
0x9c: {  	s7 =	simm.s32 $0x0;
	s20 =	sshll.u32 s5, $0x1;
	s5 =	sadd.s32 s21, s3  }
0x9d: {  	[timem:s7], [sflag:s22] =	dma.local [hbm:s5], s20  }
0x9e: {  	_ =	swait.ge [sflag:s22], s20  }
0x9f: {  	s4 =	ssub.s32 $0x0, s20;
	[sflag:s22] =	ssyncset.done $0x0  }
0xa0: {  	[sflag:s22] =	ssyncadd.s32 s4;
	_ =	sdelay $0x1  }
0xa1: {  	s23 =	simm.s32 $0x1B8B  }
0xa2: {  	_ =	swait.ge [sflag:s23], $0x1  }
0xa3: {  	[sflag:s23] =	ssyncset.done $0x0  }
0xa4: {  	s25 =	simm.s32 $0x1B8E;
	s24 =	sld [smem:$0x3FFE];
	[sflag:s23] =	ssyncadd.s32 $0xFFFFFFFF  }
0xa5: {  	s26 =	simm.s32 $execute0_lowered;
	[smem:$0x3FD2] =	sst s25  }
0xa6: {  	s5 =	sshll.u32 s26, $0x1;
	_ =	strace $0x80000046;
	[dreg:$0x1] =	wrdreg $0xFFFFFFFF  }
0xa7: {  	s28 =	simm.s32 $_size_execute0_lowered;
	s3 =	sadd.s32 s3, s5;
	[dreg:$0x0] =	wrdreg $0x0  }
0xa8: {  	s5 =	sshll.u32 s28, $0x1;
	[dreg:$0x2] =	wrdreg s3  }
0xa9: {  	[dreg:$0x3] =	wrdreg s5  }
0xaa: {  	[dreg:$0x4] =	wrdreg $0xC0  }
0xab: {  	_ =	task [dreg:s7], $0x5FFFF  }
0xac: {  	[dreg:$0x1] =	wrdreg $0xFFFFFFFF  }
0xad: {  	[dreg:$0x0] =	wrdreg $0x60  }
0xae: {  	[dreg:$0x2] =	wrdreg s2  }
0xaf: {  	[dreg:$0x3] =	wrdreg s24  }
0xb0: {  	[dreg:$0x4] =	wrdreg $0xA8000  }
0xb1: {  	[dreg:$0x5] =	wrdreg $0x9  }
0xb2: {  	_ =	task.clear_ibuf [dreg:s7], $0x6FFFF;
	_ =	strace $0x90000046  }
0xb3: {  	s29 =	simm.s32 $0x9;
	_ =	strace $0x80000048  }
0xb4: {  	_ =	swait.ge [sflag:s29], $0x1  }
0xb5: {  	[sflag:s29] =	ssyncadd.s32 $0xFFFFFFFF  }
0xb6: {  	_ =	strace $0x90000048  }
0xb7: {  	_ =	sfence  }
0xb8: {  	s30 =	sld [smem:$0x0];
	_ =	sdelay $0x2  }
0xb9: {  	s31 =	sshll.u32 s1, $0xD;
	s1 =	sshrl.u32 s1, $0x2  }
0xba: {  	s3 =	sand.u32 $0x4000, s31;
	s1 =	sadd.s32 s1, s30  }
0xbb: {  	s0 =	sor.u32 s3, s0;
	s1 =	sshll.u32 s1, $0x11  }
0xbc: {  	s0 =	sor.u32 s1, s0  }
0xbd: {  	s0 =	sadd.s32 $0x8F2B, s0  }
0xbe: {  	[sflag:s0] =	ssyncadd.remote.s32 $0x1  }
0xbf: {  	_ =	sfence.sel $0xFFFF  }
0xc0: {  	[dreg:$0x0] =	wrdreg $0xFFFFFFFF;
	(pc) =	sbr.abs _section_cstart, $3  }
0xc1: {  	[dreg:$0x1] =	wrdreg $0xFFFFFFFF  }
0xc2: {  	_ =	task.clear_ibuf [dreg:s7], $0x2FFFF;
	_ =	strace $0x9FFFFFFF  }
0xc3: {  	(tm) =	ssettm $0x7FFFFFFF  }
tec
execute0_lowered:
.L_overlay_start_1:
0x0: {  	(tag) =	ssettag $0x1  }
0x1: {  	s9 =	rddreg [dreg:$0x0]  }
0x2: {  	s4 =	rddreg [dreg:$0x1]  }
0x3: {  	s2 =	rddreg [dreg:$0x2];
	s3 =	srdreg.scid  }
0x4: {  	s0 =	rddreg [dreg:$0x3];
	s1 =	stileid.u32;
	s20 =	simm.s32 $0x0  }
0x5: {  	s10 =	sand.u32 $0x1, s3;
	s3 =	simm.s32 $0x0;
	s6 =	smul.u32 $0x50000, s1  }
0x6: {  	s11 =	smul.u32 $0x14000, s1;
	s14 =	sadd.s32 $0x15E00, s4;
	s19 =	sshll.u32 s1, $0xB  }
0x7: {  	s5 =	ssub.s32 $0x2, s10;
	[smem:$0x7FF] =	sst s3;
	s18 =	smul.u32 $0x140000, s10  }
0x8: {  	s10 =	sshll.u32 s10, $0xF;
	s9 =	sadd.s32 s9, s19;
	s19 =	simm.s32 $0x4000  }
0x9: {  	s7 =	sshrl.u32 s5, $0x1;
	_ =	strace $0x80000047;
	s28 =	sshrl.u32 s6, $0x2  }
0xa: {  	s12 =	sadd.s32 $0x4000, s11;
	s13 =	sadd.s32 $0x8000, s11;
	s16 =	sadd.s32 $0xC000, s11  }
0xb: {  	s17 =	sadd.s32 $0x10000, s11;
	s9 =	sadd.s32 s10, s9;
	s15 =	ssub.s32 s5, s7  }
0xc: {  	s4 =	sadd.s32 s28, s2;
	s5 =	sadd.s32 s12, s2;
	s6 =	sadd.s32 s13, s2  }
0xd: {  	s7 =	sadd.s32 s16, s2;
	s8 =	sadd.s32 s17, s2;
	s11 =	sadd.s32 s11, s18  }
0xe: {  	s12 =	sadd.s32 s18, s12;
	s29 =	sadd.s32 s18, s13;
	s30 =	sadd.s32 s18, s16  }
0xf: {  	s31 =	sadd.s32 s18, s17;
	s17 =	simm.s32 $0x1;
	s18 =	simm.s32 $0x50  }
0x10: {  	s11 =	sshrl.u32 s11, $0x3;
	s12 =	sshrl.u32 s12, $0x3;
	s13 =	sshrl.u32 s30, $0x3  }
0x11: {  	s16 =	sshrl.u32 s31, $0x3;
	s15 =	smax.u32 s15, $0x1;
	s10 =	sadd.s32 s14, s11  }
0x12: {  	s11 =	sadd.s32 s14, s12;
	s12 =	sshrl.u32 s29, $0x3;
	s13 =	sadd.s32 s14, s13  }
0x13: {  	v0 =	vimm.f32 $1.000000000e+00;
	v1 =	vimm.f32 $0.0e+00;
	s12 =	sadd.s32 s14, s12;
	s14 =	sadd.s32 s14, s16;
	s16 =	simm.s32 $0x6800  }
.LBB2_1:
0x14: {  	s21 =	simm.s32 $0x0  }
.LBB2_2:
0x15: {  	p0 =	sne.s32 s21, $0x9E00  }
.Ltmp0:
0x16: {  	_ = 	snop;
	(pc) =	sbr.rel @p0 .LBB2_2-.Ltmp0, $3  }
0x17: {  	_ =	sdelay $0x1  }
0x18: {  	s22 =	sshra.s32 s21, $0x2  }
0x19: {  	s21 =	sadd.s32 $0x200, s21;
	[tilespmem:s22+$0x4000] =	vst v0  }
0x1a: {  	s21 =	simm.s32 $0x200;
	s22 =	simm.s32 $0x0  }
.LBB2_4:
0x1b: {  	p0 =	sne.s32 s21, $0xFE00;
	[tilespmem:s22+$0x6800] =	vst v1;
	s22 =	smov.u32 s21;
	s21 =	sadd.s32 $0x200, s21  }
.Ltmp1:
0x1c: {  	(pc) =	sbr.rel @p0 .LBB2_4-.Ltmp1, $2  }
0x1d: {  	_ =	sdelay $0x2  }
0x1e: {  	s22 =	sshra.s32 s22, $0x2  }
0x1f: {  	[tilespmem:s22+$0x6800] =	vst v1  }
0x20: {  	[spmem:s4] =	stream.linear.scatter [tilespmem:s16], [sflag:$0x1], $0x4000, $0x38;
	[tilespmem:$0xD000] =	vst v63  }
0x21: {  	_ =	swait.ge [sflag:s17], $0x4000  }
0x22: {  	[sflag:s17] =	ssyncset.done $0x0  }
0x23: {  	[sflag:s17] =	ssyncadd.s32 $0xFFFFC000  }
0x24: {  	[spmem:s5] =	stream.linear.scatter [tilespmem:s16], [sflag:$0x1], $0x4000, $0x38;
	[tilespmem:$0xD000] =	vst v63  }
0x25: {  	_ =	swait.ge [sflag:s17], $0x4000  }
0x26: {  	[sflag:s17] =	ssyncset.done $0x0  }
0x27: {  	[sflag:s17] =	ssyncadd.s32 $0xFFFFC000  }
0x28: {  	[spmem:s6] =	stream.linear.scatter [tilespmem:s16], [sflag:$0x1], $0x4000, $0x38;
	[tilespmem:$0xD000] =	vst v63  }
0x29: {  	_ =	swait.ge [sflag:s17], $0x4000  }
0x2a: {  	[sflag:s17] =	ssyncset.done $0x0  }
0x2b: {  	[sflag:s17] =	ssyncadd.s32 $0xFFFFC000  }
0x2c: {  	[spmem:s7] =	stream.linear.scatter [tilespmem:s16], [sflag:$0x1], $0x4000, $0x38;
	[tilespmem:$0xD000] =	vst v63  }
0x2d: {  	_ =	swait.ge [sflag:s17], $0x4000  }
0x2e: {  	[sflag:s17] =	ssyncset.done $0x0  }
0x2f: {  	[sflag:s17] =	ssyncadd.s32 $0xFFFFC000  }
0x30: {  	[spmem:s8] =	stream.linear.scatter [tilespmem:s16], [sflag:$0x1], $0x4000, $0x38;
	[tilespmem:$0xD000] =	vst v63  }
0x31: {  	_ =	swait.ge [sflag:s17], $0x4000  }
0x32: {  	[sflag:s17] =	ssyncset.done $0x0  }
0x33: {  	[sflag:s17] =	ssyncadd.s32 $0xFFFFC000  }
0x34: {  	s21 =	simm.s32 $0x0;
	[bflag:$0x0] =	sbarrier.arrive $0xFFFF  }
0x35: {  	[tilespmem:s21], [sflag:$0x1] =	stream.linear.gather [hbm4b:s9+s21], $0x3E80, $0x38;
	[tilespmem:$0xD000] =	vst v63  }
0x36: {  	_ =	swait.ge [sflag:s17], $0x3E80  }
0x37: {  	[sflag:s17] =	ssyncset.done $0x0  }
0x38: {  	s31 =	simm.s32 $0x0;
	[sflag:s17] =	ssyncadd.s32 $0xFFFFC180  }
0x39: {  	[spmem:s2] =	stream.indirect.scatter.add.f32 [tilespmem:s19], [sflag:$0x1], $0x10, s31, s18, $0xb8;
	[tilespmem:$0xD000] =	vst v63  }
0x3a: {  	_ =	swait.ge [sflag:s17], $0x500  }
0x3b: {  	s21 =	simm.s32 $0x200;
	[sflag:s17] =	ssyncset.done $0x0  }
.LBB2_6:
0x3c: {  	s22 =	sshra.s32 s21, $0x2;
	[sflag:s17] =	ssyncadd.s32 $0xFFFFFB00;
	p0 =	sne.s32 s21, $0xF800  }
0x3d: {  	[spmem:s2] =	stream.indirect.scatter.add.f32 [tilespmem:s19], [sflag:$0x1], $0x10, s22, s18, $0xb8;
	[tilespmem:$0xD000] =	vst v63  }
.Ltmp2:
0x3e: {  	_ = 	snop;
	(pc) =	sbr.rel @p0 .LBB2_6-.Ltmp2, $4  }
0x3f: {  	_ = 	snop  }
0x40: {  	s21 =	sadd.s32 $0x200, s21  }
0x41: {  	_ =	swait.ge [sflag:s17], $0x500  }
0x42: {  	[sflag:s17] =	ssyncset.done $0x0  }
0x43: {  	[sflag:s17] =	ssyncadd.s32 $0xFFFFFB00  }
0x44: {  	[bflag:$0x0] =	sbarrier.arrive $0xFFFF  }
0x45: {  	[tilespmem:s16], [sflag:$0x1] =	stream.linear.gather [spmem:s4], $0x4000, $0x38;
	[tilespmem:$0xD000] =	vst v63  }
0x46: {  	_ =	swait.ge [sflag:s17], $0x4000  }
0x47: {  	[sflag:s17] =	ssyncset.done $0x0  }
0x48: {  	[sflag:s17] =	ssyncadd.s32 $0xFFFFC000  }
0x49: {  	[hbm4b:s10+s3] =	stream.linear.scatter [tilespmem:s16], [sflag:$0x1], $0x4000, $0x38;
	[tilespmem:$0xD000] =	vst v63  }
0x4a: {  	_ =	swait.ge [sflag:s17], $0x4000  }
0x4b: {  	[sflag:s17] =	ssyncset.done $0x0  }
0x4c: {  	[sflag:s17] =	ssyncadd.s32 $0xFFFFC000  }
0x4d: {  	[tilespmem:s16], [sflag:$0x1] =	stream.linear.gather [spmem:s5], $0x4000, $0x38;
	[tilespmem:$0xD000] =	vst v63  }
0x4e: {  	_ =	swait.ge [sflag:s17], $0x4000  }
0x4f: {  	[sflag:s17] =	ssyncset.done $0x0  }
0x50: {  	[sflag:s17] =	ssyncadd.s32 $0xFFFFC000  }
0x51: {  	[hbm4b:s11+s3] =	stream.linear.scatter [tilespmem:s16], [sflag:$0x1], $0x4000, $0x38;
	[tilespmem:$0xD000] =	vst v63  }
0x52: {  	_ =	swait.ge [sflag:s17], $0x4000  }
0x53: {  	[sflag:s17] =	ssyncset.done $0x0  }
0x54: {  	[sflag:s17] =	ssyncadd.s32 $0xFFFFC000  }
0x55: {  	[tilespmem:s16], [sflag:$0x1] =	stream.linear.gather [spmem:s6], $0x4000, $0x38;
	[tilespmem:$0xD000] =	vst v63  }
0x56: {  	_ =	swait.ge [sflag:s17], $0x4000  }
0x57: {  	[sflag:s17] =	ssyncset.done $0x0  }
0x58: {  	[sflag:s17] =	ssyncadd.s32 $0xFFFFC000  }
0x59: {  	[hbm4b:s12+s3] =	stream.linear.scatter [tilespmem:s16], [sflag:$0x1], $0x4000, $0x38;
	[tilespmem:$0xD000] =	vst v63  }
0x5a: {  	_ =	swait.ge [sflag:s17], $0x4000  }
0x5b: {  	[sflag:s17] =	ssyncset.done $0x0  }
0x5c: {  	[sflag:s17] =	ssyncadd.s32 $0xFFFFC000  }
0x5d: {  	[tilespmem:s16], [sflag:$0x1] =	stream.linear.gather [spmem:s7], $0x4000, $0x38;
	[tilespmem:$0xD000] =	vst v63  }
0x5e: {  	_ =	swait.ge [sflag:s17], $0x4000  }
0x5f: {  	[sflag:s17] =	ssyncset.done $0x0  }
0x60: {  	[sflag:s17] =	ssyncadd.s32 $0xFFFFC000  }
0x61: {  	[hbm4b:s13+s3] =	stream.linear.scatter [tilespmem:s16], [sflag:$0x1], $0x4000, $0x38;
	[tilespmem:$0xD000] =	vst v63  }
0x62: {  	_ =	swait.ge [sflag:s17], $0x4000  }
0x63: {  	[sflag:s17] =	ssyncset.done $0x0  }
0x64: {  	[sflag:s17] =	ssyncadd.s32 $0xFFFFC000  }
0x65: {  	[tilespmem:s16], [sflag:$0x1] =	stream.linear.gather [spmem:s8], $0x4000, $0x38;
	[tilespmem:$0xD000] =	vst v63  }
0x66: {  	s20 =	sadd.s32 $0x1, s20;
	_ =	swait.ge [sflag:s17], $0x4000  }
0x67: {  	p0 =	sne.s32 s20, s15;
	[sflag:s17] =	ssyncset.done $0x0  }
.Ltmp3:
0x68: {  	[sflag:s17] =	ssyncadd.s32 $0xFFFFC000;
	(pc) =	sbr.rel @p0 .LBB2_1-.Ltmp3, $4  }
0x69: {  	[hbm4b:s14+s3] =	stream.linear.scatter [tilespmem:s16], [sflag:$0x1], $0x4000, $0x38;
	[tilespmem:$0xD000] =	vst v63  }
0x6a: {  	_ =	swait.ge [sflag:s17], $0x4000  }
0x6b: {  	[sflag:s17] =	ssyncset.done $0x0  }
0x6c: {  	[sflag:s17] =	ssyncadd.s32 $0xFFFFC000  }
0x6d: {  	_ =	sfence.sel $0x180000  }
0x6e: {  	[bflag:$0x0] =	sbarrier.arrive $0xFFFF  }
0x6f: {  	p0 =	sne.s32 s1, $0x0;
	_ =	strace $0x90000047  }
0x70: {  	s0 =	sadd.s32 @!p0 $0x100000, s0;
	[bflag:$0x2] =	sbarrier.arrive $0xFFFF  }
0x71: {  	[sflag:s0] =	ssyncadd.tile.s32 @!p0 $0x1;
	_ =	shalt  }
.Lfunc_end2:
_tile_overlayer_lowered:
.L_overlay_start_2:
0x72: {  	(tag) =	ssettag $0x2  }
0x73: {  	s0 =	rddreg [dreg:$0x0];
	s2 =	stileid.u32  }
0x74: {  	s1 =	rddreg [dreg:$0x1];
	p0 =	sne.s32 s2, $0x0  }
0x75: {  	s3 =	rddreg [dreg:$0x2];
	[bflag:$0x3] =	sbarrier.arrive $0xFFFF;
	s2 =	simm.s32 @!p0 $0x1C01  }
0x76: {  	[timem:s3], [sflag:s2] =	dma.local @!p0 [hbm:s0], s1  }
0x77: {  	s0 =	simm.s32 @!p0 $0x1  }
0x78: {  	_ =	swait.ge @!p0 [sflag:s0], s1  }
0x79: {  	s1 =	ssub.s32 @!p0 $0x0, s1;
	[sflag:s0] =	ssyncset.done @!p0 $0x0  }
0x7a: {  	[sflag:s0] =	ssyncadd.s32 @!p0 s1  }
0x7b: {  	[bflag:$0x3] =	sbarrier.arrive $0xFFFF  }
0x7c: {  	_ =	shalt  }

</sc_bundles>
